<compile_context>
chip_gen: v7x
topology: tpu7x:2x2x1
jax: 0.10.2.dev20260603
libtpu: 0.0.44.dev20260713+nightly
codegen_flags: <defaults>
</compile_context>

<pallas_src>
import functools

import jax
import jax.numpy as jnp
from jax import lax
from jax.experimental import pallas as pl
from jax.experimental.pallas import tpu as pltpu
from jax.experimental.pallas import tpu_sc as plsc

K = 10
F = 64
BIG = 1e30
IMAX = 2**31 - 1

_NC = 2
_NS = 16
_NW = _NC * _NS


def _prelu(z, a):
    return jnp.where(z >= 0, z, a * z)



def _knn_body(n, npc, tm, ft_ref, f_ref, sqr_ref, sqc_ref, ind_ref):
    f = f_ref[...]
    ft = ft_ref[...]
    s = (sqr_ref[...] + sqc_ref[...]) - 2.0 * jnp.dot(
        f, ft, preferred_element_type=jnp.float32)
    col1 = lax.broadcasted_iota(jnp.int32, (1, npc), 1)
    s = jnp.where(col1 < n, s, BIG)
    col = lax.broadcasted_iota(jnp.int32, (tm, npc), 1)
    idxs = []
    for _ in range(K):
        m = jnp.min(s, axis=1, keepdims=True)
        cand = jnp.where(s <= m, col, IMAX)
        idx = jnp.min(cand, axis=1, keepdims=True)
        idxs.append(idx)
        s = jnp.where(col == idx, BIG, s)
    ind_ref[...] = jnp.concatenate(idxs, axis=1)


def _knn(f, ft, sqr, sqc, tm):
    n, c = f.shape
    npc = ft.shape[1]
    grid = (n // tm,)
    return pl.pallas_call(
        functools.partial(_knn_body, n, npc, tm),
        grid=grid,
        in_specs=[
            pl.BlockSpec((c, npc), lambda i: (0, 0)),
            pl.BlockSpec((tm, c), lambda i: (i, 0)),
            pl.BlockSpec((tm, 1), lambda i: (i, 0)),
            pl.BlockSpec((1, npc), lambda i: (0, 0)),
        ],
        out_specs=pl.BlockSpec((tm, K), lambda i: (i, 0)),
        out_shape=jax.ShapeDtypeStruct((n, K), jnp.int32),
    )(ft, f, sqr, sqc)



_CH = 784


def _make_sc_gather(bp, nrows):
    b_per_w = bp // _NW
    ch = _CH
    nch = b_per_w // ch
    assert ch * nch == b_per_w and ch % 8 == 0

    @functools.partial(
        pl.kernel,
        out_type=jax.ShapeDtypeStruct((bp, 128), jnp.float32),
        mesh=plsc.VectorSubcoreMesh(core_axis_name="c", subcore_axis_name="s"),
        scratch_types=[
            pltpu.VMEM((ch,), jnp.int32),
            pltpu.VMEM((ch, 128), jnp.float32),
            pltpu.SemaphoreType.DMA,
        ],
    )
    def gather_k(table_hbm, idx_hbm, out_hbm, idx_v, rows_v, sem):
        wid = lax.axis_index("s") * _NC + lax.axis_index("c")
        base = wid * b_per_w
        for cidx in range(nch):
            off = base + cidx * ch
            pltpu.sync_copy(idx_hbm.at[pl.ds(off, ch)], idx_v)
            pltpu.async_copy(table_hbm.at[idx_v], rows_v, sem).wait()
            pltpu.sync_copy(rows_v, out_hbm.at[pl.ds(off, ch)])

    return gather_k


def _gather_rows(table, ind):
    n = table.shape[0]
    blk = _NW * _CH
    bp = ((K * n + blk - 1) // blk) * blk
    idx = ind.T.reshape(-1)
    idx = jnp.pad(idx, (0, bp - K * n))
    rows = _make_sc_gather(bp, n)(table, idx)
    return rows[:K * n].reshape(K, n, 128)



def _edge_body(c, g_ref, f_ref, w1_ref, w2_ref, a1_ref, a2_ref, out_ref):
    f = f_ref[...]
    w1 = w1_ref[...]
    w2 = w2_ref[...]
    a1 = a1_ref[0]
    a2 = a2_ref[0]
    acc = None
    for k in range(K):
        d = g_ref[k][:, :c] - f
        z = jnp.concatenate([d, f], axis=1)
        h = _prelu(jnp.dot(z, w1, preferred_element_type=jnp.float32), a1)
        e = jnp.dot(h, w2, preferred_element_type=jnp.float32)
        acc = e if acc is None else jnp.maximum(acc, e)
    out_ref[...] = _prelu(acc, a2)


def _edge(g, f, w1t, w2t, a1, a2, tm):
    n, c = f.shape
    grid = (n // tm,)
    return pl.pallas_call(
        functools.partial(_edge_body, c),
        grid=grid,
        in_specs=[
            pl.BlockSpec((K, tm, 128), lambda i: (0, i, 0)),
            pl.BlockSpec((tm, c), lambda i: (i, 0)),
            pl.BlockSpec(w1t.shape, lambda i: (0, 0)),
            pl.BlockSpec((F, F), lambda i: (0, 0)),
            pl.BlockSpec(memory_space=pltpu.SMEM),
            pl.BlockSpec(memory_space=pltpu.SMEM),
        ],
        out_specs=pl.BlockSpec((tm, F), lambda i: (i, 0)),
        out_shape=jax.ShapeDtypeStruct((n, F), jnp.float32),
    )(g, f, w1t, w2t, a1, a2)



def _edge3_body(c, g_ref, f_ref, w5_ref, a5_ref, out_ref):
    f = f_ref[...]
    w5 = w5_ref[...]
    acc = None
    for k in range(K):
        d = g_ref[k][:, :c] - f
        z = jnp.concatenate([d, f], axis=1)
        t = jnp.dot(z, w5, preferred_element_type=jnp.float32)
        acc = t if acc is None else jnp.maximum(acc, t)
    out_ref[...] = _prelu(acc, a5_ref[0])


def _edge3(g, f, w5t, a5, tm):
    n, c = f.shape
    grid = (n // tm,)
    return pl.pallas_call(
        functools.partial(_edge3_body, c),
        grid=grid,
        in_specs=[
            pl.BlockSpec((K, tm, 128), lambda i: (0, i, 0)),
            pl.BlockSpec((tm, c), lambda i: (i, 0)),
            pl.BlockSpec(w5t.shape, lambda i: (0, 0)),
            pl.BlockSpec(memory_space=pltpu.SMEM),
        ],
        out_specs=pl.BlockSpec((tm, F), lambda i: (i, 0)),
        out_shape=jax.ShapeDtypeStruct((n, F), jnp.float32),
    )(g, f, w5t, a5)



def _gmax_body(x4_ref, w6_ref, o_ref):
    e = jnp.dot(x4_ref[...], w6_ref[...],
                preferred_element_type=jnp.float32)
    m = jnp.max(e, axis=0, keepdims=True)

    @pl.when(pl.program_id(0) == 0)
    def _init():
        o_ref[...] = m

    @pl.when(pl.program_id(0) > 0)
    def _acc():
        o_ref[...] = jnp.maximum(o_ref[...], m)


def _gmax(x4, w6t, tm):
    n, c = x4.shape
    h = w6t.shape[1]
    grid = (n // tm,)
    return pl.pallas_call(
        _gmax_body,
        grid=grid,
        in_specs=[
            pl.BlockSpec((tm, c), lambda i: (i, 0)),
            pl.BlockSpec((c, h), lambda i: (0, 0)),
        ],
        out_specs=pl.BlockSpec((1, h), lambda i: (0, 0)),
        out_shape=jax.ShapeDtypeStruct((1, h), jnp.float32),
    )(x4, w6t)



def _head_body(x123_ref, m_ref, w7a_ref, w7b_ref, w8_ref, w9_ref, w10_ref,
               a6_ref, a7_ref, a8_ref, a9_ref, a10_ref, out_ref):
    x5 = _prelu(m_ref[...], a6_ref[0])
    c = jnp.dot(x5, w7b_ref[...],
                preferred_element_type=jnp.float32)
    t = jnp.dot(x123_ref[...], w7a_ref[...],
                preferred_element_type=jnp.float32) + c
    t = _prelu(t, a7_ref[0])
    t = jnp.dot(t, w8_ref[...], preferred_element_type=jnp.float32)
    t = _prelu(t, a8_ref[0])
    t = jnp.dot(t, w9_ref[...], preferred_element_type=jnp.float32)
    t = _prelu(t, a9_ref[0])
    t = jnp.dot(t, w10_ref[...], preferred_element_type=jnp.float32)
    out_ref[...] = _prelu(t, a10_ref[0])


def _head(x123, m, w7at, w7bt, w8t, w9t, w10t, aa, tm):
    n = x123.shape[0]
    grid = (n // tm,)
    return pl.pallas_call(
        _head_body,
        grid=grid,
        in_specs=[
            pl.BlockSpec((tm, 192), lambda i: (i, 0)),
            pl.BlockSpec((1, 1024), lambda i: (0, 0)),
            pl.BlockSpec((192, 256), lambda i: (0, 0)),
            pl.BlockSpec((1024, 256), lambda i: (0, 0)),
            pl.BlockSpec((256, 256), lambda i: (0, 0)),
            pl.BlockSpec((256, 128), lambda i: (0, 0)),
            pl.BlockSpec((128, 128), lambda i: (0, 0)),
        ] + [pl.BlockSpec(memory_space=pltpu.SMEM)] * 5,
        out_specs=pl.BlockSpec((tm, 128), lambda i: (i, 0)),
        out_shape=jax.ShapeDtypeStruct((n, 128), jnp.float32),
    )(x123, m, w7at, w7bt, w8t, w9t, w10t, *aa)



def _pad_cols_t(f, npc):
    ft = f.T
    return jnp.pad(ft, ((0, 0), (0, npc - ft.shape[1])))


def _sq_rc(f, npc):
    sq = jnp.sum(f ** 2, axis=1)
    return sq.reshape(-1, 1), jnp.pad(sq, (0, npc - sq.shape[0])).reshape(1, npc)


def _pad128(f):
    return jnp.pad(f, ((0, 0), (0, 128 - f.shape[1])))


def kernel(targets, params):
    p = params
    n = targets.shape[0]
    npc = ((n + 127) // 128) * 128
    tm_knn = 200
    tm = 1000

    tg = jnp.where(jnp.isnan(targets) | jnp.isinf(targets),
                   jnp.float32(0.0), targets)
    x = jnp.concatenate([targets, tg], axis=1)

    x0 = jnp.pad(x, ((0, 0), (0, 2)))
    w1t = jnp.zeros((16, F), jnp.float32)
    w1t = w1t.at[0:6].set(p['w1'][:, :6].T).at[8:14].set(p['w1'][:, 6:].T)
    sqr1, sqc1 = _sq_rc(x, npc)
    ind1 = _knn(x0, _pad_cols_t(x0, npc), sqr1, sqc1, tm_knn)
    g1 = _gather_rows(_pad128(x0), ind1)
    x1 = _edge(g1, x0, w1t, p['w2'].T, p['a1'], p['a2'], tm)

    sqr2, sqc2 = _sq_rc(x1, npc)
    ind2 = _knn(x1, _pad_cols_t(x1, npc), sqr2, sqc2, tm_knn)
    g2 = _gather_rows(_pad128(x1), ind2)
    x2 = _edge(g2, x1, p['w3'].T, p['w4'].T, p['a3'], p['a4'], tm)

    sqr3, sqc3 = _sq_rc(x2, npc)
    ind3 = _knn(x2, _pad_cols_t(x2, npc), sqr3, sqc3, tm_knn)
    g3 = _gather_rows(_pad128(x2), ind3)
    x3 = _edge3(g3, x2, p['w5'].T, p['a5'], tm)

    x123 = jnp.concatenate([x1, x2, x3], axis=1)
    m = _gmax(x123, p['w6'].T, tm)
    w7at = p['w7'][:, :192].T
    w7bt = p['w7'][:, 192:].T
    w10t = jnp.pad(p['w10'].T, ((0, 0), (0, 126)))
    aa = (p['a6'], p['a7'], p['a8'], p['a9'], p['a10'])
    out = _head(x123, m, w7at, w7bt, p['w8'].T, p['w9'].T, w10t, aa, tm)

    lr = out[:, :2]
    hidden = jnp.zeros((2, n, 0), dtype=jnp.float32)
    return lr, hidden, x

# --- scband reference (transcript-rebuilt; emitter-appended) ---
"""Pipeline reference for scband-lgd-91336774517539 (READ-ONLY COPY).

The authoritative reference and input builder live on the scoring server;
editing this copy changes nothing except your own understanding.
"""

import jax, jax.numpy as jnp
import numpy as np

N = 10000
K = 10
DIM = 3
NUM_LOSSES = 1
INC = DIM * NUM_LOSSES + DIM  # 6 (concat_input=True)


def _uni(key, shape):
    a = float(np.sqrt(0.75 / shape[1]))
    return jax.random.uniform(key, shape, minval=-a, maxval=a, dtype=jnp.float32)


def prelu(x, a):
    return jnp.where(x >= 0, x, a * x)


def lin(x, w, a):
    return prelu(x @ w.T, a)


def knn_self(x, k):
    xx = jnp.sum(x ** 2, axis=1, keepdims=True)
    d = xx + xx.T - 2.0 * (x @ x.T)
    _, ind = jax.lax.top_k(-d, k)
    return ind


def graph_features(x, k):
    n, c = x.shape
    ind = knn_self(x, k)
    x_ = jnp.broadcast_to(x[:, None, :], (n, k, c))
    feat = jnp.concatenate([x[ind] - x_, x_], axis=-1)
    return feat.reshape(n * k, 2 * c)


def edge_conv(x, layers_fn, k):
    n = x.shape[0]
    f = graph_features(x, k)
    f = layers_fn(f)
    f = f.reshape(n, k, -1)
    return jnp.max(f, axis=1)


def dgcnn(x, p):
    n = x.shape[0]
    x1 = edge_conv(x, lambda z: lin(lin(z, p['w1'], p['a1']), p['w2'], p['a2']), K)
    x2 = edge_conv(x1, lambda z: lin(lin(z, p['w3'], p['a3']), p['w4'], p['a4']), K)
    x3 = edge_conv(x2, lambda z: lin(z, p['w5'], p['a5']), K)
    x4 = jnp.concatenate([x1, x2, x3], axis=-1)
    x5 = lin(x4, p['w6'], p['a6'])
    x5 = jnp.broadcast_to(jnp.max(x5, axis=0, keepdims=True), (n, x5.shape[1]))
    xx = jnp.concatenate([x1, x2, x3, x5], axis=-1)
    xx = lin(xx, p['w7'], p['a7'])   # dropout p=0.2 -> identity (eval)
    xx = lin(xx, p['w8'], p['a8'])
    xx = lin(xx, p['w9'], p['a9'])
    xx = lin(xx, p['w10'], p['a10'])
    return xx


def lgd_forward(targets, params):
    n = targets.shape[0]
    # single quadratic loss: loss_f(t) = 0.5 * sum(t^2)  -> grad = t
    loss_fn = lambda t: 0.5 * jnp.sum(t ** 2)
    tg = jax.grad(loss_fn)(targets)
    tg = jnp.where(jnp.isnan(tg) | jnp.isinf(tg), 0.0, tg)
    tg = jax.lax.stop_gradient(tg)  # torch uses create_graph=False
    x = jnp.concatenate([targets.reshape(n, -1), tg.reshape(n, -1)], axis=1)
    lr = dgcnn(x, params)
    hidden = jnp.zeros((2, n, 0), dtype=jnp.float32)
    return lr, hidden, x


def setup_inputs(seed: int = 0):
    key = jax.random.key(seed)
    ks = jax.random.split(key, 12)
    targets = jax.random.normal(ks[0], (N, DIM), dtype=jnp.float32)
    params = {
        'w1': _uni(ks[1], (64, INC * 2)),
        'w2': _uni(ks[2], (64, 64)),
        'w3': _uni(ks[3], (64, 128)),
        'w4': _uni(ks[4], (64, 64)),
        'w5': _uni(ks[5], (64, 128)),
        'w6': _uni(ks[6], (1024, 192)),
        'w7': _uni(ks[7], (256, 1216)),
        'w8': _uni(ks[8], (256, 256)),
        'w9': _uni(ks[9], (128, 256)),
        'w10': _uni(ks[10], (2, 128)),
    }
    for i in range(1, 11):
        params['a%d' % i] = jnp.full((1,), 0.25, dtype=jnp.float32)
    return {"targets": targets, "params": params}


def reference(targets, params):
    return lgd_forward(targets, params)

if __name__ == "__main__":
    import jax
    _d = setup_inputs()
    print(jax.jit(kernel)(*tuple(_d.values())))

</pallas_src>

<mosaic_0001>
#map = affine_map<(d0, d1) -> (0, 0)>
#map1 = affine_map<(d0, d1) -> (0)>
module attributes {stable_mosaic.version = 14 : i64} {
  func.func @gather_k(%arg0: i32, %arg1: i32, %arg2: memref<10000x128xf32, #tpu.memory_space<hbm>>, %arg3: memref<100352xi32, #tpu.memory_space<hbm>>, %arg4: memref<100352x128xf32, #tpu.memory_space<hbm>>, %arg5: memref<784xi32, #tpu.memory_space<vmem>>, %arg6: memref<784x128xf32, #tpu.memory_space<vmem>>, %arg7: memref<!tpu.dma_semaphore, #tpu.memory_space<semaphore_mem>>) attributes {dimension_semantics = [#tpu.dimension_semantics<core_parallel>, #tpu.dimension_semantics<subcore_parallel>], iteration_bounds = array<i64: 2, 16>, scalar_prefetch = 0 : i64, scratch_operands = 3 : i64, tpu.core_type = #tpu.core_type<sc_vector_subcore>, window_params = [{transform_indices = #map}, {transform_indices = #map1}, {transform_indices = #map}]} {
    %mul3A = arith.constant 2 : i32
    %mul3A_0 = arith.muli %arg1, %mul3A : i32
    %add3A = arith.addi %mul3A_0, %arg0 : i32
    %mul3A_1 = arith.constant 3136 : i32
    %mul3A_2 = arith.muli %add3A, %mul3A_1 : i32
    %add3A_3 = arith.constant 0 : i32
    %add3A_4 = arith.addi %mul3A_2, %add3A_3 : i32
    "tpu.region"() ({
      %run_scoped3A = tpu.sem_alloc : memref<!tpu.dma_semaphore, #tpu.memory_space<semaphore_mem>>
      %dma_start3A_33 = tpu.memref_slice %arg3[%add3A_4] : memref<100352xi32, #tpu.memory_space<hbm>> -> memref<784xi32, #tpu.memory_space<hbm>>
      %dma_start3A_34 = tpu.memref_slice %arg3[%add3A_4] : memref<100352xi32, #tpu.memory_space<hbm>> -> memref<784xi32, #tpu.memory_space<hbm>>
      tpu.enqueue_dma source(%dma_start3A_34 : memref<784xi32, #tpu.memory_space<hbm>>) target(%arg5 : memref<784xi32, #tpu.memory_space<vmem>>) target_semaphore(%run_scoped3A : memref<!tpu.dma_semaphore, #tpu.memory_space<semaphore_mem>>)
      %dma_wait3A_35 = tpu.memref_slice %arg3[%add3A_4] : memref<100352xi32, #tpu.memory_space<hbm>> -> memref<784xi32, #tpu.memory_space<hbm>>
      %dma_wait3A_36 = tpu.memref_slice %arg3[%add3A_4] : memref<100352xi32, #tpu.memory_space<hbm>> -> memref<784xi32, #tpu.memory_space<hbm>>
      tpu.wait_dma2 semaphore(%run_scoped3A : memref<!tpu.dma_semaphore, #tpu.memory_space<semaphore_mem>>) src(%dma_wait3A_36 : memref<784xi32, #tpu.memory_space<hbm>>) dst(%arg5 : memref<784xi32, #tpu.memory_space<vmem>>)
      tpu.yield
    }) : () -> ()
    %dma_start3A = arith.constant 0 : i32
    %dma_start3A_5 = arith.constant 0 : i32
    %dma_start3A_6 = tpu.memref_slice %arg2[%dma_start3A, %dma_start3A_5] : memref<10000x128xf32, #tpu.memory_space<hbm>> -> memref<10000x128xf32, #tpu.memory_space<hbm>>
    tpu.enqueue_indirect_dma source(%dma_start3A_6 : memref<10000x128xf32, #tpu.memory_space<hbm>>) target(%arg6 : memref<784x128xf32, #tpu.memory_space<vmem>>) offsets(%arg5 : memref<784xi32, #tpu.memory_space<vmem>>) semaphore(%arg7 : memref<!tpu.dma_semaphore, #tpu.memory_space<semaphore_mem>>)
    %dma_wait3A = arith.constant 0 : i32
    %dma_wait3A_7 = arith.constant 0 : i32
    %dma_wait3A_8 = tpu.memref_slice %arg2[%dma_wait3A, %dma_wait3A_7] : memref<10000x128xf32, #tpu.memory_space<hbm>> -> memref<10000x128xf32, #tpu.memory_space<hbm>>
    tpu.wait_indirect_dma semaphore(%arg7 : memref<!tpu.dma_semaphore, #tpu.memory_space<semaphore_mem>>) src(%dma_wait3A_8 : memref<10000x128xf32, #tpu.memory_space<hbm>>) dst(%arg6 : memref<784x128xf32, #tpu.memory_space<vmem>>)
    "tpu.region"() ({
      %run_scoped3A = tpu.sem_alloc : memref<!tpu.dma_semaphore, #tpu.memory_space<semaphore_mem>>
      %dma_start3A_33 = arith.constant 0 : i32
      %dma_start3A_34 = tpu.memref_slice %arg4[%add3A_4, %dma_start3A_33] : memref<100352x128xf32, #tpu.memory_space<hbm>> -> memref<784x128xf32, #tpu.memory_space<hbm>>
      %dma_start3A_35 = arith.constant 0 : i32
      %dma_start3A_36 = tpu.memref_slice %arg4[%add3A_4, %dma_start3A_35] : memref<100352x128xf32, #tpu.memory_space<hbm>> -> memref<784x128xf32, #tpu.memory_space<hbm>>
      tpu.enqueue_dma source(%arg6 : memref<784x128xf32, #tpu.memory_space<vmem>>) target(%dma_start3A_36 : memref<784x128xf32, #tpu.memory_space<hbm>>) target_semaphore(%run_scoped3A : memref<!tpu.dma_semaphore, #tpu.memory_space<semaphore_mem>>)
      %dma_wait3A_37 = arith.constant 0 : i32
      %dma_wait3A_38 = tpu.memref_slice %arg4[%add3A_4, %dma_wait3A_37] : memref<100352x128xf32, #tpu.memory_space<hbm>> -> memref<784x128xf32, #tpu.memory_space<hbm>>
      %dma_wait3A_39 = arith.constant 0 : i32
      %dma_wait3A_40 = tpu.memref_slice %arg4[%add3A_4, %dma_wait3A_39] : memref<100352x128xf32, #tpu.memory_space<hbm>> -> memref<784x128xf32, #tpu.memory_space<hbm>>
      tpu.wait_dma2 semaphore(%run_scoped3A : memref<!tpu.dma_semaphore, #tpu.memory_space<semaphore_mem>>) src(%arg6 : memref<784x128xf32, #tpu.memory_space<vmem>>) dst(%dma_wait3A_40 : memref<784x128xf32, #tpu.memory_space<hbm>>)
      tpu.yield
    }) : () -> ()
    %add3A_9 = arith.constant 784 : i32
    %add3A_10 = arith.addi %mul3A_2, %add3A_9 : i32
    "tpu.region"() ({
      %run_scoped3A = tpu.sem_alloc : memref<!tpu.dma_semaphore, #tpu.memory_space<semaphore_mem>>
      %dma_start3A_33 = tpu.memref_slice %arg3[%add3A_10] : memref<100352xi32, #tpu.memory_space<hbm>> -> memref<784xi32, #tpu.memory_space<hbm>>
      %dma_start3A_34 = tpu.memref_slice %arg3[%add3A_10] : memref<100352xi32, #tpu.memory_space<hbm>> -> memref<784xi32, #tpu.memory_space<hbm>>
      tpu.enqueue_dma source(%dma_start3A_34 : memref<784xi32, #tpu.memory_space<hbm>>) target(%arg5 : memref<784xi32, #tpu.memory_space<vmem>>) target_semaphore(%run_scoped3A : memref<!tpu.dma_semaphore, #tpu.memory_space<semaphore_mem>>)
      %dma_wait3A_35 = tpu.memref_slice %arg3[%add3A_10] : memref<100352xi32, #tpu.memory_space<hbm>> -> memref<784xi32, #tpu.memory_space<hbm>>
      %dma_wait3A_36 = tpu.memref_slice %arg3[%add3A_10] : memref<100352xi32, #tpu.memory_space<hbm>> -> memref<784xi32, #tpu.memory_space<hbm>>
      tpu.wait_dma2 semaphore(%run_scoped3A : memref<!tpu.dma_semaphore, #tpu.memory_space<semaphore_mem>>) src(%dma_wait3A_36 : memref<784xi32, #tpu.memory_space<hbm>>) dst(%arg5 : memref<784xi32, #tpu.memory_space<vmem>>)
      tpu.yield
    }) : () -> ()
    %dma_start3A_11 = arith.constant 0 : i32
    %dma_start3A_12 = arith.constant 0 : i32
    %dma_start3A_13 = tpu.memref_slice %arg2[%dma_start3A_11, %dma_start3A_12] : memref<10000x128xf32, #tpu.memory_space<hbm>> -> memref<10000x128xf32, #tpu.memory_space<hbm>>
    tpu.enqueue_indirect_dma source(%dma_start3A_13 : memref<10000x128xf32, #tpu.memory_space<hbm>>) target(%arg6 : memref<784x128xf32, #tpu.memory_space<vmem>>) offsets(%arg5 : memref<784xi32, #tpu.memory_space<vmem>>) semaphore(%arg7 : memref<!tpu.dma_semaphore, #tpu.memory_space<semaphore_mem>>)
    %dma_wait3A_14 = arith.constant 0 : i32
    %dma_wait3A_15 = arith.constant 0 : i32
    %dma_wait3A_16 = tpu.memref_slice %arg2[%dma_wait3A_14, %dma_wait3A_15] : memref<10000x128xf32, #tpu.memory_space<hbm>> -> memref<10000x128xf32, #tpu.memory_space<hbm>>
    tpu.wait_indirect_dma semaphore(%arg7 : memref<!tpu.dma_semaphore, #tpu.memory_space<semaphore_mem>>) src(%dma_wait3A_16 : memref<10000x128xf32, #tpu.memory_space<hbm>>) dst(%arg6 : memref<784x128xf32, #tpu.memory_space<vmem>>)
    "tpu.region"() ({
      %run_scoped3A = tpu.sem_alloc : memref<!tpu.dma_semaphore, #tpu.memory_space<semaphore_mem>>
      %dma_start3A_33 = arith.constant 0 : i32
      %dma_start3A_34 = tpu.memref_slice %arg4[%add3A_10, %dma_start3A_33] : memref<100352x128xf32, #tpu.memory_space<hbm>> -> memref<784x128xf32, #tpu.memory_space<hbm>>
      %dma_start3A_35 = arith.constant 0 : i32
      %dma_start3A_36 = tpu.memref_slice %arg4[%add3A_10, %dma_start3A_35] : memref<100352x128xf32, #tpu.memory_space<hbm>> -> memref<784x128xf32, #tpu.memory_space<hbm>>
      tpu.enqueue_dma source(%arg6 : memref<784x128xf32, #tpu.memory_space<vmem>>) target(%dma_start3A_36 : memref<784x128xf32, #tpu.memory_space<hbm>>) target_semaphore(%run_scoped3A : memref<!tpu.dma_semaphore, #tpu.memory_space<semaphore_mem>>)
      %dma_wait3A_37 = arith.constant 0 : i32
      %dma_wait3A_38 = tpu.memref_slice %arg4[%add3A_10, %dma_wait3A_37] : memref<100352x128xf32, #tpu.memory_space<hbm>> -> memref<784x128xf32, #tpu.memory_space<hbm>>
      %dma_wait3A_39 = arith.constant 0 : i32
      %dma_wait3A_40 = tpu.memref_slice %arg4[%add3A_10, %dma_wait3A_39] : memref<100352x128xf32, #tpu.memory_space<hbm>> -> memref<784x128xf32, #tpu.memory_space<hbm>>
      tpu.wait_dma2 semaphore(%run_scoped3A : memref<!tpu.dma_semaphore, #tpu.memory_space<semaphore_mem>>) src(%arg6 : memref<784x128xf32, #tpu.memory_space<vmem>>) dst(%dma_wait3A_40 : memref<784x128xf32, #tpu.memory_space<hbm>>)
      tpu.yield
    }) : () -> ()
    %add3A_17 = arith.constant 1568 : i32
    %add3A_18 = arith.addi %mul3A_2, %add3A_17 : i32
    "tpu.region"() ({
      %run_scoped3A = tpu.sem_alloc : memref<!tpu.dma_semaphore, #tpu.memory_space<semaphore_mem>>
      %dma_start3A_33 = tpu.memref_slice %arg3[%add3A_18] : memref<100352xi32, #tpu.memory_space<hbm>> -> memref<784xi32, #tpu.memory_space<hbm>>
      %dma_start3A_34 = tpu.memref_slice %arg3[%add3A_18] : memref<100352xi32, #tpu.memory_space<hbm>> -> memref<784xi32, #tpu.memory_space<hbm>>
      tpu.enqueue_dma source(%dma_start3A_34 : memref<784xi32, #tpu.memory_space<hbm>>) target(%arg5 : memref<784xi32, #tpu.memory_space<vmem>>) target_semaphore(%run_scoped3A : memref<!tpu.dma_semaphore, #tpu.memory_space<semaphore_mem>>)
      %dma_wait3A_35 = tpu.memref_slice %arg3[%add3A_18] : memref<100352xi32, #tpu.memory_space<hbm>> -> memref<784xi32, #tpu.memory_space<hbm>>
      %dma_wait3A_36 = tpu.memref_slice %arg3[%add3A_18] : memref<100352xi32, #tpu.memory_space<hbm>> -> memref<784xi32, #tpu.memory_space<hbm>>
      tpu.wait_dma2 semaphore(%run_scoped3A : memref<!tpu.dma_semaphore, #tpu.memory_space<semaphore_mem>>) src(%dma_wait3A_36 : memref<784xi32, #tpu.memory_space<hbm>>) dst(%arg5 : memref<784xi32, #tpu.memory_space<vmem>>)
      tpu.yield
    }) : () -> ()
    %dma_start3A_19 = arith.constant 0 : i32
    %dma_start3A_20 = arith.constant 0 : i32
    %dma_start3A_21 = tpu.memref_slice %arg2[%dma_start3A_19, %dma_start3A_20] : memref<10000x128xf32, #tpu.memory_space<hbm>> -> memref<10000x128xf32, #tpu.memory_space<hbm>>
    tpu.enqueue_indirect_dma source(%dma_start3A_21 : memref<10000x128xf32, #tpu.memory_space<hbm>>) target(%arg6 : memref<784x128xf32, #tpu.memory_space<vmem>>) offsets(%arg5 : memref<784xi32, #tpu.memory_space<vmem>>) semaphore(%arg7 : memref<!tpu.dma_semaphore, #tpu.memory_space<semaphore_mem>>)
    %dma_wait3A_22 = arith.constant 0 : i32
    %dma_wait3A_23 = arith.constant 0 : i32
    %dma_wait3A_24 = tpu.memref_slice %arg2[%dma_wait3A_22, %dma_wait3A_23] : memref<10000x128xf32, #tpu.memory_space<hbm>> -> memref<10000x128xf32, #tpu.memory_space<hbm>>
    tpu.wait_indirect_dma semaphore(%arg7 : memref<!tpu.dma_semaphore, #tpu.memory_space<semaphore_mem>>) src(%dma_wait3A_24 : memref<10000x128xf32, #tpu.memory_space<hbm>>) dst(%arg6 : memref<784x128xf32, #tpu.memory_space<vmem>>)
    "tpu.region"() ({
      %run_scoped3A = tpu.sem_alloc : memref<!tpu.dma_semaphore, #tpu.memory_space<semaphore_mem>>
      %dma_start3A_33 = arith.constant 0 : i32
      %dma_start3A_34 = tpu.memref_slice %arg4[%add3A_18, %dma_start3A_33] : memref<100352x128xf32, #tpu.memory_space<hbm>> -> memref<784x128xf32, #tpu.memory_space<hbm>>
      %dma_start3A_35 = arith.constant 0 : i32
      %dma_start3A_36 = tpu.memref_slice %arg4[%add3A_18, %dma_start3A_35] : memref<100352x128xf32, #tpu.memory_space<hbm>> -> memref<784x128xf32, #tpu.memory_space<hbm>>
      tpu.enqueue_dma source(%arg6 : memref<784x128xf32, #tpu.memory_space<vmem>>) target(%dma_start3A_36 : memref<784x128xf32, #tpu.memory_space<hbm>>) target_semaphore(%run_scoped3A : memref<!tpu.dma_semaphore, #tpu.memory_space<semaphore_mem>>)
      %dma_wait3A_37 = arith.constant 0 : i32
      %dma_wait3A_38 = tpu.memref_slice %arg4[%add3A_18, %dma_wait3A_37] : memref<100352x128xf32, #tpu.memory_space<hbm>> -> memref<784x128xf32, #tpu.memory_space<hbm>>
      %dma_wait3A_39 = arith.constant 0 : i32
      %dma_wait3A_40 = tpu.memref_slice %arg4[%add3A_18, %dma_wait3A_39] : memref<100352x128xf32, #tpu.memory_space<hbm>> -> memref<784x128xf32, #tpu.memory_space<hbm>>
      tpu.wait_dma2 semaphore(%run_scoped3A : memref<!tpu.dma_semaphore, #tpu.memory_space<semaphore_mem>>) src(%arg6 : memref<784x128xf32, #tpu.memory_space<vmem>>) dst(%dma_wait3A_40 : memref<784x128xf32, #tpu.memory_space<hbm>>)
      tpu.yield
    }) : () -> ()
    %add3A_25 = arith.constant 2352 : i32
    %add3A_26 = arith.addi %mul3A_2, %add3A_25 : i32
    "tpu.region"() ({
      %run_scoped3A = tpu.sem_alloc : memref<!tpu.dma_semaphore, #tpu.memory_space<semaphore_mem>>
      %dma_start3A_33 = tpu.memref_slice %arg3[%add3A_26] : memref<100352xi32, #tpu.memory_space<hbm>> -> memref<784xi32, #tpu.memory_space<hbm>>
      %dma_start3A_34 = tpu.memref_slice %arg3[%add3A_26] : memref<100352xi32, #tpu.memory_space<hbm>> -> memref<784xi32, #tpu.memory_space<hbm>>
      tpu.enqueue_dma source(%dma_start3A_34 : memref<784xi32, #tpu.memory_space<hbm>>) target(%arg5 : memref<784xi32, #tpu.memory_space<vmem>>) target_semaphore(%run_scoped3A : memref<!tpu.dma_semaphore, #tpu.memory_space<semaphore_mem>>)
      %dma_wait3A_35 = tpu.memref_slice %arg3[%add3A_26] : memref<100352xi32, #tpu.memory_space<hbm>> -> memref<784xi32, #tpu.memory_space<hbm>>
      %dma_wait3A_36 = tpu.memref_slice %arg3[%add3A_26] : memref<100352xi32, #tpu.memory_space<hbm>> -> memref<784xi32, #tpu.memory_space<hbm>>
      tpu.wait_dma2 semaphore(%run_scoped3A : memref<!tpu.dma_semaphore, #tpu.memory_space<semaphore_mem>>) src(%dma_wait3A_36 : memref<784xi32, #tpu.memory_space<hbm>>) dst(%arg5 : memref<784xi32, #tpu.memory_space<vmem>>)
      tpu.yield
    }) : () -> ()
    %dma_start3A_27 = arith.constant 0 : i32
    %dma_start3A_28 = arith.constant 0 : i32
    %dma_start3A_29 = tpu.memref_slice %arg2[%dma_start3A_27, %dma_start3A_28] : memref<10000x128xf32, #tpu.memory_space<hbm>> -> memref<10000x128xf32, #tpu.memory_space<hbm>>
    tpu.enqueue_indirect_dma source(%dma_start3A_29 : memref<10000x128xf32, #tpu.memory_space<hbm>>) target(%arg6 : memref<784x128xf32, #tpu.memory_space<vmem>>) offsets(%arg5 : memref<784xi32, #tpu.memory_space<vmem>>) semaphore(%arg7 : memref<!tpu.dma_semaphore, #tpu.memory_space<semaphore_mem>>)
    %dma_wait3A_30 = arith.constant 0 : i32
    %dma_wait3A_31 = arith.constant 0 : i32
    %dma_wait3A_32 = tpu.memref_slice %arg2[%dma_wait3A_30, %dma_wait3A_31] : memref<10000x128xf32, #tpu.memory_space<hbm>> -> memref<10000x128xf32, #tpu.memory_space<hbm>>
    tpu.wait_indirect_dma semaphore(%arg7 : memref<!tpu.dma_semaphore, #tpu.memory_space<semaphore_mem>>) src(%dma_wait3A_32 : memref<10000x128xf32, #tpu.memory_space<hbm>>) dst(%arg6 : memref<784x128xf32, #tpu.memory_space<vmem>>)
    "tpu.region"() ({
      %run_scoped3A = tpu.sem_alloc : memref<!tpu.dma_semaphore, #tpu.memory_space<semaphore_mem>>
      %dma_start3A_33 = arith.constant 0 : i32
      %dma_start3A_34 = tpu.memref_slice %arg4[%add3A_26, %dma_start3A_33] : memref<100352x128xf32, #tpu.memory_space<hbm>> -> memref<784x128xf32, #tpu.memory_space<hbm>>
      %dma_start3A_35 = arith.constant 0 : i32
      %dma_start3A_36 = tpu.memref_slice %arg4[%add3A_26, %dma_start3A_35] : memref<100352x128xf32, #tpu.memory_space<hbm>> -> memref<784x128xf32, #tpu.memory_space<hbm>>
      tpu.enqueue_dma source(%arg6 : memref<784x128xf32, #tpu.memory_space<vmem>>) target(%dma_start3A_36 : memref<784x128xf32, #tpu.memory_space<hbm>>) target_semaphore(%run_scoped3A : memref<!tpu.dma_semaphore, #tpu.memory_space<semaphore_mem>>)
      %dma_wait3A_37 = arith.constant 0 : i32
      %dma_wait3A_38 = tpu.memref_slice %arg4[%add3A_26, %dma_wait3A_37] : memref<100352x128xf32, #tpu.memory_space<hbm>> -> memref<784x128xf32, #tpu.memory_space<hbm>>
      %dma_wait3A_39 = arith.constant 0 : i32
      %dma_wait3A_40 = tpu.memref_slice %arg4[%add3A_26, %dma_wait3A_39] : memref<100352x128xf32, #tpu.memory_space<hbm>> -> memref<784x128xf32, #tpu.memory_space<hbm>>
      tpu.wait_dma2 semaphore(%run_scoped3A : memref<!tpu.dma_semaphore, #tpu.memory_space<semaphore_mem>>) src(%arg6 : memref<784x128xf32, #tpu.memory_space<vmem>>) dst(%dma_wait3A_40 : memref<784x128xf32, #tpu.memory_space<hbm>>)
      tpu.yield
    }) : () -> ()
    return
  }
}

#map = affine_map<(d0, d1) -> (0, 0)>
#map1 = affine_map<(d0, d1) -> (0)>
module attributes {stable_mosaic.version = 14 : i64} {
  func.func @gather_k(%arg0: i32, %arg1: i32, %arg2: memref<10000x128xf32, #tpu.memory_space<hbm>>, %arg3: memref<100352xi32, #tpu.memory_space<hbm>>, %arg4: memref<100352x128xf32, #tpu.memory_space<hbm>>, %arg5: memref<784xi32, #tpu.memory_space<vmem>>, %arg6: memref<784x128xf32, #tpu.memory_space<vmem>>, %arg7: memref<!tpu.dma_semaphore, #tpu.memory_space<semaphore_mem>>) attributes {dimension_semantics = [#tpu.dimension_semantics<core_parallel>, #tpu.dimension_semantics<subcore_parallel>], iteration_bounds = array<i64: 2, 16>, scalar_prefetch = 0 : i64, scratch_operands = 3 : i64, tpu.core_type = #tpu.core_type<sc_vector_subcore>, window_params = [{transform_indices = #map}, {transform_indices = #map1}, {transform_indices = #map}]} {
    %mul3A = arith.constant 2 : i32
    %mul3A_0 = arith.muli %arg1, %mul3A : i32
    %add3A = arith.addi %mul3A_0, %arg0 : i32
    %mul3A_1 = arith.constant 3136 : i32
    %mul3A_2 = arith.muli %add3A, %mul3A_1 : i32
    %add3A_3 = arith.constant 0 : i32
    %add3A_4 = arith.addi %mul3A_2, %add3A_3 : i32
    "tpu.region"() ({
      %run_scoped3A = tpu.sem_alloc : memref<!tpu.dma_semaphore, #tpu.memory_space<semaphore_mem>>
      %dma_start3A_33 = tpu.memref_slice %arg3[%add3A_4] : memref<100352xi32, #tpu.memory_space<hbm>> -> memref<784xi32, #tpu.memory_space<hbm>>
      %dma_start3A_34 = tpu.memref_slice %arg3[%add3A_4] : memref<100352xi32, #tpu.memory_space<hbm>> -> memref<784xi32, #tpu.memory_space<hbm>>
      tpu.enqueue_dma source(%dma_start3A_34 : memref<784xi32, #tpu.memory_space<hbm>>) target(%arg5 : memref<784xi32, #tpu.memory_space<vmem>>) target_semaphore(%run_scoped3A : memref<!tpu.dma_semaphore, #tpu.memory_space<semaphore_mem>>)
      %dma_wait3A_35 = tpu.memref_slice %arg3[%add3A_4] : memref<100352xi32, #tpu.memory_space<hbm>> -> memref<784xi32, #tpu.memory_space<hbm>>
      %dma_wait3A_36 = tpu.memref_slice %arg3[%add3A_4] : memref<100352xi32, #tpu.memory_space<hbm>> -> memref<784xi32, #tpu.memory_space<hbm>>
      tpu.wait_dma2 semaphore(%run_scoped3A : memref<!tpu.dma_semaphore, #tpu.memory_space<semaphore_mem>>) src(%dma_wait3A_36 : memref<784xi32, #tpu.memory_space<hbm>>) dst(%arg5 : memref<784xi32, #tpu.memory_space<vmem>>)
      tpu.yield
    }) : () -> ()
    %dma_start3A = arith.constant 0 : i32
    %dma_start3A_5 = arith.constant 0 : i32
    %dma_start3A_6 = tpu.memref_slice %arg2[%dma_start3A, %dma_start3A_5] : memref<10000x128xf32, #tpu.memory_space<hbm>> -> memref<10000x128xf32, #tpu.memory_space<hbm>>
    tpu.enqueue_indirect_dma source(%dma_start3A_6 : memref<10000x128xf32, #tpu.memory_space<hbm>>) target(%arg6 : memref<784x128xf32, #tpu.memory_space<vmem>>) offsets(%arg5 : memref<784xi32, #tpu.memory_space<vmem>>) semaphore(%arg7 : memref<!tpu.dma_semaphore, #tpu.memory_space<semaphore_mem>>)
    %dma_wait3A = arith.constant 0 : i32
    %dma_wait3A_7 = arith.constant 0 : i32
    %dma_wait3A_8 = tpu.memref_slice %arg2[%dma_wait3A, %dma_wait3A_7] : memref<10000x128xf32, #tpu.memory_space<hbm>> -> memref<10000x128xf32, #tpu.memory_space<hbm>>
    tpu.wait_indirect_dma semaphore(%arg7 : memref<!tpu.dma_semaphore, #tpu.memory_space<semaphore_mem>>) src(%dma_wait3A_8 : memref<10000x128xf32, #tpu.memory_space<hbm>>) dst(%arg6 : memref<784x128xf32, #tpu.memory_space<vmem>>)
    "tpu.region"() ({
      %run_scoped3A = tpu.sem_alloc : memref<!tpu.dma_semaphore, #tpu.memory_space<semaphore_mem>>
      %dma_start3A_33 = arith.constant 0 : i32
      %dma_start3A_34 = tpu.memref_slice %arg4[%add3A_4, %dma_start3A_33] : memref<100352x128xf32, #tpu.memory_space<hbm>> -> memref<784x128xf32, #tpu.memory_space<hbm>>
      %dma_start3A_35 = arith.constant 0 : i32
      %dma_start3A_36 = tpu.memref_slice %arg4[%add3A_4, %dma_start3A_35] : memref<100352x128xf32, #tpu.memory_space<hbm>> -> memref<784x128xf32, #tpu.memory_space<hbm>>
      tpu.enqueue_dma source(%arg6 : memref<784x128xf32, #tpu.memory_space<vmem>>) target(%dma_start3A_36 : memref<784x128xf32, #tpu.memory_space<hbm>>) target_semaphore(%run_scoped3A : memref<!tpu.dma_semaphore, #tpu.memory_space<semaphore_mem>>)
      %dma_wait3A_37 = arith.constant 0 : i32
      %dma_wait3A_38 = tpu.memref_slice %arg4[%add3A_4, %dma_wait3A_37] : memref<100352x128xf32, #tpu.memory_space<hbm>> -> memref<784x128xf32, #tpu.memory_space<hbm>>
      %dma_wait3A_39 = arith.constant 0 : i32
      %dma_wait3A_40 = tpu.memref_slice %arg4[%add3A_4, %dma_wait3A_39] : memref<100352x128xf32, #tpu.memory_space<hbm>> -> memref<784x128xf32, #tpu.memory_space<hbm>>
      tpu.wait_dma2 semaphore(%run_scoped3A : memref<!tpu.dma_semaphore, #tpu.memory_space<semaphore_mem>>) src(%arg6 : memref<784x128xf32, #tpu.memory_space<vmem>>) dst(%dma_wait3A_40 : memref<784x128xf32, #tpu.memory_space<hbm>>)
      tpu.yield
    }) : () -> ()
    %add3A_9 = arith.constant 784 : i32
    %add3A_10 = arith.addi %mul3A_2, %add3A_9 : i32
    "tpu.region"() ({
      %run_scoped3A = tpu.sem_alloc : memref<!tpu.dma_semaphore, #tpu.memory_space<semaphore_mem>>
      %dma_start3A_33 = tpu.memref_slice %arg3[%add3A_10] : memref<100352xi32, #tpu.memory_space<hbm>> -> memref<784xi32, #tpu.memory_space<hbm>>
      %dma_start3A_34 = tpu.memref_slice %arg3[%add3A_10] : memref<100352xi32, #tpu.memory_space<hbm>> -> memref<784xi32, #tpu.memory_space<hbm>>
      tpu.enqueue_dma source(%dma_start3A_34 : memref<784xi32, #tpu.memory_space<hbm>>) target(%arg5 : memref<784xi32, #tpu.memory_space<vmem>>) target_semaphore(%run_scoped3A : memref<!tpu.dma_semaphore, #tpu.memory_space<semaphore_mem>>)
      %dma_wait3A_35 = tpu.memref_slice %arg3[%add3A_10] : memref<100352xi32, #tpu.memory_space<hbm>> -> memref<784xi32, #tpu.memory_space<hbm>>
      %dma_wait3A_36 = tpu.memref_slice %arg3[%add3A_10] : memref<100352xi32, #tpu.memory_space<hbm>> -> memref<784xi32, #tpu.memory_space<hbm>>
      tpu.wait_dma2 semaphore(%run_scoped3A : memref<!tpu.dma_semaphore, #tpu.memory_space<semaphore_mem>>) src(%dma_wait3A_36 : memref<784xi32, #tpu.memory_space<hbm>>) dst(%arg5 : memref<784xi32, #tpu.memory_space<vmem>>)
      tpu.yield
    }) : () -> ()
    %dma_start3A_11 = arith.constant 0 : i32
    %dma_start3A_12 = arith.constant 0 : i32
    %dma_start3A_13 = tpu.memref_slice %arg2[%dma_start3A_11, %dma_start3A_12] : memref<10000x128xf32, #tpu.memory_space<hbm>> -> memref<10000x128xf32, #tpu.memory_space<hbm>>
    tpu.enqueue_indirect_dma source(%dma_start3A_13 : memref<10000x128xf32, #tpu.memory_space<hbm>>) target(%arg6 : memref<784x128xf32, #tpu.memory_space<vmem>>) offsets(%arg5 : memref<784xi32, #tpu.memory_space<vmem>>) semaphore(%arg7 : memref<!tpu.dma_semaphore, #tpu.memory_space<semaphore_mem>>)
    %dma_wait3A_14 = arith.constant 0 : i32
    %dma_wait3A_15 = arith.constant 0 : i32
    %dma_wait3A_16 = tpu.memref_slice %arg2[%dma_wait3A_14, %dma_wait3A_15] : memref<10000x128xf32, #tpu.memory_space<hbm>> -> memref<10000x128xf32, #tpu.memory_space<hbm>>
    tpu.wait_indirect_dma semaphore(%arg7 : memref<!tpu.dma_semaphore, #tpu.memory_space<semaphore_mem>>) src(%dma_wait3A_16 : memref<10000x128xf32, #tpu.memory_space<hbm>>) dst(%arg6 : memref<784x128xf32, #tpu.memory_space<vmem>>)
    "tpu.region"() ({
      %run_scoped3A = tpu.sem_alloc : memref<!tpu.dma_semaphore, #tpu.memory_space<semaphore_mem>>
      %dma_start3A_33 = arith.constant 0 : i32
      %dma_start3A_34 = tpu.memref_slice %arg4[%add3A_10, %dma_start3A_33] : memref<100352x128xf32, #tpu.memory_space<hbm>> -> memref<784x128xf32, #tpu.memory_space<hbm>>
      %dma_start3A_35 = arith.constant 0 : i32
      %dma_start3A_36 = tpu.memref_slice %arg4[%add3A_10, %dma_start3A_35] : memref<100352x128xf32, #tpu.memory_space<hbm>> -> memref<784x128xf32, #tpu.memory_space<hbm>>
      tpu.enqueue_dma source(%arg6 : memref<784x128xf32, #tpu.memory_space<vmem>>) target(%dma_start3A_36 : memref<784x128xf32, #tpu.memory_space<hbm>>) target_semaphore(%run_scoped3A : memref<!tpu.dma_semaphore, #tpu.memory_space<semaphore_mem>>)
      %dma_wait3A_37 = arith.constant 0 : i32
      %dma_wait3A_38 = tpu.memref_slice %arg4[%add3A_10, %dma_wait3A_37] : memref<100352x128xf32, #tpu.memory_space<hbm>> -> memref<784x128xf32, #tpu.memory_space<hbm>>
      %dma_wait3A_39 = arith.constant 0 : i32
      %dma_wait3A_40 = tpu.memref_slice %arg4[%add3A_10, %dma_wait3A_39] : memref<100352x128xf32, #tpu.memory_space<hbm>> -> memref<784x128xf32, #tpu.memory_space<hbm>>
      tpu.wait_dma2 semaphore(%run_scoped3A : memref<!tpu.dma_semaphore, #tpu.memory_space<semaphore_mem>>) src(%arg6 : memref<784x128xf32, #tpu.memory_space<vmem>>) dst(%dma_wait3A_40 : memref<784x128xf32, #tpu.memory_space<hbm>>)
      tpu.yield
    }) : () -> ()
    %add3A_17 = arith.constant 1568 : i32
    %add3A_18 = arith.addi %mul3A_2, %add3A_17 : i32
    "tpu.region"() ({
      %run_scoped3A = tpu.sem_alloc : memref<!tpu.dma_semaphore, #tpu.memory_space<semaphore_mem>>
      %dma_start3A_33 = tpu.memref_slice %arg3[%add3A_18] : memref<100352xi32, #tpu.memory_space<hbm>> -> memref<784xi32, #tpu.memory_space<hbm>>
      %dma_start3A_34 = tpu.memref_slice %arg3[%add3A_18] : memref<100352xi32, #tpu.memory_space<hbm>> -> memref<784xi32, #tpu.memory_space<hbm>>
      tpu.enqueue_dma source(%dma_start3A_34 : memref<784xi32, #tpu.memory_space<hbm>>) target(%arg5 : memref<784xi32, #tpu.memory_space<vmem>>) target_semaphore(%run_scoped3A : memref<!tpu.dma_semaphore, #tpu.memory_space<semaphore_mem>>)
      %dma_wait3A_35 = tpu.memref_slice %arg3[%add3A_18] : memref<100352xi32, #tpu.memory_space<hbm>> -> memref<784xi32, #tpu.memory_space<hbm>>
      %dma_wait3A_36 = tpu.memref_slice %arg3[%add3A_18] : memref<100352xi32, #tpu.memory_space<hbm>> -> memref<784xi32, #tpu.memory_space<hbm>>
      tpu.wait_dma2 semaphore(%run_scoped3A : memref<!tpu.dma_semaphore, #tpu.memory_space<semaphore_mem>>) src(%dma_wait3A_36 : memref<784xi32, #tpu.memory_space<hbm>>) dst(%arg5 : memref<784xi32, #tpu.memory_space<vmem>>)
      tpu.yield
    }) : () -> ()
    %dma_start3A_19 = arith.constant 0 : i32
    %dma_start3A_20 = arith.constant 0 : i32
    %dma_start3A_21 = tpu.memref_slice %arg2[%dma_start3A_19, %dma_start3A_20] : memref<10000x128xf32, #tpu.memory_space<hbm>> -> memref<10000x128xf32, #tpu.memory_space<hbm>>
    tpu.enqueue_indirect_dma source(%dma_start3A_21 : memref<10000x128xf32, #tpu.memory_space<hbm>>) target(%arg6 : memref<784x128xf32, #tpu.memory_space<vmem>>) offsets(%arg5 : memref<784xi32, #tpu.memory_space<vmem>>) semaphore(%arg7 : memref<!tpu.dma_semaphore, #tpu.memory_space<semaphore_mem>>)
    %dma_wait3A_22 = arith.constant 0 : i32
    %dma_wait3A_23 = arith.constant 0 : i32
    %dma_wait3A_24 = tpu.memref_slice %arg2[%dma_wait3A_22, %dma_wait3A_23] : memref<10000x128xf32, #tpu.memory_space<hbm>> -> memref<10000x128xf32, #tpu.memory_space<hbm>>
    tpu.wait_indirect_dma semaphore(%arg7 : memref<!tpu.dma_semaphore, #tpu.memory_space<semaphore_mem>>) src(%dma_wait3A_24 : memref<10000x128xf32, #tpu.memory_space<hbm>>) dst(%arg6 : memref<784x128xf32, #tpu.memory_space<vmem>>)
    "tpu.region"() ({
      %run_scoped3A = tpu.sem_alloc : memref<!tpu.dma_semaphore, #tpu.memory_space<semaphore_mem>>
      %dma_start3A_33 = arith.constant 0 : i32
      %dma_start3A_34 = tpu.memref_slice %arg4[%add3A_18, %dma_start3A_33] : memref<100352x128xf32, #tpu.memory_space<hbm>> -> memref<784x128xf32, #tpu.memory_space<hbm>>
      %dma_start3A_35 = arith.constant 0 : i32
      %dma_start3A_36 = tpu.memref_slice %arg4[%add3A_18, %dma_start3A_35] : memref<100352x128xf32, #tpu.memory_space<hbm>> -> memref<784x128xf32, #tpu.memory_space<hbm>>
      tpu.enqueue_dma source(%arg6 : memref<784x128xf32, #tpu.memory_space<vmem>>) target(%dma_start3A_36 : memref<784x128xf32, #tpu.memory_space<hbm>>) target_semaphore(%run_scoped3A : memref<!tpu.dma_semaphore, #tpu.memory_space<semaphore_mem>>)
      %dma_wait3A_37 = arith.constant 0 : i32
      %dma_wait3A_38 = tpu.memref_slice %arg4[%add3A_18, %dma_wait3A_37] : memref<100352x128xf32, #tpu.memory_space<hbm>> -> memref<784x128xf32, #tpu.memory_space<hbm>>
      %dma_wait3A_39 = arith.constant 0 : i32
      %dma_wait3A_40 = tpu.memref_slice %arg4[%add3A_18, %dma_wait3A_39] : memref<100352x128xf32, #tpu.memory_space<hbm>> -> memref<784x128xf32, #tpu.memory_space<hbm>>
      tpu.wait_dma2 semaphore(%run_scoped3A : memref<!tpu.dma_semaphore, #tpu.memory_space<semaphore_mem>>) src(%arg6 : memref<784x128xf32, #tpu.memory_space<vmem>>) dst(%dma_wait3A_40 : memref<784x128xf32, #tpu.memory_space<hbm>>)
      tpu.yield
    }) : () -> ()
    %add3A_25 = arith.constant 2352 : i32
    %add3A_26 = arith.addi %mul3A_2, %add3A_25 : i32
    "tpu.region"() ({
      %run_scoped3A = tpu.sem_alloc : memref<!tpu.dma_semaphore, #tpu.memory_space<semaphore_mem>>
      %dma_start3A_33 = tpu.memref_slice %arg3[%add3A_26] : memref<100352xi32, #tpu.memory_space<hbm>> -> memref<784xi32, #tpu.memory_space<hbm>>
      %dma_start3A_34 = tpu.memref_slice %arg3[%add3A_26] : memref<100352xi32, #tpu.memory_space<hbm>> -> memref<784xi32, #tpu.memory_space<hbm>>
      tpu.enqueue_dma source(%dma_start3A_34 : memref<784xi32, #tpu.memory_space<hbm>>) target(%arg5 : memref<784xi32, #tpu.memory_space<vmem>>) target_semaphore(%run_scoped3A : memref<!tpu.dma_semaphore, #tpu.memory_space<semaphore_mem>>)
      %dma_wait3A_35 = tpu.memref_slice %arg3[%add3A_26] : memref<100352xi32, #tpu.memory_space<hbm>> -> memref<784xi32, #tpu.memory_space<hbm>>
      %dma_wait3A_36 = tpu.memref_slice %arg3[%add3A_26] : memref<100352xi32, #tpu.memory_space<hbm>> -> memref<784xi32, #tpu.memory_space<hbm>>
      tpu.wait_dma2 semaphore(%run_scoped3A : memref<!tpu.dma_semaphore, #tpu.memory_space<semaphore_mem>>) src(%dma_wait3A_36 : memref<784xi32, #tpu.memory_space<hbm>>) dst(%arg5 : memref<784xi32, #tpu.memory_space<vmem>>)
      tpu.yield
    }) : () -> ()
    %dma_start3A_27 = arith.constant 0 : i32
    %dma_start3A_28 = arith.constant 0 : i32
    %dma_start3A_29 = tpu.memref_slice %arg2[%dma_start3A_27, %dma_start3A_28] : memref<10000x128xf32, #tpu.memory_space<hbm>> -> memref<10000x128xf32, #tpu.memory_space<hbm>>
    tpu.enqueue_indirect_dma source(%dma_start3A_29 : memref<10000x128xf32, #tpu.memory_space<hbm>>) target(%arg6 : memref<784x128xf32, #tpu.memory_space<vmem>>) offsets(%arg5 : memref<784xi32, #tpu.memory_space<vmem>>) semaphore(%arg7 : memref<!tpu.dma_semaphore, #tpu.memory_space<semaphore_mem>>)
    %dma_wait3A_30 = arith.constant 0 : i32
    %dma_wait3A_31 = arith.constant 0 : i32
    %dma_wait3A_32 = tpu.memref_slice %arg2[%dma_wait3A_30, %dma_wait3A_31] : memref<10000x128xf32, #tpu.memory_space<hbm>> -> memref<10000x128xf32, #tpu.memory_space<hbm>>
    tpu.wait_indirect_dma semaphore(%arg7 : memref<!tpu.dma_semaphore, #tpu.memory_space<semaphore_mem>>) src(%dma_wait3A_32 : memref<10000x128xf32, #tpu.memory_space<hbm>>) dst(%arg6 : memref<784x128xf32, #tpu.memory_space<vmem>>)
    "tpu.region"() ({
      %run_scoped3A = tpu.sem_alloc : memref<!tpu.dma_semaphore, #tpu.memory_space<semaphore_mem>>
      %dma_start3A_33 = arith.constant 0 : i32
      %dma_start3A_34 = tpu.memref_slice %arg4[%add3A_26, %dma_start3A_33] : memref<100352x128xf32, #tpu.memory_space<hbm>> -> memref<784x128xf32, #tpu.memory_space<hbm>>
      %dma_start3A_35 = arith.constant 0 : i32
      %dma_start3A_36 = tpu.memref_slice %arg4[%add3A_26, %dma_start3A_35] : memref<100352x128xf32, #tpu.memory_space<hbm>> -> memref<784x128xf32, #tpu.memory_space<hbm>>
      tpu.enqueue_dma source(%arg6 : memref<784x128xf32, #tpu.memory_space<vmem>>) target(%dma_start3A_36 : memref<784x128xf32, #tpu.memory_space<hbm>>) target_semaphore(%run_scoped3A : memref<!tpu.dma_semaphore, #tpu.memory_space<semaphore_mem>>)
      %dma_wait3A_37 = arith.constant 0 : i32
      %dma_wait3A_38 = tpu.memref_slice %arg4[%add3A_26, %dma_wait3A_37] : memref<100352x128xf32, #tpu.memory_space<hbm>> -> memref<784x128xf32, #tpu.memory_space<hbm>>
      %dma_wait3A_39 = arith.constant 0 : i32
      %dma_wait3A_40 = tpu.memref_slice %arg4[%add3A_26, %dma_wait3A_39] : memref<100352x128xf32, #tpu.memory_space<hbm>> -> memref<784x128xf32, #tpu.memory_space<hbm>>
      tpu.wait_dma2 semaphore(%run_scoped3A : memref<!tpu.dma_semaphore, #tpu.memory_space<semaphore_mem>>) src(%arg6 : memref<784x128xf32, #tpu.memory_space<vmem>>) dst(%dma_wait3A_40 : memref<784x128xf32, #tpu.memory_space<hbm>>)
      tpu.yield
    }) : () -> ()
    return
  }
}

#map = affine_map<(d0, d1) -> (0, 0)>
#map1 = affine_map<(d0, d1) -> (0)>
module attributes {stable_mosaic.version = 14 : i64} {
  func.func @gather_k(%arg0: i32, %arg1: i32, %arg2: memref<10000x128xf32, #tpu.memory_space<hbm>>, %arg3: memref<100352xi32, #tpu.memory_space<hbm>>, %arg4: memref<100352x128xf32, #tpu.memory_space<hbm>>, %arg5: memref<784xi32, #tpu.memory_space<vmem>>, %arg6: memref<784x128xf32, #tpu.memory_space<vmem>>, %arg7: memref<!tpu.dma_semaphore, #tpu.memory_space<semaphore_mem>>) attributes {dimension_semantics = [#tpu.dimension_semantics<core_parallel>, #tpu.dimension_semantics<subcore_parallel>], iteration_bounds = array<i64: 2, 16>, scalar_prefetch = 0 : i64, scratch_operands = 3 : i64, tpu.core_type = #tpu.core_type<sc_vector_subcore>, window_params = [{transform_indices = #map}, {transform_indices = #map1}, {transform_indices = #map}]} {
    %mul3A = arith.constant 2 : i32
    %mul3A_0 = arith.muli %arg1, %mul3A : i32
    %add3A = arith.addi %mul3A_0, %arg0 : i32
    %mul3A_1 = arith.constant 3136 : i32
    %mul3A_2 = arith.muli %add3A, %mul3A_1 : i32
    %add3A_3 = arith.constant 0 : i32
    %add3A_4 = arith.addi %mul3A_2, %add3A_3 : i32
    "tpu.region"() ({
      %run_scoped3A = tpu.sem_alloc : memref<!tpu.dma_semaphore, #tpu.memory_space<semaphore_mem>>
      %dma_start3A_33 = tpu.memref_slice %arg3[%add3A_4] : memref<100352xi32, #tpu.memory_space<hbm>> -> memref<784xi32, #tpu.memory_space<hbm>>
      %dma_start3A_34 = tpu.memref_slice %arg3[%add3A_4] : memref<100352xi32, #tpu.memory_space<hbm>> -> memref<784xi32, #tpu.memory_space<hbm>>
      tpu.enqueue_dma source(%dma_start3A_34 : memref<784xi32, #tpu.memory_space<hbm>>) target(%arg5 : memref<784xi32, #tpu.memory_space<vmem>>) target_semaphore(%run_scoped3A : memref<!tpu.dma_semaphore, #tpu.memory_space<semaphore_mem>>)
      %dma_wait3A_35 = tpu.memref_slice %arg3[%add3A_4] : memref<100352xi32, #tpu.memory_space<hbm>> -> memref<784xi32, #tpu.memory_space<hbm>>
      %dma_wait3A_36 = tpu.memref_slice %arg3[%add3A_4] : memref<100352xi32, #tpu.memory_space<hbm>> -> memref<784xi32, #tpu.memory_space<hbm>>
      tpu.wait_dma2 semaphore(%run_scoped3A : memref<!tpu.dma_semaphore, #tpu.memory_space<semaphore_mem>>) src(%dma_wait3A_36 : memref<784xi32, #tpu.memory_space<hbm>>) dst(%arg5 : memref<784xi32, #tpu.memory_space<vmem>>)
      tpu.yield
    }) : () -> ()
    %dma_start3A = arith.constant 0 : i32
    %dma_start3A_5 = arith.constant 0 : i32
    %dma_start3A_6 = tpu.memref_slice %arg2[%dma_start3A, %dma_start3A_5] : memref<10000x128xf32, #tpu.memory_space<hbm>> -> memref<10000x128xf32, #tpu.memory_space<hbm>>
    tpu.enqueue_indirect_dma source(%dma_start3A_6 : memref<10000x128xf32, #tpu.memory_space<hbm>>) target(%arg6 : memref<784x128xf32, #tpu.memory_space<vmem>>) offsets(%arg5 : memref<784xi32, #tpu.memory_space<vmem>>) semaphore(%arg7 : memref<!tpu.dma_semaphore, #tpu.memory_space<semaphore_mem>>)
    %dma_wait3A = arith.constant 0 : i32
    %dma_wait3A_7 = arith.constant 0 : i32
    %dma_wait3A_8 = tpu.memref_slice %arg2[%dma_wait3A, %dma_wait3A_7] : memref<10000x128xf32, #tpu.memory_space<hbm>> -> memref<10000x128xf32, #tpu.memory_space<hbm>>
    tpu.wait_indirect_dma semaphore(%arg7 : memref<!tpu.dma_semaphore, #tpu.memory_space<semaphore_mem>>) src(%dma_wait3A_8 : memref<10000x128xf32, #tpu.memory_space<hbm>>) dst(%arg6 : memref<784x128xf32, #tpu.memory_space<vmem>>)
    "tpu.region"() ({
      %run_scoped3A = tpu.sem_alloc : memref<!tpu.dma_semaphore, #tpu.memory_space<semaphore_mem>>
      %dma_start3A_33 = arith.constant 0 : i32
      %dma_start3A_34 = tpu.memref_slice %arg4[%add3A_4, %dma_start3A_33] : memref<100352x128xf32, #tpu.memory_space<hbm>> -> memref<784x128xf32, #tpu.memory_space<hbm>>
      %dma_start3A_35 = arith.constant 0 : i32
      %dma_start3A_36 = tpu.memref_slice %arg4[%add3A_4, %dma_start3A_35] : memref<100352x128xf32, #tpu.memory_space<hbm>> -> memref<784x128xf32, #tpu.memory_space<hbm>>
      tpu.enqueue_dma source(%arg6 : memref<784x128xf32, #tpu.memory_space<vmem>>) target(%dma_start3A_36 : memref<784x128xf32, #tpu.memory_space<hbm>>) target_semaphore(%run_scoped3A : memref<!tpu.dma_semaphore, #tpu.memory_space<semaphore_mem>>)
      %dma_wait3A_37 = arith.constant 0 : i32
      %dma_wait3A_38 = tpu.memref_slice %arg4[%add3A_4, %dma_wait3A_37] : memref<100352x128xf32, #tpu.memory_space<hbm>> -> memref<784x128xf32, #tpu.memory_space<hbm>>
      %dma_wait3A_39 = arith.constant 0 : i32
      %dma_wait3A_40 = tpu.memref_slice %arg4[%add3A_4, %dma_wait3A_39] : memref<100352x128xf32, #tpu.memory_space<hbm>> -> memref<784x128xf32, #tpu.memory_space<hbm>>
      tpu.wait_dma2 semaphore(%run_scoped3A : memref<!tpu.dma_semaphore, #tpu.memory_space<semaphore_mem>>) src(%arg6 : memref<784x128xf32, #tpu.memory_space<vmem>>) dst(%dma_wait3A_40 : memref<784x128xf32, #tpu.memory_space<hbm>>)
      tpu.yield
    }) : () -> ()
    %add3A_9 = arith.constant 784 : i32
    %add3A_10 = arith.addi %mul3A_2, %add3A_9 : i32
    "tpu.region"() ({
      %run_scoped3A = tpu.sem_alloc : memref<!tpu.dma_semaphore, #tpu.memory_space<semaphore_mem>>
      %dma_start3A_33 = tpu.memref_slice %arg3[%add3A_10] : memref<100352xi32, #tpu.memory_space<hbm>> -> memref<784xi32, #tpu.memory_space<hbm>>
      %dma_start3A_34 = tpu.memref_slice %arg3[%add3A_10] : memref<100352xi32, #tpu.memory_space<hbm>> -> memref<784xi32, #tpu.memory_space<hbm>>
      tpu.enqueue_dma source(%dma_start3A_34 : memref<784xi32, #tpu.memory_space<hbm>>) target(%arg5 : memref<784xi32, #tpu.memory_space<vmem>>) target_semaphore(%run_scoped3A : memref<!tpu.dma_semaphore, #tpu.memory_space<semaphore_mem>>)
      %dma_wait3A_35 = tpu.memref_slice %arg3[%add3A_10] : memref<100352xi32, #tpu.memory_space<hbm>> -> memref<784xi32, #tpu.memory_space<hbm>>
      %dma_wait3A_36 = tpu.memref_slice %arg3[%add3A_10] : memref<100352xi32, #tpu.memory_space<hbm>> -> memref<784xi32, #tpu.memory_space<hbm>>
      tpu.wait_dma2 semaphore(%run_scoped3A : memref<!tpu.dma_semaphore, #tpu.memory_space<semaphore_mem>>) src(%dma_wait3A_36 : memref<784xi32, #tpu.memory_space<hbm>>) dst(%arg5 : memref<784xi32, #tpu.memory_space<vmem>>)
      tpu.yield
    }) : () -> ()
    %dma_start3A_11 = arith.constant 0 : i32
    %dma_start3A_12 = arith.constant 0 : i32
    %dma_start3A_13 = tpu.memref_slice %arg2[%dma_start3A_11, %dma_start3A_12] : memref<10000x128xf32, #tpu.memory_space<hbm>> -> memref<10000x128xf32, #tpu.memory_space<hbm>>
    tpu.enqueue_indirect_dma source(%dma_start3A_13 : memref<10000x128xf32, #tpu.memory_space<hbm>>) target(%arg6 : memref<784x128xf32, #tpu.memory_space<vmem>>) offsets(%arg5 : memref<784xi32, #tpu.memory_space<vmem>>) semaphore(%arg7 : memref<!tpu.dma_semaphore, #tpu.memory_space<semaphore_mem>>)
    %dma_wait3A_14 = arith.constant 0 : i32
    %dma_wait3A_15 = arith.constant 0 : i32
    %dma_wait3A_16 = tpu.memref_slice %arg2[%dma_wait3A_14, %dma_wait3A_15] : memref<10000x128xf32, #tpu.memory_space<hbm>> -> memref<10000x128xf32, #tpu.memory_space<hbm>>
    tpu.wait_indirect_dma semaphore(%arg7 : memref<!tpu.dma_semaphore, #tpu.memory_space<semaphore_mem>>) src(%dma_wait3A_16 : memref<10000x128xf32, #tpu.memory_space<hbm>>) dst(%arg6 : memref<784x128xf32, #tpu.memory_space<vmem>>)
    "tpu.region"() ({
      %run_scoped3A = tpu.sem_alloc : memref<!tpu.dma_semaphore, #tpu.memory_space<semaphore_mem>>
      %dma_start3A_33 = arith.constant 0 : i32
      %dma_start3A_34 = tpu.memref_slice %arg4[%add3A_10, %dma_start3A_33] : memref<100352x128xf32, #tpu.memory_space<hbm>> -> memref<784x128xf32, #tpu.memory_space<hbm>>
      %dma_start3A_35 = arith.constant 0 : i32
      %dma_start3A_36 = tpu.memref_slice %arg4[%add3A_10, %dma_start3A_35] : memref<100352x128xf32, #tpu.memory_space<hbm>> -> memref<784x128xf32, #tpu.memory_space<hbm>>
      tpu.enqueue_dma source(%arg6 : memref<784x128xf32, #tpu.memory_space<vmem>>) target(%dma_start3A_36 : memref<784x128xf32, #tpu.memory_space<hbm>>) target_semaphore(%run_scoped3A : memref<!tpu.dma_semaphore, #tpu.memory_space<semaphore_mem>>)
      %dma_wait3A_37 = arith.constant 0 : i32
      %dma_wait3A_38 = tpu.memref_slice %arg4[%add3A_10, %dma_wait3A_37] : memref<100352x128xf32, #tpu.memory_space<hbm>> -> memref<784x128xf32, #tpu.memory_space<hbm>>
      %dma_wait3A_39 = arith.constant 0 : i32
      %dma_wait3A_40 = tpu.memref_slice %arg4[%add3A_10, %dma_wait3A_39] : memref<100352x128xf32, #tpu.memory_space<hbm>> -> memref<784x128xf32, #tpu.memory_space<hbm>>
      tpu.wait_dma2 semaphore(%run_scoped3A : memref<!tpu.dma_semaphore, #tpu.memory_space<semaphore_mem>>) src(%arg6 : memref<784x128xf32, #tpu.memory_space<vmem>>) dst(%dma_wait3A_40 : memref<784x128xf32, #tpu.memory_space<hbm>>)
      tpu.yield
    }) : () -> ()
    %add3A_17 = arith.constant 1568 : i32
    %add3A_18 = arith.addi %mul3A_2, %add3A_17 : i32
    "tpu.region"() ({
      %run_scoped3A = tpu.sem_alloc : memref<!tpu.dma_semaphore, #tpu.memory_space<semaphore_mem>>
      %dma_start3A_33 = tpu.memref_slice %arg3[%add3A_18] : memref<100352xi32, #tpu.memory_space<hbm>> -> memref<784xi32, #tpu.memory_space<hbm>>
      %dma_start3A_34 = tpu.memref_slice %arg3[%add3A_18] : memref<100352xi32, #tpu.memory_space<hbm>> -> memref<784xi32, #tpu.memory_space<hbm>>
      tpu.enqueue_dma source(%dma_start3A_34 : memref<784xi32, #tpu.memory_space<hbm>>) target(%arg5 : memref<784xi32, #tpu.memory_space<vmem>>) target_semaphore(%run_scoped3A : memref<!tpu.dma_semaphore, #tpu.memory_space<semaphore_mem>>)
      %dma_wait3A_35 = tpu.memref_slice %arg3[%add3A_18] : memref<100352xi32, #tpu.memory_space<hbm>> -> memref<784xi32, #tpu.memory_space<hbm>>
      %dma_wait3A_36 = tpu.memref_slice %arg3[%add3A_18] : memref<100352xi32, #tpu.memory_space<hbm>> -> memref<784xi32, #tpu.memory_space<hbm>>
      tpu.wait_dma2 semaphore(%run_scoped3A : memref<!tpu.dma_semaphore, #tpu.memory_space<semaphore_mem>>) src(%dma_wait3A_36 : memref<784xi32, #tpu.memory_space<hbm>>) dst(%arg5 : memref<784xi32, #tpu.memory_space<vmem>>)
      tpu.yield
    }) : () -> ()
    %dma_start3A_19 = arith.constant 0 : i32
    %dma_start3A_20 = arith.constant 0 : i32
    %dma_start3A_21 = tpu.memref_slice %arg2[%dma_start3A_19, %dma_start3A_20] : memref<10000x128xf32, #tpu.memory_space<hbm>> -> memref<10000x128xf32, #tpu.memory_space<hbm>>
    tpu.enqueue_indirect_dma source(%dma_start3A_21 : memref<10000x128xf32, #tpu.memory_space<hbm>>) target(%arg6 : memref<784x128xf32, #tpu.memory_space<vmem>>) offsets(%arg5 : memref<784xi32, #tpu.memory_space<vmem>>) semaphore(%arg7 : memref<!tpu.dma_semaphore, #tpu.memory_space<semaphore_mem>>)
    %dma_wait3A_22 = arith.constant 0 : i32
    %dma_wait3A_23 = arith.constant 0 : i32
    %dma_wait3A_24 = tpu.memref_slice %arg2[%dma_wait3A_22, %dma_wait3A_23] : memref<10000x128xf32, #tpu.memory_space<hbm>> -> memref<10000x128xf32, #tpu.memory_space<hbm>>
    tpu.wait_indirect_dma semaphore(%arg7 : memref<!tpu.dma_semaphore, #tpu.memory_space<semaphore_mem>>) src(%dma_wait3A_24 : memref<10000x128xf32, #tpu.memory_space<hbm>>) dst(%arg6 : memref<784x128xf32, #tpu.memory_space<vmem>>)
    "tpu.region"() ({
      %run_scoped3A = tpu.sem_alloc : memref<!tpu.dma_semaphore, #tpu.memory_space<semaphore_mem>>
      %dma_start3A_33 = arith.constant 0 : i32
      %dma_start3A_34 = tpu.memref_slice %arg4[%add3A_18, %dma_start3A_33] : memref<100352x128xf32, #tpu.memory_space<hbm>> -> memref<784x128xf32, #tpu.memory_space<hbm>>
      %dma_start3A_35 = arith.constant 0 : i32
      %dma_start3A_36 = tpu.memref_slice %arg4[%add3A_18, %dma_start3A_35] : memref<100352x128xf32, #tpu.memory_space<hbm>> -> memref<784x128xf32, #tpu.memory_space<hbm>>
      tpu.enqueue_dma source(%arg6 : memref<784x128xf32, #tpu.memory_space<vmem>>) target(%dma_start3A_36 : memref<784x128xf32, #tpu.memory_space<hbm>>) target_semaphore(%run_scoped3A : memref<!tpu.dma_semaphore, #tpu.memory_space<semaphore_mem>>)
      %dma_wait3A_37 = arith.constant 0 : i32
      %dma_wait3A_38 = tpu.memref_slice %arg4[%add3A_18, %dma_wait3A_37] : memref<100352x128xf32, #tpu.memory_space<hbm>> -> memref<784x128xf32, #tpu.memory_space<hbm>>
      %dma_wait3A_39 = arith.constant 0 : i32
      %dma_wait3A_40 = tpu.memref_slice %arg4[%add3A_18, %dma_wait3A_39] : memref<100352x128xf32, #tpu.memory_space<hbm>> -> memref<784x128xf32, #tpu.memory_space<hbm>>
      tpu.wait_dma2 semaphore(%run_scoped3A : memref<!tpu.dma_semaphore, #tpu.memory_space<semaphore_mem>>) src(%arg6 : memref<784x128xf32, #tpu.memory_space<vmem>>) dst(%dma_wait3A_40 : memref<784x128xf32, #tpu.memory_space<hbm>>)
      tpu.yield
    }) : () -> ()
    %add3A_25 = arith.constant 2352 : i32
    %add3A_26 = arith.addi %mul3A_2, %add3A_25 : i32
    "tpu.region"() ({
      %run_scoped3A = tpu.sem_alloc : memref<!tpu.dma_semaphore, #tpu.memory_space<semaphore_mem>>
      %dma_start3A_33 = tpu.memref_slice %arg3[%add3A_26] : memref<100352xi32, #tpu.memory_space<hbm>> -> memref<784xi32, #tpu.memory_space<hbm>>
      %dma_start3A_34 = tpu.memref_slice %arg3[%add3A_26] : memref<100352xi32, #tpu.memory_space<hbm>> -> memref<784xi32, #tpu.memory_space<hbm>>
      tpu.enqueue_dma source(%dma_start3A_34 : memref<784xi32, #tpu.memory_space<hbm>>) target(%arg5 : memref<784xi32, #tpu.memory_space<vmem>>) target_semaphore(%run_scoped3A : memref<!tpu.dma_semaphore, #tpu.memory_space<semaphore_mem>>)
      %dma_wait3A_35 = tpu.memref_slice %arg3[%add3A_26] : memref<100352xi32, #tpu.memory_space<hbm>> -> memref<784xi32, #tpu.memory_space<hbm>>
      %dma_wait3A_36 = tpu.memref_slice %arg3[%add3A_26] : memref<100352xi32, #tpu.memory_space<hbm>> -> memref<784xi32, #tpu.memory_space<hbm>>
      tpu.wait_dma2 semaphore(%run_scoped3A : memref<!tpu.dma_semaphore, #tpu.memory_space<semaphore_mem>>) src(%dma_wait3A_36 : memref<784xi32, #tpu.memory_space<hbm>>) dst(%arg5 : memref<784xi32, #tpu.memory_space<vmem>>)
      tpu.yield
    }) : () -> ()
    %dma_start3A_27 = arith.constant 0 : i32
    %dma_start3A_28 = arith.constant 0 : i32
    %dma_start3A_29 = tpu.memref_slice %arg2[%dma_start3A_27, %dma_start3A_28] : memref<10000x128xf32, #tpu.memory_space<hbm>> -> memref<10000x128xf32, #tpu.memory_space<hbm>>
    tpu.enqueue_indirect_dma source(%dma_start3A_29 : memref<10000x128xf32, #tpu.memory_space<hbm>>) target(%arg6 : memref<784x128xf32, #tpu.memory_space<vmem>>) offsets(%arg5 : memref<784xi32, #tpu.memory_space<vmem>>) semaphore(%arg7 : memref<!tpu.dma_semaphore, #tpu.memory_space<semaphore_mem>>)
    %dma_wait3A_30 = arith.constant 0 : i32
    %dma_wait3A_31 = arith.constant 0 : i32
    %dma_wait3A_32 = tpu.memref_slice %arg2[%dma_wait3A_30, %dma_wait3A_31] : memref<10000x128xf32, #tpu.memory_space<hbm>> -> memref<10000x128xf32, #tpu.memory_space<hbm>>
    tpu.wait_indirect_dma semaphore(%arg7 : memref<!tpu.dma_semaphore, #tpu.memory_space<semaphore_mem>>) src(%dma_wait3A_32 : memref<10000x128xf32, #tpu.memory_space<hbm>>) dst(%arg6 : memref<784x128xf32, #tpu.memory_space<vmem>>)
    "tpu.region"() ({
      %run_scoped3A = tpu.sem_alloc : memref<!tpu.dma_semaphore, #tpu.memory_space<semaphore_mem>>
      %dma_start3A_33 = arith.constant 0 : i32
      %dma_start3A_34 = tpu.memref_slice %arg4[%add3A_26, %dma_start3A_33] : memref<100352x128xf32, #tpu.memory_space<hbm>> -> memref<784x128xf32, #tpu.memory_space<hbm>>
      %dma_start3A_35 = arith.constant 0 : i32
      %dma_start3A_36 = tpu.memref_slice %arg4[%add3A_26, %dma_start3A_35] : memref<100352x128xf32, #tpu.memory_space<hbm>> -> memref<784x128xf32, #tpu.memory_space<hbm>>
      tpu.enqueue_dma source(%arg6 : memref<784x128xf32, #tpu.memory_space<vmem>>) target(%dma_start3A_36 : memref<784x128xf32, #tpu.memory_space<hbm>>) target_semaphore(%run_scoped3A : memref<!tpu.dma_semaphore, #tpu.memory_space<semaphore_mem>>)
      %dma_wait3A_37 = arith.constant 0 : i32
      %dma_wait3A_38 = tpu.memref_slice %arg4[%add3A_26, %dma_wait3A_37] : memref<100352x128xf32, #tpu.memory_space<hbm>> -> memref<784x128xf32, #tpu.memory_space<hbm>>
      %dma_wait3A_39 = arith.constant 0 : i32
      %dma_wait3A_40 = tpu.memref_slice %arg4[%add3A_26, %dma_wait3A_39] : memref<100352x128xf32, #tpu.memory_space<hbm>> -> memref<784x128xf32, #tpu.memory_space<hbm>>
      tpu.wait_dma2 semaphore(%run_scoped3A : memref<!tpu.dma_semaphore, #tpu.memory_space<semaphore_mem>>) src(%arg6 : memref<784x128xf32, #tpu.memory_space<vmem>>) dst(%dma_wait3A_40 : memref<784x128xf32, #tpu.memory_space<hbm>>)
      tpu.yield
    }) : () -> ()
    return
  }
}

module attributes {stable_mosaic.version = 14 : i64} {
  func.func @_knn_body(%arg0: i32, %arg1: memref<8x10112xf32, #tpu.memory_space<vmem>>, %arg2: memref<200x8xf32, #tpu.memory_space<vmem>>, %arg3: memref<200x1xf32, #tpu.memory_space<vmem>>, %arg4: memref<1x10112xf32, #tpu.memory_space<vmem>>, %arg5: memref<200x10xi32, #tpu.memory_space<vmem>>) attributes {dimension_semantics = [#tpu.dimension_semantics<arbitrary>], iteration_bounds = array<i64: 50>, scalar_prefetch = 0 : i64, scratch_operands = 0 : i64, tpu.core_type = #tpu.core_type<tc>, window_params = [{pipeline_mode = #tpu.pipeline_mode<synchronous>, transform_indices = @transform_0, window_bounds = array<i64: 8, 10112>}, {transform_indices = @transform_1, window_bounds = array<i64: 200, 8>}, {transform_indices = @transform_2, window_bounds = array<i64: 200, 1>}, {pipeline_mode = #tpu.pipeline_mode<synchronous>, transform_indices = @transform_3, window_bounds = array<i64: 1, 10112>}, {transform_indices = @transform_4, window_bounds = array<i64: 200, 10>}]} {
    %get3A = arith.constant 0 : index
    %get3A_0 = arith.constant 0 : index
    %get3A_1 = vector.load %arg2[%get3A, %get3A_0] : memref<200x8xf32, #tpu.memory_space<vmem>>, vector<200x8xf32>
    %get3A_2 = arith.constant 0 : index
    %get3A_3 = arith.constant 0 : index
    %get3A_4 = vector.load %arg1[%get3A_2, %get3A_3] : memref<8x10112xf32, #tpu.memory_space<vmem>>, vector<8x10112xf32>
    %get3A_5 = arith.constant 0 : index
    %get3A_6 = arith.constant 0 : index
    %get3A_7 = vector.load %arg3[%get3A_5, %get3A_6] : memref<200x1xf32, #tpu.memory_space<vmem>>, vector<200x1xf32>
    %get3A_8 = arith.constant 0 : index
    %get3A_9 = arith.constant 0 : index
    %get3A_10 = vector.load %arg4[%get3A_8, %get3A_9] : memref<1x10112xf32, #tpu.memory_space<vmem>>, vector<1x10112xf32>
    %add3A = vector.broadcast %get3A_7 : vector<200x1xf32> to vector<200x10112xf32>
    %add3A_11 = vector.broadcast %get3A_10 : vector<1x10112xf32> to vector<200x10112xf32>
    %add3A_12 = arith.addf %add3A, %add3A_11 : vector<200x10112xf32>
    %dot_general3A = arith.constant dense<0.000000e+00> : vector<200x10112xf32>
    %dot_general3A_13 = tpu.matmul %get3A_1, %get3A_4, %dot_general3A {dimension_numbers = #tpu.dot_dimension_numbers<[1], [0], [0], [1], [0, 0, 1, 1], [], []>, transpose_lhs_hint = false} : vector<200x8xf32>, vector<8x10112xf32>, vector<200x10112xf32> -> vector<200x10112xf32>
    %mul3A = arith.constant 2.000000e+00 : f32
    %mul3A_14 = vector.broadcast %mul3A : f32 to vector<200x10112xf32>
    %mul3A_15 = arith.mulf %mul3A_14, %dot_general3A_13 : vector<200x10112xf32>
    %sub3A = arith.subf %add3A_12, %mul3A_15 : vector<200x10112xf32>
    %iota3A = tpu.iota {dimensions = array<i32: 1>} : vector<1x10112xi32>
    %lt3A = arith.constant 10000 : i32
    %lt3A_16 = vector.broadcast %lt3A : i32 to vector<1x10112xi32>
    %lt3A_17 = arith.cmpi slt, %iota3A, %lt3A_16 : vector<1x10112xi32>
    %jit3A = arith.constant 1.000000e+30 : f32
    %broadcast_in_dim3A = vector.shape_cast %lt3A_17 : vector<1x10112xi1> to vector<1x10112xi1>
    %broadcast_in_dim3A_18 = vector.broadcast %broadcast_in_dim3A : vector<1x10112xi1> to vector<200x10112xi1>
    %broadcast_in_dim3A_19 = vector.broadcast %jit3A : f32 to vector<200x10112xf32>
    %select_n3A = arith.select %broadcast_in_dim3A_18, %sub3A, %broadcast_in_dim3A_19 : vector<200x10112xi1>, vector<200x10112xf32>
    %iota3A_20 = tpu.iota {dimensions = array<i32: 1>} : vector<200x10112xi32>
    %reduce_min3A = arith.constant dense<0x7F800000> : vector<200xf32>
    %reduce_min3A_21 = vector.multi_reduction <minimumf>, %select_n3A, %reduce_min3A [1] : vector<200x10112xf32> to vector<200xf32>
    %broadcast_in_dim3A_22 = vector.shape_cast %reduce_min3A_21 : vector<200xf32> to vector<200x1xf32>
    %le3A = vector.broadcast %broadcast_in_dim3A_22 : vector<200x1xf32> to vector<200x10112xf32>
    %le3A_23 = arith.cmpf ole, %select_n3A, %le3A : vector<200x10112xf32>
    %jit3A_24 = arith.constant 2147483647 : i32
    %broadcast_in_dim3A_25 = vector.broadcast %jit3A_24 : i32 to vector<200x10112xi32>
    %select_n3A_26 = arith.select %le3A_23, %iota3A_20, %broadcast_in_dim3A_25 : vector<200x10112xi1>, vector<200x10112xi32>
    %reduce_min3A_27 = arith.constant dense<2147483647> : vector<200xi32>
    %reduce_min3A_28 = vector.multi_reduction <minsi>, %select_n3A_26, %reduce_min3A_27 [1] : vector<200x10112xi32> to vector<200xi32>
    %broadcast_in_dim3A_29 = vector.shape_cast %reduce_min3A_28 : vector<200xi32> to vector<200x1xi32>
    %eq3A = vector.broadcast %broadcast_in_dim3A_29 : vector<200x1xi32> to vector<200x10112xi32>
    %eq3A_30 = arith.cmpi eq, %iota3A_20, %eq3A : vector<200x10112xi32>
    %jit3A_31 = arith.constant 1.000000e+30 : f32
    %broadcast_in_dim3A_32 = vector.broadcast %jit3A_31 : f32 to vector<200x10112xf32>
    %select_n3A_33 = arith.select %eq3A_30, %broadcast_in_dim3A_32, %select_n3A : vector<200x10112xi1>, vector<200x10112xf32>
    %reduce_min3A_34 = arith.constant dense<0x7F800000> : vector<200xf32>
    %reduce_min3A_35 = vector.multi_reduction <minimumf>, %select_n3A_33, %reduce_min3A_34 [1] : vector<200x10112xf32> to vector<200xf32>
    %broadcast_in_dim3A_36 = vector.shape_cast %reduce_min3A_35 : vector<200xf32> to vector<200x1xf32>
    %le3A_37 = vector.broadcast %broadcast_in_dim3A_36 : vector<200x1xf32> to vector<200x10112xf32>
    %le3A_38 = arith.cmpf ole, %select_n3A_33, %le3A_37 : vector<200x10112xf32>
    %jit3A_39 = arith.constant 2147483647 : i32
    %broadcast_in_dim3A_40 = vector.broadcast %jit3A_39 : i32 to vector<200x10112xi32>
    %select_n3A_41 = arith.select %le3A_38, %iota3A_20, %broadcast_in_dim3A_40 : vector<200x10112xi1>, vector<200x10112xi32>
    %reduce_min3A_42 = arith.constant dense<2147483647> : vector<200xi32>
    %reduce_min3A_43 = vector.multi_reduction <minsi>, %select_n3A_41, %reduce_min3A_42 [1] : vector<200x10112xi32> to vector<200xi32>
    %broadcast_in_dim3A_44 = vector.shape_cast %reduce_min3A_43 : vector<200xi32> to vector<200x1xi32>
    %eq3A_45 = vector.broadcast %broadcast_in_dim3A_44 : vector<200x1xi32> to vector<200x10112xi32>
    %eq3A_46 = arith.cmpi eq, %iota3A_20, %eq3A_45 : vector<200x10112xi32>
    %jit3A_47 = arith.constant 1.000000e+30 : f32
    %broadcast_in_dim3A_48 = vector.broadcast %jit3A_47 : f32 to vector<200x10112xf32>
    %select_n3A_49 = arith.select %eq3A_46, %broadcast_in_dim3A_48, %select_n3A_33 : vector<200x10112xi1>, vector<200x10112xf32>
    %reduce_min3A_50 = arith.constant dense<0x7F800000> : vector<200xf32>
    %reduce_min3A_51 = vector.multi_reduction <minimumf>, %select_n3A_49, %reduce_min3A_50 [1] : vector<200x10112xf32> to vector<200xf32>
    %broadcast_in_dim3A_52 = vector.shape_cast %reduce_min3A_51 : vector<200xf32> to vector<200x1xf32>
    %le3A_53 = vector.broadcast %broadcast_in_dim3A_52 : vector<200x1xf32> to vector<200x10112xf32>
    %le3A_54 = arith.cmpf ole, %select_n3A_49, %le3A_53 : vector<200x10112xf32>
    %jit3A_55 = arith.constant 2147483647 : i32
    %broadcast_in_dim3A_56 = vector.broadcast %jit3A_55 : i32 to vector<200x10112xi32>
    %select_n3A_57 = arith.select %le3A_54, %iota3A_20, %broadcast_in_dim3A_56 : vector<200x10112xi1>, vector<200x10112xi32>
    %reduce_min3A_58 = arith.constant dense<2147483647> : vector<200xi32>
    %reduce_min3A_59 = vector.multi_reduction <minsi>, %select_n3A_57, %reduce_min3A_58 [1] : vector<200x10112xi32> to vector<200xi32>
    %broadcast_in_dim3A_60 = vector.shape_cast %reduce_min3A_59 : vector<200xi32> to vector<200x1xi32>
    %eq3A_61 = vector.broadcast %broadcast_in_dim3A_60 : vector<200x1xi32> to vector<200x10112xi32>
    %eq3A_62 = arith.cmpi eq, %iota3A_20, %eq3A_61 : vector<200x10112xi32>
    %jit3A_63 = arith.constant 1.000000e+30 : f32
    %broadcast_in_dim3A_64 = vector.broadcast %jit3A_63 : f32 to vector<200x10112xf32>
    %select_n3A_65 = arith.select %eq3A_62, %broadcast_in_dim3A_64, %select_n3A_49 : vector<200x10112xi1>, vector<200x10112xf32>
    %reduce_min3A_66 = arith.constant dense<0x7F800000> : vector<200xf32>
    %reduce_min3A_67 = vector.multi_reduction <minimumf>, %select_n3A_65, %reduce_min3A_66 [1] : vector<200x10112xf32> to vector<200xf32>
    %broadcast_in_dim3A_68 = vector.shape_cast %reduce_min3A_67 : vector<200xf32> to vector<200x1xf32>
    %le3A_69 = vector.broadcast %broadcast_in_dim3A_68 : vector<200x1xf32> to vector<200x10112xf32>
    %le3A_70 = arith.cmpf ole, %select_n3A_65, %le3A_69 : vector<200x10112xf32>
    %jit3A_71 = arith.constant 2147483647 : i32
    %broadcast_in_dim3A_72 = vector.broadcast %jit3A_71 : i32 to vector<200x10112xi32>
    %select_n3A_73 = arith.select %le3A_70, %iota3A_20, %broadcast_in_dim3A_72 : vector<200x10112xi1>, vector<200x10112xi32>
    %reduce_min3A_74 = arith.constant dense<2147483647> : vector<200xi32>
    %reduce_min3A_75 = vector.multi_reduction <minsi>, %select_n3A_73, %reduce_min3A_74 [1] : vector<200x10112xi32> to vector<200xi32>
    %broadcast_in_dim3A_76 = vector.shape_cast %reduce_min3A_75 : vector<200xi32> to vector<200x1xi32>
    %eq3A_77 = vector.broadcast %broadcast_in_dim3A_76 : vector<200x1xi32> to vector<200x10112xi32>
    %eq3A_78 = arith.cmpi eq, %iota3A_20, %eq3A_77 : vector<200x10112xi32>
    %jit3A_79 = arith.constant 1.000000e+30 : f32
    %broadcast_in_dim3A_80 = vector.broadcast %jit3A_79 : f32 to vector<200x10112xf32>
    %select_n3A_81 = arith.select %eq3A_78, %broadcast_in_dim3A_80, %select_n3A_65 : vector<200x10112xi1>, vector<200x10112xf32>
    %reduce_min3A_82 = arith.constant dense<0x7F800000> : vector<200xf32>
    %reduce_min3A_83 = vector.multi_reduction <minimumf>, %select_n3A_81, %reduce_min3A_82 [1] : vector<200x10112xf32> to vector<200xf32>
    %broadcast_in_dim3A_84 = vector.shape_cast %reduce_min3A_83 : vector<200xf32> to vector<200x1xf32>
    %le3A_85 = vector.broadcast %broadcast_in_dim3A_84 : vector<200x1xf32> to vector<200x10112xf32>
    %le3A_86 = arith.cmpf ole, %select_n3A_81, %le3A_85 : vector<200x10112xf32>
    %jit3A_87 = arith.constant 2147483647 : i32
    %broadcast_in_dim3A_88 = vector.broadcast %jit3A_87 : i32 to vector<200x10112xi32>
    %select_n3A_89 = arith.select %le3A_86, %iota3A_20, %broadcast_in_dim3A_88 : vector<200x10112xi1>, vector<200x10112xi32>
    %reduce_min3A_90 = arith.constant dense<2147483647> : vector<200xi32>
    %reduce_min3A_91 = vector.multi_reduction <minsi>, %select_n3A_89, %reduce_min3A_90 [1] : vector<200x10112xi32> to vector<200xi32>
    %broadcast_in_dim3A_92 = vector.shape_cast %reduce_min3A_91 : vector<200xi32> to vector<200x1xi32>
    %eq3A_93 = vector.broadcast %broadcast_in_dim3A_92 : vector<200x1xi32> to vector<200x10112xi32>
    %eq3A_94 = arith.cmpi eq, %iota3A_20, %eq3A_93 : vector<200x10112xi32>
    %jit3A_95 = arith.constant 1.000000e+30 : f32
    %broadcast_in_dim3A_96 = vector.broadcast %jit3A_95 : f32 to vector<200x10112xf32>
    %select_n3A_97 = arith.select %eq3A_94, %broadcast_in_dim3A_96, %select_n3A_81 : vector<200x10112xi1>, vector<200x10112xf32>
    %reduce_min3A_98 = arith.constant dense<0x7F800000> : vector<200xf32>
    %reduce_min3A_99 = vector.multi_reduction <minimumf>, %select_n3A_97, %reduce_min3A_98 [1] : vector<200x10112xf32> to vector<200xf32>
    %broadcast_in_dim3A_100 = vector.shape_cast %reduce_min3A_99 : vector<200xf32> to vector<200x1xf32>
    %le3A_101 = vector.broadcast %broadcast_in_dim3A_100 : vector<200x1xf32> to vector<200x10112xf32>
    %le3A_102 = arith.cmpf ole, %select_n3A_97, %le3A_101 : vector<200x10112xf32>
    %jit3A_103 = arith.constant 2147483647 : i32
    %broadcast_in_dim3A_104 = vector.broadcast %jit3A_103 : i32 to vector<200x10112xi32>
    %select_n3A_105 = arith.select %le3A_102, %iota3A_20, %broadcast_in_dim3A_104 : vector<200x10112xi1>, vector<200x10112xi32>
    %reduce_min3A_106 = arith.constant dense<2147483647> : vector<200xi32>
    %reduce_min3A_107 = vector.multi_reduction <minsi>, %select_n3A_105, %reduce_min3A_106 [1] : vector<200x10112xi32> to vector<200xi32>
    %broadcast_in_dim3A_108 = vector.shape_cast %reduce_min3A_107 : vector<200xi32> to vector<200x1xi32>
    %eq3A_109 = vector.broadcast %broadcast_in_dim3A_108 : vector<200x1xi32> to vector<200x10112xi32>
    %eq3A_110 = arith.cmpi eq, %iota3A_20, %eq3A_109 : vector<200x10112xi32>
    %jit3A_111 = arith.constant 1.000000e+30 : f32
    %broadcast_in_dim3A_112 = vector.broadcast %jit3A_111 : f32 to vector<200x10112xf32>
    %select_n3A_113 = arith.select %eq3A_110, %broadcast_in_dim3A_112, %select_n3A_97 : vector<200x10112xi1>, vector<200x10112xf32>
    %reduce_min3A_114 = arith.constant dense<0x7F800000> : vector<200xf32>
    %reduce_min3A_115 = vector.multi_reduction <minimumf>, %select_n3A_113, %reduce_min3A_114 [1] : vector<200x10112xf32> to vector<200xf32>
    %broadcast_in_dim3A_116 = vector.shape_cast %reduce_min3A_115 : vector<200xf32> to vector<200x1xf32>
    %le3A_117 = vector.broadcast %broadcast_in_dim3A_116 : vector<200x1xf32> to vector<200x10112xf32>
    %le3A_118 = arith.cmpf ole, %select_n3A_113, %le3A_117 : vector<200x10112xf32>
    %jit3A_119 = arith.constant 2147483647 : i32
    %broadcast_in_dim3A_120 = vector.broadcast %jit3A_119 : i32 to vector<200x10112xi32>
    %select_n3A_121 = arith.select %le3A_118, %iota3A_20, %broadcast_in_dim3A_120 : vector<200x10112xi1>, vector<200x10112xi32>
    %reduce_min3A_122 = arith.constant dense<2147483647> : vector<200xi32>
    %reduce_min3A_123 = vector.multi_reduction <minsi>, %select_n3A_121, %reduce_min3A_122 [1] : vector<200x10112xi32> to vector<200xi32>
    %broadcast_in_dim3A_124 = vector.shape_cast %reduce_min3A_123 : vector<200xi32> to vector<200x1xi32>
    %eq3A_125 = vector.broadcast %broadcast_in_dim3A_124 : vector<200x1xi32> to vector<200x10112xi32>
    %eq3A_126 = arith.cmpi eq, %iota3A_20, %eq3A_125 : vector<200x10112xi32>
    %jit3A_127 = arith.constant 1.000000e+30 : f32
    %broadcast_in_dim3A_128 = vector.broadcast %jit3A_127 : f32 to vector<200x10112xf32>
    %select_n3A_129 = arith.select %eq3A_126, %broadcast_in_dim3A_128, %select_n3A_113 : vector<200x10112xi1>, vector<200x10112xf32>
    %reduce_min3A_130 = arith.constant dense<0x7F800000> : vector<200xf32>
    %reduce_min3A_131 = vector.multi_reduction <minimumf>, %select_n3A_129, %reduce_min3A_130 [1] : vector<200x10112xf32> to vector<200xf32>
    %broadcast_in_dim3A_132 = vector.shape_cast %reduce_min3A_131 : vector<200xf32> to vector<200x1xf32>
    %le3A_133 = vector.broadcast %broadcast_in_dim3A_132 : vector<200x1xf32> to vector<200x10112xf32>
    %le3A_134 = arith.cmpf ole, %select_n3A_129, %le3A_133 : vector<200x10112xf32>
    %jit3A_135 = arith.constant 2147483647 : i32
    %broadcast_in_dim3A_136 = vector.broadcast %jit3A_135 : i32 to vector<200x10112xi32>
    %select_n3A_137 = arith.select %le3A_134, %iota3A_20, %broadcast_in_dim3A_136 : vector<200x10112xi1>, vector<200x10112xi32>
    %reduce_min3A_138 = arith.constant dense<2147483647> : vector<200xi32>
    %reduce_min3A_139 = vector.multi_reduction <minsi>, %select_n3A_137, %reduce_min3A_138 [1] : vector<200x10112xi32> to vector<200xi32>
    %broadcast_in_dim3A_140 = vector.shape_cast %reduce_min3A_139 : vector<200xi32> to vector<200x1xi32>
    %eq3A_141 = vector.broadcast %broadcast_in_dim3A_140 : vector<200x1xi32> to vector<200x10112xi32>
    %eq3A_142 = arith.cmpi eq, %iota3A_20, %eq3A_141 : vector<200x10112xi32>
    %jit3A_143 = arith.constant 1.000000e+30 : f32
    %broadcast_in_dim3A_144 = vector.broadcast %jit3A_143 : f32 to vector<200x10112xf32>
    %select_n3A_145 = arith.select %eq3A_142, %broadcast_in_dim3A_144, %select_n3A_129 : vector<200x10112xi1>, vector<200x10112xf32>
    %reduce_min3A_146 = arith.constant dense<0x7F800000> : vector<200xf32>
    %reduce_min3A_147 = vector.multi_reduction <minimumf>, %select_n3A_145, %reduce_min3A_146 [1] : vector<200x10112xf32> to vector<200xf32>
    %broadcast_in_dim3A_148 = vector.shape_cast %reduce_min3A_147 : vector<200xf32> to vector<200x1xf32>
    %le3A_149 = vector.broadcast %broadcast_in_dim3A_148 : vector<200x1xf32> to vector<200x10112xf32>
    %le3A_150 = arith.cmpf ole, %select_n3A_145, %le3A_149 : vector<200x10112xf32>
    %jit3A_151 = arith.constant 2147483647 : i32
    %broadcast_in_dim3A_152 = vector.broadcast %jit3A_151 : i32 to vector<200x10112xi32>
    %select_n3A_153 = arith.select %le3A_150, %iota3A_20, %broadcast_in_dim3A_152 : vector<200x10112xi1>, vector<200x10112xi32>
    %reduce_min3A_154 = arith.constant dense<2147483647> : vector<200xi32>
    %reduce_min3A_155 = vector.multi_reduction <minsi>, %select_n3A_153, %reduce_min3A_154 [1] : vector<200x10112xi32> to vector<200xi32>
    %broadcast_in_dim3A_156 = vector.shape_cast %reduce_min3A_155 : vector<200xi32> to vector<200x1xi32>
    %eq3A_157 = vector.broadcast %broadcast_in_dim3A_156 : vector<200x1xi32> to vector<200x10112xi32>
    %eq3A_158 = arith.cmpi eq, %iota3A_20, %eq3A_157 : vector<200x10112xi32>
    %jit3A_159 = arith.constant 1.000000e+30 : f32
    %broadcast_in_dim3A_160 = vector.broadcast %jit3A_159 : f32 to vector<200x10112xf32>
    %select_n3A_161 = arith.select %eq3A_158, %broadcast_in_dim3A_160, %select_n3A_145 : vector<200x10112xi1>, vector<200x10112xf32>
    %reduce_min3A_162 = arith.constant dense<0x7F800000> : vector<200xf32>
    %reduce_min3A_163 = vector.multi_reduction <minimumf>, %select_n3A_161, %reduce_min3A_162 [1] : vector<200x10112xf32> to vector<200xf32>
    %broadcast_in_dim3A_164 = vector.shape_cast %reduce_min3A_163 : vector<200xf32> to vector<200x1xf32>
    %le3A_165 = vector.broadcast %broadcast_in_dim3A_164 : vector<200x1xf32> to vector<200x10112xf32>
    %le3A_166 = arith.cmpf ole, %select_n3A_161, %le3A_165 : vector<200x10112xf32>
    %jit3A_167 = arith.constant 2147483647 : i32
    %broadcast_in_dim3A_168 = vector.broadcast %jit3A_167 : i32 to vector<200x10112xi32>
    %select_n3A_169 = arith.select %le3A_166, %iota3A_20, %broadcast_in_dim3A_168 : vector<200x10112xi1>, vector<200x10112xi32>
    %reduce_min3A_170 = arith.constant dense<2147483647> : vector<200xi32>
    %reduce_min3A_171 = vector.multi_reduction <minsi>, %select_n3A_169, %reduce_min3A_170 [1] : vector<200x10112xi32> to vector<200xi32>
    %broadcast_in_dim3A_172 = vector.shape_cast %reduce_min3A_171 : vector<200xi32> to vector<200x1xi32>
    %concatenate3A = tpu.concatenate %broadcast_in_dim3A_29, %broadcast_in_dim3A_44, %broadcast_in_dim3A_60, %broadcast_in_dim3A_76, %broadcast_in_dim3A_92, %broadcast_in_dim3A_108, %broadcast_in_dim3A_124, %broadcast_in_dim3A_140, %broadcast_in_dim3A_156, %broadcast_in_dim3A_172 in 1 : vector<200x1xi32>, vector<200x1xi32>, vector<200x1xi32>, vector<200x1xi32>, vector<200x1xi32>, vector<200x1xi32>, vector<200x1xi32>, vector<200x1xi32>, vector<200x1xi32>, vector<200x1xi32> -> vector<200x10xi32>
    %swap3A = arith.constant 0 : index
    %swap3A_173 = arith.constant 0 : index
    %swap3A_174 = vector.load %arg5[%swap3A, %swap3A_173] : memref<200x10xi32, #tpu.memory_space<vmem>>, vector<200x10xi32>
    tpu.vector_store %arg5[%swap3A, %swap3A_173], %concatenate3A {strides = array<i32>} : memref<200x10xi32, #tpu.memory_space<vmem>>, vector<200x10xi32>,
    return
  }
  func.func @transform_0(%arg0: i32) -> (i32, i32) {
    %c0_i32 = arith.constant 0 : i32
    %c0_i32_0 = arith.constant 0 : i32
    %c0_i32_1 = arith.constant 0 : i32
    return %c0_i32, %c0_i32_0 : i32, i32
  }
  func.func @transform_1(%arg0: i32) -> (i32, i32) {
    %c0_i32 = arith.constant 0 : i32
    %c0_i32_0 = arith.constant 0 : i32
    return %arg0, %c0_i32 : i32, i32
  }
  func.func @transform_2(%arg0: i32) -> (i32, i32) {
    %c0_i32 = arith.constant 0 : i32
    %c0_i32_0 = arith.constant 0 : i32
    return %arg0, %c0_i32 : i32, i32
  }
  func.func @transform_3(%arg0: i32) -> (i32, i32) {
    %c0_i32 = arith.constant 0 : i32
    %c0_i32_0 = arith.constant 0 : i32
    %c0_i32_1 = arith.constant 0 : i32
    return %c0_i32, %c0_i32_0 : i32, i32
  }
  func.func @transform_4(%arg0: i32) -> (i32, i32) {
    %c0_i32 = arith.constant 0 : i32
    %c0_i32_0 = arith.constant 0 : i32
    return %arg0, %c0_i32 : i32, i32
  }
}

module attributes {stable_mosaic.version = 14 : i64} {
  func.func @_edge_body(%arg0: i32, %arg1: memref<10x1000x128xf32, #tpu.memory_space<vmem>>, %arg2: memref<1000x8xf32, #tpu.memory_space<vmem>>, %arg3: memref<16x64xf32, #tpu.memory_space<vmem>>, %arg4: memref<64x64xf32, #tpu.memory_space<vmem>>, %arg5: memref<1xf32, #tpu.memory_space<smem>>, %arg6: memref<1xf32, #tpu.memory_space<smem>>, %arg7: memref<1000x64xf32, #tpu.memory_space<vmem>>) attributes {dimension_semantics = [#tpu.dimension_semantics<arbitrary>], iteration_bounds = array<i64: 10>, scalar_prefetch = 0 : i64, scratch_operands = 0 : i64, tpu.core_type = #tpu.core_type<tc>, window_params = [{transform_indices = @transform_0, window_bounds = array<i64: 10, 1000, 128>}, {transform_indices = @transform_1, window_bounds = array<i64: 1000, 8>}, {pipeline_mode = #tpu.pipeline_mode<synchronous>, transform_indices = @transform_2, window_bounds = array<i64: 16, 64>}, {pipeline_mode = #tpu.pipeline_mode<synchronous>, transform_indices = @transform_3, window_bounds = array<i64: 64, 64>}, {transform_indices = @transform_4, window_bounds = array<i64: 1>}, {transform_indices = @transform_5, window_bounds = array<i64: 1>}, {transform_indices = @transform_6, window_bounds = array<i64: 1000, 64>}]} {
    %get3A = arith.constant 0 : index
    %get3A_0 = arith.constant 0 : index
    %get3A_1 = vector.load %arg2[%get3A, %get3A_0] : memref<1000x8xf32, #tpu.memory_space<vmem>>, vector<1000x8xf32>
    %get3A_2 = arith.constant 0 : index
    %get3A_3 = arith.constant 0 : index
    %get3A_4 = vector.load %arg3[%get3A_2, %get3A_3] : memref<16x64xf32, #tpu.memory_space<vmem>>, vector<16x64xf32>
    %get3A_5 = arith.constant 0 : index
    %get3A_6 = arith.constant 0 : index
    %get3A_7 = vector.load %arg4[%get3A_5, %get3A_6] : memref<64x64xf32, #tpu.memory_space<vmem>>, vector<64x64xf32>
    %get3A_8 = arith.constant 0 : index
    %get3A_9 = memref.load %arg5[%get3A_8] : memref<1xf32, #tpu.memory_space<smem>>
    %get3A_10 = arith.constant 0 : index
    %get3A_11 = memref.load %arg6[%get3A_10] : memref<1xf32, #tpu.memory_space<smem>>
    %get3A_12 = arith.constant 0 : index
    %get3A_13 = arith.constant 0 : index
    %get3A_14 = arith.constant 0 : index
    %get3A_15 = vector.load %arg1[%get3A_12, %get3A_13, %get3A_14] : memref<10x1000x128xf32, #tpu.memory_space<vmem>>, vector<1x1000x128xf32>
    %get3A_16 = vector.shape_cast %get3A_15 : vector<1x1000x128xf32> to vector<1000x128xf32>
    %slice3A = vector.extract_strided_slice %get3A_16 {offsets = [0, 0], sizes = [1000, 8], strides = [1, 1]} : vector<1000x128xf32> to vector<1000x8xf32>
    %sub3A = arith.subf %slice3A, %get3A_1 : vector<1000x8xf32>
    %concatenate3A = tpu.concatenate %sub3A, %get3A_1 in 1 : vector<1000x8xf32>, vector<1000x8xf32> -> vector<1000x16xf32>
    %dot_general3A = arith.constant dense<0.000000e+00> : vector<1000x64xf32>
    %dot_general3A_17 = tpu.matmul %concatenate3A, %get3A_4, %dot_general3A {dimension_numbers = #tpu.dot_dimension_numbers<[1], [0], [0], [1], [0, 0, 1, 1], [], []>, transpose_lhs_hint = false} : vector<1000x16xf32>, vector<16x64xf32>, vector<1000x64xf32> -> vector<1000x64xf32>
    %ge3A = arith.constant 0.000000e+00 : f32
    %ge3A_18 = vector.broadcast %ge3A : f32 to vector<1000x64xf32>
    %ge3A_19 = arith.cmpf oge, %dot_general3A_17, %ge3A_18 : vector<1000x64xf32>
    %mul3A = vector.broadcast %get3A_9 : f32 to vector<1000x64xf32>
    %mul3A_20 = arith.mulf %mul3A, %dot_general3A_17 : vector<1000x64xf32>
    %select_n3A = arith.select %ge3A_19, %dot_general3A_17, %mul3A_20 : vector<1000x64xi1>, vector<1000x64xf32>
    %dot_general3A_21 = arith.constant dense<0.000000e+00> : vector<1000x64xf32>
    %dot_general3A_22 = tpu.matmul %select_n3A, %get3A_7, %dot_general3A_21 {dimension_numbers = #tpu.dot_dimension_numbers<[1], [0], [0], [1], [0, 0, 1, 1], [], []>, transpose_lhs_hint = false} : vector<1000x64xf32>, vector<64x64xf32>, vector<1000x64xf32> -> vector<1000x64xf32>
    %get3A_23 = arith.constant 1 : index
    %get3A_24 = arith.constant 0 : index
    %get3A_25 = arith.constant 0 : index
    %get3A_26 = vector.load %arg1[%get3A_23, %get3A_24, %get3A_25] : memref<10x1000x128xf32, #tpu.memory_space<vmem>>, vector<1x1000x128xf32>
    %get3A_27 = vector.shape_cast %get3A_26 : vector<1x1000x128xf32> to vector<1000x128xf32>
    %slice3A_28 = vector.extract_strided_slice %get3A_27 {offsets = [0, 0], sizes = [1000, 8], strides = [1, 1]} : vector<1000x128xf32> to vector<1000x8xf32>
    %sub3A_29 = arith.subf %slice3A_28, %get3A_1 : vector<1000x8xf32>
    %concatenate3A_30 = tpu.concatenate %sub3A_29, %get3A_1 in 1 : vector<1000x8xf32>, vector<1000x8xf32> -> vector<1000x16xf32>
    %dot_general3A_31 = arith.constant dense<0.000000e+00> : vector<1000x64xf32>
    %dot_general3A_32 = tpu.matmul %concatenate3A_30, %get3A_4, %dot_general3A_31 {dimension_numbers = #tpu.dot_dimension_numbers<[1], [0], [0], [1], [0, 0, 1, 1], [], []>, transpose_lhs_hint = false} : vector<1000x16xf32>, vector<16x64xf32>, vector<1000x64xf32> -> vector<1000x64xf32>
    %ge3A_33 = arith.constant 0.000000e+00 : f32
    %ge3A_34 = vector.broadcast %ge3A_33 : f32 to vector<1000x64xf32>
    %ge3A_35 = arith.cmpf oge, %dot_general3A_32, %ge3A_34 : vector<1000x64xf32>
    %mul3A_36 = vector.broadcast %get3A_9 : f32 to vector<1000x64xf32>
    %mul3A_37 = arith.mulf %mul3A_36, %dot_general3A_32 : vector<1000x64xf32>
    %select_n3A_38 = arith.select %ge3A_35, %dot_general3A_32, %mul3A_37 : vector<1000x64xi1>, vector<1000x64xf32>
    %dot_general3A_39 = arith.constant dense<0.000000e+00> : vector<1000x64xf32>
    %dot_general3A_40 = tpu.matmul %select_n3A_38, %get3A_7, %dot_general3A_39 {dimension_numbers = #tpu.dot_dimension_numbers<[1], [0], [0], [1], [0, 0, 1, 1], [], []>, transpose_lhs_hint = false} : vector<1000x64xf32>, vector<64x64xf32>, vector<1000x64xf32> -> vector<1000x64xf32>
    %max3A = arith.maximumf %dot_general3A_22, %dot_general3A_40 : vector<1000x64xf32>
    %get3A_41 = arith.constant 2 : index
    %get3A_42 = arith.constant 0 : index
    %get3A_43 = arith.constant 0 : index
    %get3A_44 = vector.load %arg1[%get3A_41, %get3A_42, %get3A_43] : memref<10x1000x128xf32, #tpu.memory_space<vmem>>, vector<1x1000x128xf32>
    %get3A_45 = vector.shape_cast %get3A_44 : vector<1x1000x128xf32> to vector<1000x128xf32>
    %slice3A_46 = vector.extract_strided_slice %get3A_45 {offsets = [0, 0], sizes = [1000, 8], strides = [1, 1]} : vector<1000x128xf32> to vector<1000x8xf32>
    %sub3A_47 = arith.subf %slice3A_46, %get3A_1 : vector<1000x8xf32>
    %concatenate3A_48 = tpu.concatenate %sub3A_47, %get3A_1 in 1 : vector<1000x8xf32>, vector<1000x8xf32> -> vector<1000x16xf32>
    %dot_general3A_49 = arith.constant dense<0.000000e+00> : vector<1000x64xf32>
    %dot_general3A_50 = tpu.matmul %concatenate3A_48, %get3A_4, %dot_general3A_49 {dimension_numbers = #tpu.dot_dimension_numbers<[1], [0], [0], [1], [0, 0, 1, 1], [], []>, transpose_lhs_hint = false} : vector<1000x16xf32>, vector<16x64xf32>, vector<1000x64xf32> -> vector<1000x64xf32>
    %ge3A_51 = arith.constant 0.000000e+00 : f32
    %ge3A_52 = vector.broadcast %ge3A_51 : f32 to vector<1000x64xf32>
    %ge3A_53 = arith.cmpf oge, %dot_general3A_50, %ge3A_52 : vector<1000x64xf32>
    %mul3A_54 = vector.broadcast %get3A_9 : f32 to vector<1000x64xf32>
    %mul3A_55 = arith.mulf %mul3A_54, %dot_general3A_50 : vector<1000x64xf32>
    %select_n3A_56 = arith.select %ge3A_53, %dot_general3A_50, %mul3A_55 : vector<1000x64xi1>, vector<1000x64xf32>
    %dot_general3A_57 = arith.constant dense<0.000000e+00> : vector<1000x64xf32>
    %dot_general3A_58 = tpu.matmul %select_n3A_56, %get3A_7, %dot_general3A_57 {dimension_numbers = #tpu.dot_dimension_numbers<[1], [0], [0], [1], [0, 0, 1, 1], [], []>, transpose_lhs_hint = false} : vector<1000x64xf32>, vector<64x64xf32>, vector<1000x64xf32> -> vector<1000x64xf32>
    %max3A_59 = arith.maximumf %max3A, %dot_general3A_58 : vector<1000x64xf32>
    %get3A_60 = arith.constant 3 : index
    %get3A_61 = arith.constant 0 : index
    %get3A_62 = arith.constant 0 : index
    %get3A_63 = vector.load %arg1[%get3A_60, %get3A_61, %get3A_62] : memref<10x1000x128xf32, #tpu.memory_space<vmem>>, vector<1x1000x128xf32>
    %get3A_64 = vector.shape_cast %get3A_63 : vector<1x1000x128xf32> to vector<1000x128xf32>
    %slice3A_65 = vector.extract_strided_slice %get3A_64 {offsets = [0, 0], sizes = [1000, 8], strides = [1, 1]} : vector<1000x128xf32> to vector<1000x8xf32>
    %sub3A_66 = arith.subf %slice3A_65, %get3A_1 : vector<1000x8xf32>
    %concatenate3A_67 = tpu.concatenate %sub3A_66, %get3A_1 in 1 : vector<1000x8xf32>, vector<1000x8xf32> -> vector<1000x16xf32>
    %dot_general3A_68 = arith.constant dense<0.000000e+00> : vector<1000x64xf32>
    %dot_general3A_69 = tpu.matmul %concatenate3A_67, %get3A_4, %dot_general3A_68 {dimension_numbers = #tpu.dot_dimension_numbers<[1], [0], [0], [1], [0, 0, 1, 1], [], []>, transpose_lhs_hint = false} : vector<1000x16xf32>, vector<16x64xf32>, vector<1000x64xf32> -> vector<1000x64xf32>
    %ge3A_70 = arith.constant 0.000000e+00 : f32
    %ge3A_71 = vector.broadcast %ge3A_70 : f32 to vector<1000x64xf32>
    %ge3A_72 = arith.cmpf oge, %dot_general3A_69, %ge3A_71 : vector<1000x64xf32>
    %mul3A_73 = vector.broadcast %get3A_9 : f32 to vector<1000x64xf32>
    %mul3A_74 = arith.mulf %mul3A_73, %dot_general3A_69 : vector<1000x64xf32>
    %select_n3A_75 = arith.select %ge3A_72, %dot_general3A_69, %mul3A_74 : vector<1000x64xi1>, vector<1000x64xf32>
    %dot_general3A_76 = arith.constant dense<0.000000e+00> : vector<1000x64xf32>
    %dot_general3A_77 = tpu.matmul %select_n3A_75, %get3A_7, %dot_general3A_76 {dimension_numbers = #tpu.dot_dimension_numbers<[1], [0], [0], [1], [0, 0, 1, 1], [], []>, transpose_lhs_hint = false} : vector<1000x64xf32>, vector<64x64xf32>, vector<1000x64xf32> -> vector<1000x64xf32>
    %max3A_78 = arith.maximumf %max3A_59, %dot_general3A_77 : vector<1000x64xf32>
    %get3A_79 = arith.constant 4 : index
    %get3A_80 = arith.constant 0 : index
    %get3A_81 = arith.constant 0 : index
    %get3A_82 = vector.load %arg1[%get3A_79, %get3A_80, %get3A_81] : memref<10x1000x128xf32, #tpu.memory_space<vmem>>, vector<1x1000x128xf32>
    %get3A_83 = vector.shape_cast %get3A_82 : vector<1x1000x128xf32> to vector<1000x128xf32>
    %slice3A_84 = vector.extract_strided_slice %get3A_83 {offsets = [0, 0], sizes = [1000, 8], strides = [1, 1]} : vector<1000x128xf32> to vector<1000x8xf32>
    %sub3A_85 = arith.subf %slice3A_84, %get3A_1 : vector<1000x8xf32>
    %concatenate3A_86 = tpu.concatenate %sub3A_85, %get3A_1 in 1 : vector<1000x8xf32>, vector<1000x8xf32> -> vector<1000x16xf32>
    %dot_general3A_87 = arith.constant dense<0.000000e+00> : vector<1000x64xf32>
    %dot_general3A_88 = tpu.matmul %concatenate3A_86, %get3A_4, %dot_general3A_87 {dimension_numbers = #tpu.dot_dimension_numbers<[1], [0], [0], [1], [0, 0, 1, 1], [], []>, transpose_lhs_hint = false} : vector<1000x16xf32>, vector<16x64xf32>, vector<1000x64xf32> -> vector<1000x64xf32>
    %ge3A_89 = arith.constant 0.000000e+00 : f32
    %ge3A_90 = vector.broadcast %ge3A_89 : f32 to vector<1000x64xf32>
    %ge3A_91 = arith.cmpf oge, %dot_general3A_88, %ge3A_90 : vector<1000x64xf32>
    %mul3A_92 = vector.broadcast %get3A_9 : f32 to vector<1000x64xf32>
    %mul3A_93 = arith.mulf %mul3A_92, %dot_general3A_88 : vector<1000x64xf32>
    %select_n3A_94 = arith.select %ge3A_91, %dot_general3A_88, %mul3A_93 : vector<1000x64xi1>, vector<1000x64xf32>
    %dot_general3A_95 = arith.constant dense<0.000000e+00> : vector<1000x64xf32>
    %dot_general3A_96 = tpu.matmul %select_n3A_94, %get3A_7, %dot_general3A_95 {dimension_numbers = #tpu.dot_dimension_numbers<[1], [0], [0], [1], [0, 0, 1, 1], [], []>, transpose_lhs_hint = false} : vector<1000x64xf32>, vector<64x64xf32>, vector<1000x64xf32> -> vector<1000x64xf32>
    %max3A_97 = arith.maximumf %max3A_78, %dot_general3A_96 : vector<1000x64xf32>
    %get3A_98 = arith.constant 5 : index
    %get3A_99 = arith.constant 0 : index
    %get3A_100 = arith.constant 0 : index
    %get3A_101 = vector.load %arg1[%get3A_98, %get3A_99, %get3A_100] : memref<10x1000x128xf32, #tpu.memory_space<vmem>>, vector<1x1000x128xf32>
    %get3A_102 = vector.shape_cast %get3A_101 : vector<1x1000x128xf32> to vector<1000x128xf32>
    %slice3A_103 = vector.extract_strided_slice %get3A_102 {offsets = [0, 0], sizes = [1000, 8], strides = [1, 1]} : vector<1000x128xf32> to vector<1000x8xf32>
    %sub3A_104 = arith.subf %slice3A_103, %get3A_1 : vector<1000x8xf32>
    %concatenate3A_105 = tpu.concatenate %sub3A_104, %get3A_1 in 1 : vector<1000x8xf32>, vector<1000x8xf32> -> vector<1000x16xf32>
    %dot_general3A_106 = arith.constant dense<0.000000e+00> : vector<1000x64xf32>
    %dot_general3A_107 = tpu.matmul %concatenate3A_105, %get3A_4, %dot_general3A_106 {dimension_numbers = #tpu.dot_dimension_numbers<[1], [0], [0], [1], [0, 0, 1, 1], [], []>, transpose_lhs_hint = false} : vector<1000x16xf32>, vector<16x64xf32>, vector<1000x64xf32> -> vector<1000x64xf32>
    %ge3A_108 = arith.constant 0.000000e+00 : f32
    %ge3A_109 = vector.broadcast %ge3A_108 : f32 to vector<1000x64xf32>
    %ge3A_110 = arith.cmpf oge, %dot_general3A_107, %ge3A_109 : vector<1000x64xf32>
    %mul3A_111 = vector.broadcast %get3A_9 : f32 to vector<1000x64xf32>
    %mul3A_112 = arith.mulf %mul3A_111, %dot_general3A_107 : vector<1000x64xf32>
    %select_n3A_113 = arith.select %ge3A_110, %dot_general3A_107, %mul3A_112 : vector<1000x64xi1>, vector<1000x64xf32>
    %dot_general3A_114 = arith.constant dense<0.000000e+00> : vector<1000x64xf32>
    %dot_general3A_115 = tpu.matmul %select_n3A_113, %get3A_7, %dot_general3A_114 {dimension_numbers = #tpu.dot_dimension_numbers<[1], [0], [0], [1], [0, 0, 1, 1], [], []>, transpose_lhs_hint = false} : vector<1000x64xf32>, vector<64x64xf32>, vector<1000x64xf32> -> vector<1000x64xf32>
    %max3A_116 = arith.maximumf %max3A_97, %dot_general3A_115 : vector<1000x64xf32>
    %get3A_117 = arith.constant 6 : index
    %get3A_118 = arith.constant 0 : index
    %get3A_119 = arith.constant 0 : index
    %get3A_120 = vector.load %arg1[%get3A_117, %get3A_118, %get3A_119] : memref<10x1000x128xf32, #tpu.memory_space<vmem>>, vector<1x1000x128xf32>
    %get3A_121 = vector.shape_cast %get3A_120 : vector<1x1000x128xf32> to vector<1000x128xf32>
    %slice3A_122 = vector.extract_strided_slice %get3A_121 {offsets = [0, 0], sizes = [1000, 8], strides = [1, 1]} : vector<1000x128xf32> to vector<1000x8xf32>
    %sub3A_123 = arith.subf %slice3A_122, %get3A_1 : vector<1000x8xf32>
    %concatenate3A_124 = tpu.concatenate %sub3A_123, %get3A_1 in 1 : vector<1000x8xf32>, vector<1000x8xf32> -> vector<1000x16xf32>
    %dot_general3A_125 = arith.constant dense<0.000000e+00> : vector<1000x64xf32>
    %dot_general3A_126 = tpu.matmul %concatenate3A_124, %get3A_4, %dot_general3A_125 {dimension_numbers = #tpu.dot_dimension_numbers<[1], [0], [0], [1], [0, 0, 1, 1], [], []>, transpose_lhs_hint = false} : vector<1000x16xf32>, vector<16x64xf32>, vector<1000x64xf32> -> vector<1000x64xf32>
    %ge3A_127 = arith.constant 0.000000e+00 : f32
    %ge3A_128 = vector.broadcast %ge3A_127 : f32 to vector<1000x64xf32>
    %ge3A_129 = arith.cmpf oge, %dot_general3A_126, %ge3A_128 : vector<1000x64xf32>
    %mul3A_130 = vector.broadcast %get3A_9 : f32 to vector<1000x64xf32>
    %mul3A_131 = arith.mulf %mul3A_130, %dot_general3A_126 : vector<1000x64xf32>
    %select_n3A_132 = arith.select %ge3A_129, %dot_general3A_126, %mul3A_131 : vector<1000x64xi1>, vector<1000x64xf32>
    %dot_general3A_133 = arith.constant dense<0.000000e+00> : vector<1000x64xf32>
    %dot_general3A_134 = tpu.matmul %select_n3A_132, %get3A_7, %dot_general3A_133 {dimension_numbers = #tpu.dot_dimension_numbers<[1], [0], [0], [1], [0, 0, 1, 1], [], []>, transpose_lhs_hint = false} : vector<1000x64xf32>, vector<64x64xf32>, vector<1000x64xf32> -> vector<1000x64xf32>
    %max3A_135 = arith.maximumf %max3A_116, %dot_general3A_134 : vector<1000x64xf32>
    %get3A_136 = arith.constant 7 : index
    %get3A_137 = arith.constant 0 : index
    %get3A_138 = arith.constant 0 : index
    %get3A_139 = vector.load %arg1[%get3A_136, %get3A_137, %get3A_138] : memref<10x1000x128xf32, #tpu.memory_space<vmem>>, vector<1x1000x128xf32>
    %get3A_140 = vector.shape_cast %get3A_139 : vector<1x1000x128xf32> to vector<1000x128xf32>
    %slice3A_141 = vector.extract_strided_slice %get3A_140 {offsets = [0, 0], sizes = [1000, 8], strides = [1, 1]} : vector<1000x128xf32> to vector<1000x8xf32>
    %sub3A_142 = arith.subf %slice3A_141, %get3A_1 : vector<1000x8xf32>
    %concatenate3A_143 = tpu.concatenate %sub3A_142, %get3A_1 in 1 : vector<1000x8xf32>, vector<1000x8xf32> -> vector<1000x16xf32>
    %dot_general3A_144 = arith.constant dense<0.000000e+00> : vector<1000x64xf32>
    %dot_general3A_145 = tpu.matmul %concatenate3A_143, %get3A_4, %dot_general3A_144 {dimension_numbers = #tpu.dot_dimension_numbers<[1], [0], [0], [1], [0, 0, 1, 1], [], []>, transpose_lhs_hint = false} : vector<1000x16xf32>, vector<16x64xf32>, vector<1000x64xf32> -> vector<1000x64xf32>
    %ge3A_146 = arith.constant 0.000000e+00 : f32
    %ge3A_147 = vector.broadcast %ge3A_146 : f32 to vector<1000x64xf32>
    %ge3A_148 = arith.cmpf oge, %dot_general3A_145, %ge3A_147 : vector<1000x64xf32>
    %mul3A_149 = vector.broadcast %get3A_9 : f32 to vector<1000x64xf32>
    %mul3A_150 = arith.mulf %mul3A_149, %dot_general3A_145 : vector<1000x64xf32>
    %select_n3A_151 = arith.select %ge3A_148, %dot_general3A_145, %mul3A_150 : vector<1000x64xi1>, vector<1000x64xf32>
    %dot_general3A_152 = arith.constant dense<0.000000e+00> : vector<1000x64xf32>
    %dot_general3A_153 = tpu.matmul %select_n3A_151, %get3A_7, %dot_general3A_152 {dimension_numbers = #tpu.dot_dimension_numbers<[1], [0], [0], [1], [0, 0, 1, 1], [], []>, transpose_lhs_hint = false} : vector<1000x64xf32>, vector<64x64xf32>, vector<1000x64xf32> -> vector<1000x64xf32>
    %max3A_154 = arith.maximumf %max3A_135, %dot_general3A_153 : vector<1000x64xf32>
    %get3A_155 = arith.constant 8 : index
    %get3A_156 = arith.constant 0 : index
    %get3A_157 = arith.constant 0 : index
    %get3A_158 = vector.load %arg1[%get3A_155, %get3A_156, %get3A_157] : memref<10x1000x128xf32, #tpu.memory_space<vmem>>, vector<1x1000x128xf32>
    %get3A_159 = vector.shape_cast %get3A_158 : vector<1x1000x128xf32> to vector<1000x128xf32>
    %slice3A_160 = vector.extract_strided_slice %get3A_159 {offsets = [0, 0], sizes = [1000, 8], strides = [1, 1]} : vector<1000x128xf32> to vector<1000x8xf32>
    %sub3A_161 = arith.subf %slice3A_160, %get3A_1 : vector<1000x8xf32>
    %concatenate3A_162 = tpu.concatenate %sub3A_161, %get3A_1 in 1 : vector<1000x8xf32>, vector<1000x8xf32> -> vector<1000x16xf32>
    %dot_general3A_163 = arith.constant dense<0.000000e+00> : vector<1000x64xf32>
    %dot_general3A_164 = tpu.matmul %concatenate3A_162, %get3A_4, %dot_general3A_163 {dimension_numbers = #tpu.dot_dimension_numbers<[1], [0], [0], [1], [0, 0, 1, 1], [], []>, transpose_lhs_hint = false} : vector<1000x16xf32>, vector<16x64xf32>, vector<1000x64xf32> -> vector<1000x64xf32>
    %ge3A_165 = arith.constant 0.000000e+00 : f32
    %ge3A_166 = vector.broadcast %ge3A_165 : f32 to vector<1000x64xf32>
    %ge3A_167 = arith.cmpf oge, %dot_general3A_164, %ge3A_166 : vector<1000x64xf32>
    %mul3A_168 = vector.broadcast %get3A_9 : f32 to vector<1000x64xf32>
    %mul3A_169 = arith.mulf %mul3A_168, %dot_general3A_164 : vector<1000x64xf32>
    %select_n3A_170 = arith.select %ge3A_167, %dot_general3A_164, %mul3A_169 : vector<1000x64xi1>, vector<1000x64xf32>
    %dot_general3A_171 = arith.constant dense<0.000000e+00> : vector<1000x64xf32>
    %dot_general3A_172 = tpu.matmul %select_n3A_170, %get3A_7, %dot_general3A_171 {dimension_numbers = #tpu.dot_dimension_numbers<[1], [0], [0], [1], [0, 0, 1, 1], [], []>, transpose_lhs_hint = false} : vector<1000x64xf32>, vector<64x64xf32>, vector<1000x64xf32> -> vector<1000x64xf32>
    %max3A_173 = arith.maximumf %max3A_154, %dot_general3A_172 : vector<1000x64xf32>
    %get3A_174 = arith.constant 9 : index
    %get3A_175 = arith.constant 0 : index
    %get3A_176 = arith.constant 0 : index
    %get3A_177 = vector.load %arg1[%get3A_174, %get3A_175, %get3A_176] : memref<10x1000x128xf32, #tpu.memory_space<vmem>>, vector<1x1000x128xf32>
    %get3A_178 = vector.shape_cast %get3A_177 : vector<1x1000x128xf32> to vector<1000x128xf32>
    %slice3A_179 = vector.extract_strided_slice %get3A_178 {offsets = [0, 0], sizes = [1000, 8], strides = [1, 1]} : vector<1000x128xf32> to vector<1000x8xf32>
    %sub3A_180 = arith.subf %slice3A_179, %get3A_1 : vector<1000x8xf32>
    %concatenate3A_181 = tpu.concatenate %sub3A_180, %get3A_1 in 1 : vector<1000x8xf32>, vector<1000x8xf32> -> vector<1000x16xf32>
    %dot_general3A_182 = arith.constant dense<0.000000e+00> : vector<1000x64xf32>
    %dot_general3A_183 = tpu.matmul %concatenate3A_181, %get3A_4, %dot_general3A_182 {dimension_numbers = #tpu.dot_dimension_numbers<[1], [0], [0], [1], [0, 0, 1, 1], [], []>, transpose_lhs_hint = false} : vector<1000x16xf32>, vector<16x64xf32>, vector<1000x64xf32> -> vector<1000x64xf32>
    %ge3A_184 = arith.constant 0.000000e+00 : f32
    %ge3A_185 = vector.broadcast %ge3A_184 : f32 to vector<1000x64xf32>
    %ge3A_186 = arith.cmpf oge, %dot_general3A_183, %ge3A_185 : vector<1000x64xf32>
    %mul3A_187 = vector.broadcast %get3A_9 : f32 to vector<1000x64xf32>
    %mul3A_188 = arith.mulf %mul3A_187, %dot_general3A_183 : vector<1000x64xf32>
    %select_n3A_189 = arith.select %ge3A_186, %dot_general3A_183, %mul3A_188 : vector<1000x64xi1>, vector<1000x64xf32>
    %dot_general3A_190 = arith.constant dense<0.000000e+00> : vector<1000x64xf32>
    %dot_general3A_191 = tpu.matmul %select_n3A_189, %get3A_7, %dot_general3A_190 {dimension_numbers = #tpu.dot_dimension_numbers<[1], [0], [0], [1], [0, 0, 1, 1], [], []>, transpose_lhs_hint = false} : vector<1000x64xf32>, vector<64x64xf32>, vector<1000x64xf32> -> vector<1000x64xf32>
    %max3A_192 = arith.maximumf %max3A_173, %dot_general3A_191 : vector<1000x64xf32>
    %ge3A_193 = arith.constant 0.000000e+00 : f32
    %ge3A_194 = vector.broadcast %ge3A_193 : f32 to vector<1000x64xf32>
    %ge3A_195 = arith.cmpf oge, %max3A_192, %ge3A_194 : vector<1000x64xf32>
    %mul3A_196 = vector.broadcast %get3A_11 : f32 to vector<1000x64xf32>
    %mul3A_197 = arith.mulf %mul3A_196, %max3A_192 : vector<1000x64xf32>
    %select_n3A_198 = arith.select %ge3A_195, %max3A_192, %mul3A_197 : vector<1000x64xi1>, vector<1000x64xf32>
    %swap3A = arith.constant 0 : index
    %swap3A_199 = arith.constant 0 : index
    %swap3A_200 = vector.load %arg7[%swap3A, %swap3A_199] : memref<1000x64xf32, #tpu.memory_space<vmem>>, vector<1000x64xf32>
    tpu.vector_store %arg7[%swap3A, %swap3A_199], %select_n3A_198 {strides = array<i32>} : memref<1000x64xf32, #tpu.memory_space<vmem>>, vector<1000x64xf32>,
    return
  }
  func.func @transform_0(%arg0: i32) -> (i32, i32, i32) {
    %c0_i32 = arith.constant 0 : i32
    %c0_i32_0 = arith.constant 0 : i32
    %c0_i32_1 = arith.constant 0 : i32
    return %c0_i32, %arg0, %c0_i32_0 : i32, i32, i32
  }
  func.func @transform_1(%arg0: i32) -> (i32, i32) {
    %c0_i32 = arith.constant 0 : i32
    %c0_i32_0 = arith.constant 0 : i32
    return %arg0, %c0_i32 : i32, i32
  }
  func.func @transform_2(%arg0: i32) -> (i32, i32) {
    %c0_i32 = arith.constant 0 : i32
    %c0_i32_0 = arith.constant 0 : i32
    %c0_i32_1 = arith.constant 0 : i32
    return %c0_i32, %c0_i32_0 : i32, i32
  }
  func.func @transform_3(%arg0: i32) -> (i32, i32) {
    %c0_i32 = arith.constant 0 : i32
    %c0_i32_0 = arith.constant 0 : i32
    %c0_i32_1 = arith.constant 0 : i32
    return %c0_i32, %c0_i32_0 : i32, i32
  }
  func.func @transform_4(%arg0: i32) -> i32 {
    %c0_i32 = arith.constant 0 : i32
    %c0_i32_0 = arith.constant 0 : i32
    return %c0_i32 : i32
  }
  func.func @transform_5(%arg0: i32) -> i32 {
    %c0_i32 = arith.constant 0 : i32
    %c0_i32_0 = arith.constant 0 : i32
    return %c0_i32 : i32
  }
  func.func @transform_6(%arg0: i32) -> (i32, i32) {
    %c0_i32 = arith.constant 0 : i32
    %c0_i32_0 = arith.constant 0 : i32
    return %arg0, %c0_i32 : i32, i32
  }
}

module attributes {stable_mosaic.version = 14 : i64} {
  func.func @_knn_body(%arg0: i32, %arg1: memref<64x10112xf32, #tpu.memory_space<vmem>>, %arg2: memref<200x64xf32, #tpu.memory_space<vmem>>, %arg3: memref<200x1xf32, #tpu.memory_space<vmem>>, %arg4: memref<1x10112xf32, #tpu.memory_space<vmem>>, %arg5: memref<200x10xi32, #tpu.memory_space<vmem>>) attributes {dimension_semantics = [#tpu.dimension_semantics<arbitrary>], iteration_bounds = array<i64: 50>, scalar_prefetch = 0 : i64, scratch_operands = 0 : i64, tpu.core_type = #tpu.core_type<tc>, window_params = [{pipeline_mode = #tpu.pipeline_mode<synchronous>, transform_indices = @transform_0, window_bounds = array<i64: 64, 10112>}, {transform_indices = @transform_1, window_bounds = array<i64: 200, 64>}, {transform_indices = @transform_2, window_bounds = array<i64: 200, 1>}, {pipeline_mode = #tpu.pipeline_mode<synchronous>, transform_indices = @transform_3, window_bounds = array<i64: 1, 10112>}, {transform_indices = @transform_4, window_bounds = array<i64: 200, 10>}]} {
    %get3A = arith.constant 0 : index
    %get3A_0 = arith.constant 0 : index
    %get3A_1 = vector.load %arg2[%get3A, %get3A_0] : memref<200x64xf32, #tpu.memory_space<vmem>>, vector<200x64xf32>
    %get3A_2 = arith.constant 0 : index
    %get3A_3 = arith.constant 0 : index
    %get3A_4 = vector.load %arg1[%get3A_2, %get3A_3] : memref<64x10112xf32, #tpu.memory_space<vmem>>, vector<64x10112xf32>
    %get3A_5 = arith.constant 0 : index
    %get3A_6 = arith.constant 0 : index
    %get3A_7 = vector.load %arg3[%get3A_5, %get3A_6] : memref<200x1xf32, #tpu.memory_space<vmem>>, vector<200x1xf32>
    %get3A_8 = arith.constant 0 : index
    %get3A_9 = arith.constant 0 : index
    %get3A_10 = vector.load %arg4[%get3A_8, %get3A_9] : memref<1x10112xf32, #tpu.memory_space<vmem>>, vector<1x10112xf32>
    %add3A = vector.broadcast %get3A_7 : vector<200x1xf32> to vector<200x10112xf32>
    %add3A_11 = vector.broadcast %get3A_10 : vector<1x10112xf32> to vector<200x10112xf32>
    %add3A_12 = arith.addf %add3A, %add3A_11 : vector<200x10112xf32>
    %dot_general3A = arith.constant dense<0.000000e+00> : vector<200x10112xf32>
    %dot_general3A_13 = tpu.matmul %get3A_1, %get3A_4, %dot_general3A {dimension_numbers = #tpu.dot_dimension_numbers<[1], [0], [0], [1], [0, 0, 1, 1], [], []>, transpose_lhs_hint = false} : vector<200x64xf32>, vector<64x10112xf32>, vector<200x10112xf32> -> vector<200x10112xf32>
    %mul3A = arith.constant 2.000000e+00 : f32
    %mul3A_14 = vector.broadcast %mul3A : f32 to vector<200x10112xf32>
    %mul3A_15 = arith.mulf %mul3A_14, %dot_general3A_13 : vector<200x10112xf32>
    %sub3A = arith.subf %add3A_12, %mul3A_15 : vector<200x10112xf32>
    %iota3A = tpu.iota {dimensions = array<i32: 1>} : vector<1x10112xi32>
    %lt3A = arith.constant 10000 : i32
    %lt3A_16 = vector.broadcast %lt3A : i32 to vector<1x10112xi32>
    %lt3A_17 = arith.cmpi slt, %iota3A, %lt3A_16 : vector<1x10112xi32>
    %jit3A = arith.constant 1.000000e+30 : f32
    %broadcast_in_dim3A = vector.shape_cast %lt3A_17 : vector<1x10112xi1> to vector<1x10112xi1>
    %broadcast_in_dim3A_18 = vector.broadcast %broadcast_in_dim3A : vector<1x10112xi1> to vector<200x10112xi1>
    %broadcast_in_dim3A_19 = vector.broadcast %jit3A : f32 to vector<200x10112xf32>
    %select_n3A = arith.select %broadcast_in_dim3A_18, %sub3A, %broadcast_in_dim3A_19 : vector<200x10112xi1>, vector<200x10112xf32>
    %iota3A_20 = tpu.iota {dimensions = array<i32: 1>} : vector<200x10112xi32>
    %reduce_min3A = arith.constant dense<0x7F800000> : vector<200xf32>
    %reduce_min3A_21 = vector.multi_reduction <minimumf>, %select_n3A, %reduce_min3A [1] : vector<200x10112xf32> to vector<200xf32>
    %broadcast_in_dim3A_22 = vector.shape_cast %reduce_min3A_21 : vector<200xf32> to vector<200x1xf32>
    %le3A = vector.broadcast %broadcast_in_dim3A_22 : vector<200x1xf32> to vector<200x10112xf32>
    %le3A_23 = arith.cmpf ole, %select_n3A, %le3A : vector<200x10112xf32>
    %jit3A_24 = arith.constant 2147483647 : i32
    %broadcast_in_dim3A_25 = vector.broadcast %jit3A_24 : i32 to vector<200x10112xi32>
    %select_n3A_26 = arith.select %le3A_23, %iota3A_20, %broadcast_in_dim3A_25 : vector<200x10112xi1>, vector<200x10112xi32>
    %reduce_min3A_27 = arith.constant dense<2147483647> : vector<200xi32>
    %reduce_min3A_28 = vector.multi_reduction <minsi>, %select_n3A_26, %reduce_min3A_27 [1] : vector<200x10112xi32> to vector<200xi32>
    %broadcast_in_dim3A_29 = vector.shape_cast %reduce_min3A_28 : vector<200xi32> to vector<200x1xi32>
    %eq3A = vector.broadcast %broadcast_in_dim3A_29 : vector<200x1xi32> to vector<200x10112xi32>
    %eq3A_30 = arith.cmpi eq, %iota3A_20, %eq3A : vector<200x10112xi32>
    %jit3A_31 = arith.constant 1.000000e+30 : f32
    %broadcast_in_dim3A_32 = vector.broadcast %jit3A_31 : f32 to vector<200x10112xf32>
    %select_n3A_33 = arith.select %eq3A_30, %broadcast_in_dim3A_32, %select_n3A : vector<200x10112xi1>, vector<200x10112xf32>
    %reduce_min3A_34 = arith.constant dense<0x7F800000> : vector<200xf32>
    %reduce_min3A_35 = vector.multi_reduction <minimumf>, %select_n3A_33, %reduce_min3A_34 [1] : vector<200x10112xf32> to vector<200xf32>
    %broadcast_in_dim3A_36 = vector.shape_cast %reduce_min3A_35 : vector<200xf32> to vector<200x1xf32>
    %le3A_37 = vector.broadcast %broadcast_in_dim3A_36 : vector<200x1xf32> to vector<200x10112xf32>
    %le3A_38 = arith.cmpf ole, %select_n3A_33, %le3A_37 : vector<200x10112xf32>
    %jit3A_39 = arith.constant 2147483647 : i32
    %broadcast_in_dim3A_40 = vector.broadcast %jit3A_39 : i32 to vector<200x10112xi32>
    %select_n3A_41 = arith.select %le3A_38, %iota3A_20, %broadcast_in_dim3A_40 : vector<200x10112xi1>, vector<200x10112xi32>
    %reduce_min3A_42 = arith.constant dense<2147483647> : vector<200xi32>
    %reduce_min3A_43 = vector.multi_reduction <minsi>, %select_n3A_41, %reduce_min3A_42 [1] : vector<200x10112xi32> to vector<200xi32>
    %broadcast_in_dim3A_44 = vector.shape_cast %reduce_min3A_43 : vector<200xi32> to vector<200x1xi32>
    %eq3A_45 = vector.broadcast %broadcast_in_dim3A_44 : vector<200x1xi32> to vector<200x10112xi32>
    %eq3A_46 = arith.cmpi eq, %iota3A_20, %eq3A_45 : vector<200x10112xi32>
    %jit3A_47 = arith.constant 1.000000e+30 : f32
    %broadcast_in_dim3A_48 = vector.broadcast %jit3A_47 : f32 to vector<200x10112xf32>
    %select_n3A_49 = arith.select %eq3A_46, %broadcast_in_dim3A_48, %select_n3A_33 : vector<200x10112xi1>, vector<200x10112xf32>
    %reduce_min3A_50 = arith.constant dense<0x7F800000> : vector<200xf32>
    %reduce_min3A_51 = vector.multi_reduction <minimumf>, %select_n3A_49, %reduce_min3A_50 [1] : vector<200x10112xf32> to vector<200xf32>
    %broadcast_in_dim3A_52 = vector.shape_cast %reduce_min3A_51 : vector<200xf32> to vector<200x1xf32>
    %le3A_53 = vector.broadcast %broadcast_in_dim3A_52 : vector<200x1xf32> to vector<200x10112xf32>
    %le3A_54 = arith.cmpf ole, %select_n3A_49, %le3A_53 : vector<200x10112xf32>
    %jit3A_55 = arith.constant 2147483647 : i32
    %broadcast_in_dim3A_56 = vector.broadcast %jit3A_55 : i32 to vector<200x10112xi32>
    %select_n3A_57 = arith.select %le3A_54, %iota3A_20, %broadcast_in_dim3A_56 : vector<200x10112xi1>, vector<200x10112xi32>
    %reduce_min3A_58 = arith.constant dense<2147483647> : vector<200xi32>
    %reduce_min3A_59 = vector.multi_reduction <minsi>, %select_n3A_57, %reduce_min3A_58 [1] : vector<200x10112xi32> to vector<200xi32>
    %broadcast_in_dim3A_60 = vector.shape_cast %reduce_min3A_59 : vector<200xi32> to vector<200x1xi32>
    %eq3A_61 = vector.broadcast %broadcast_in_dim3A_60 : vector<200x1xi32> to vector<200x10112xi32>
    %eq3A_62 = arith.cmpi eq, %iota3A_20, %eq3A_61 : vector<200x10112xi32>
    %jit3A_63 = arith.constant 1.000000e+30 : f32
    %broadcast_in_dim3A_64 = vector.broadcast %jit3A_63 : f32 to vector<200x10112xf32>
    %select_n3A_65 = arith.select %eq3A_62, %broadcast_in_dim3A_64, %select_n3A_49 : vector<200x10112xi1>, vector<200x10112xf32>
    %reduce_min3A_66 = arith.constant dense<0x7F800000> : vector<200xf32>
    %reduce_min3A_67 = vector.multi_reduction <minimumf>, %select_n3A_65, %reduce_min3A_66 [1] : vector<200x10112xf32> to vector<200xf32>
    %broadcast_in_dim3A_68 = vector.shape_cast %reduce_min3A_67 : vector<200xf32> to vector<200x1xf32>
    %le3A_69 = vector.broadcast %broadcast_in_dim3A_68 : vector<200x1xf32> to vector<200x10112xf32>
    %le3A_70 = arith.cmpf ole, %select_n3A_65, %le3A_69 : vector<200x10112xf32>
    %jit3A_71 = arith.constant 2147483647 : i32
    %broadcast_in_dim3A_72 = vector.broadcast %jit3A_71 : i32 to vector<200x10112xi32>
    %select_n3A_73 = arith.select %le3A_70, %iota3A_20, %broadcast_in_dim3A_72 : vector<200x10112xi1>, vector<200x10112xi32>
    %reduce_min3A_74 = arith.constant dense<2147483647> : vector<200xi32>
    %reduce_min3A_75 = vector.multi_reduction <minsi>, %select_n3A_73, %reduce_min3A_74 [1] : vector<200x10112xi32> to vector<200xi32>
    %broadcast_in_dim3A_76 = vector.shape_cast %reduce_min3A_75 : vector<200xi32> to vector<200x1xi32>
    %eq3A_77 = vector.broadcast %broadcast_in_dim3A_76 : vector<200x1xi32> to vector<200x10112xi32>
    %eq3A_78 = arith.cmpi eq, %iota3A_20, %eq3A_77 : vector<200x10112xi32>
    %jit3A_79 = arith.constant 1.000000e+30 : f32
    %broadcast_in_dim3A_80 = vector.broadcast %jit3A_79 : f32 to vector<200x10112xf32>
    %select_n3A_81 = arith.select %eq3A_78, %broadcast_in_dim3A_80, %select_n3A_65 : vector<200x10112xi1>, vector<200x10112xf32>
    %reduce_min3A_82 = arith.constant dense<0x7F800000> : vector<200xf32>
    %reduce_min3A_83 = vector.multi_reduction <minimumf>, %select_n3A_81, %reduce_min3A_82 [1] : vector<200x10112xf32> to vector<200xf32>
    %broadcast_in_dim3A_84 = vector.shape_cast %reduce_min3A_83 : vector<200xf32> to vector<200x1xf32>
    %le3A_85 = vector.broadcast %broadcast_in_dim3A_84 : vector<200x1xf32> to vector<200x10112xf32>
    %le3A_86 = arith.cmpf ole, %select_n3A_81, %le3A_85 : vector<200x10112xf32>
    %jit3A_87 = arith.constant 2147483647 : i32
    %broadcast_in_dim3A_88 = vector.broadcast %jit3A_87 : i32 to vector<200x10112xi32>
    %select_n3A_89 = arith.select %le3A_86, %iota3A_20, %broadcast_in_dim3A_88 : vector<200x10112xi1>, vector<200x10112xi32>
    %reduce_min3A_90 = arith.constant dense<2147483647> : vector<200xi32>
    %reduce_min3A_91 = vector.multi_reduction <minsi>, %select_n3A_89, %reduce_min3A_90 [1] : vector<200x10112xi32> to vector<200xi32>
    %broadcast_in_dim3A_92 = vector.shape_cast %reduce_min3A_91 : vector<200xi32> to vector<200x1xi32>
    %eq3A_93 = vector.broadcast %broadcast_in_dim3A_92 : vector<200x1xi32> to vector<200x10112xi32>
    %eq3A_94 = arith.cmpi eq, %iota3A_20, %eq3A_93 : vector<200x10112xi32>
    %jit3A_95 = arith.constant 1.000000e+30 : f32
    %broadcast_in_dim3A_96 = vector.broadcast %jit3A_95 : f32 to vector<200x10112xf32>
    %select_n3A_97 = arith.select %eq3A_94, %broadcast_in_dim3A_96, %select_n3A_81 : vector<200x10112xi1>, vector<200x10112xf32>
    %reduce_min3A_98 = arith.constant dense<0x7F800000> : vector<200xf32>
    %reduce_min3A_99 = vector.multi_reduction <minimumf>, %select_n3A_97, %reduce_min3A_98 [1] : vector<200x10112xf32> to vector<200xf32>
    %broadcast_in_dim3A_100 = vector.shape_cast %reduce_min3A_99 : vector<200xf32> to vector<200x1xf32>
    %le3A_101 = vector.broadcast %broadcast_in_dim3A_100 : vector<200x1xf32> to vector<200x10112xf32>
    %le3A_102 = arith.cmpf ole, %select_n3A_97, %le3A_101 : vector<200x10112xf32>
    %jit3A_103 = arith.constant 2147483647 : i32
    %broadcast_in_dim3A_104 = vector.broadcast %jit3A_103 : i32 to vector<200x10112xi32>
    %select_n3A_105 = arith.select %le3A_102, %iota3A_20, %broadcast_in_dim3A_104 : vector<200x10112xi1>, vector<200x10112xi32>
    %reduce_min3A_106 = arith.constant dense<2147483647> : vector<200xi32>
    %reduce_min3A_107 = vector.multi_reduction <minsi>, %select_n3A_105, %reduce_min3A_106 [1] : vector<200x10112xi32> to vector<200xi32>
    %broadcast_in_dim3A_108 = vector.shape_cast %reduce_min3A_107 : vector<200xi32> to vector<200x1xi32>
    %eq3A_109 = vector.broadcast %broadcast_in_dim3A_108 : vector<200x1xi32> to vector<200x10112xi32>
    %eq3A_110 = arith.cmpi eq, %iota3A_20, %eq3A_109 : vector<200x10112xi32>
    %jit3A_111 = arith.constant 1.000000e+30 : f32
    %broadcast_in_dim3A_112 = vector.broadcast %jit3A_111 : f32 to vector<200x10112xf32>
    %select_n3A_113 = arith.select %eq3A_110, %broadcast_in_dim3A_112, %select_n3A_97 : vector<200x10112xi1>, vector<200x10112xf32>
    %reduce_min3A_114 = arith.constant dense<0x7F800000> : vector<200xf32>
    %reduce_min3A_115 = vector.multi_reduction <minimumf>, %select_n3A_113, %reduce_min3A_114 [1] : vector<200x10112xf32> to vector<200xf32>
    %broadcast_in_dim3A_116 = vector.shape_cast %reduce_min3A_115 : vector<200xf32> to vector<200x1xf32>
    %le3A_117 = vector.broadcast %broadcast_in_dim3A_116 : vector<200x1xf32> to vector<200x10112xf32>
    %le3A_118 = arith.cmpf ole, %select_n3A_113, %le3A_117 : vector<200x10112xf32>
    %jit3A_119 = arith.constant 2147483647 : i32
    %broadcast_in_dim3A_120 = vector.broadcast %jit3A_119 : i32 to vector<200x10112xi32>
    %select_n3A_121 = arith.select %le3A_118, %iota3A_20, %broadcast_in_dim3A_120 : vector<200x10112xi1>, vector<200x10112xi32>
    %reduce_min3A_122 = arith.constant dense<2147483647> : vector<200xi32>
    %reduce_min3A_123 = vector.multi_reduction <minsi>, %select_n3A_121, %reduce_min3A_122 [1] : vector<200x10112xi32> to vector<200xi32>
    %broadcast_in_dim3A_124 = vector.shape_cast %reduce_min3A_123 : vector<200xi32> to vector<200x1xi32>
    %eq3A_125 = vector.broadcast %broadcast_in_dim3A_124 : vector<200x1xi32> to vector<200x10112xi32>
    %eq3A_126 = arith.cmpi eq, %iota3A_20, %eq3A_125 : vector<200x10112xi32>
    %jit3A_127 = arith.constant 1.000000e+30 : f32
    %broadcast_in_dim3A_128 = vector.broadcast %jit3A_127 : f32 to vector<200x10112xf32>
    %select_n3A_129 = arith.select %eq3A_126, %broadcast_in_dim3A_128, %select_n3A_113 : vector<200x10112xi1>, vector<200x10112xf32>
    %reduce_min3A_130 = arith.constant dense<0x7F800000> : vector<200xf32>
    %reduce_min3A_131 = vector.multi_reduction <minimumf>, %select_n3A_129, %reduce_min3A_130 [1] : vector<200x10112xf32> to vector<200xf32>
    %broadcast_in_dim3A_132 = vector.shape_cast %reduce_min3A_131 : vector<200xf32> to vector<200x1xf32>
    %le3A_133 = vector.broadcast %broadcast_in_dim3A_132 : vector<200x1xf32> to vector<200x10112xf32>
    %le3A_134 = arith.cmpf ole, %select_n3A_129, %le3A_133 : vector<200x10112xf32>
    %jit3A_135 = arith.constant 2147483647 : i32
    %broadcast_in_dim3A_136 = vector.broadcast %jit3A_135 : i32 to vector<200x10112xi32>
    %select_n3A_137 = arith.select %le3A_134, %iota3A_20, %broadcast_in_dim3A_136 : vector<200x10112xi1>, vector<200x10112xi32>
    %reduce_min3A_138 = arith.constant dense<2147483647> : vector<200xi32>
    %reduce_min3A_139 = vector.multi_reduction <minsi>, %select_n3A_137, %reduce_min3A_138 [1] : vector<200x10112xi32> to vector<200xi32>
    %broadcast_in_dim3A_140 = vector.shape_cast %reduce_min3A_139 : vector<200xi32> to vector<200x1xi32>
    %eq3A_141 = vector.broadcast %broadcast_in_dim3A_140 : vector<200x1xi32> to vector<200x10112xi32>
    %eq3A_142 = arith.cmpi eq, %iota3A_20, %eq3A_141 : vector<200x10112xi32>
    %jit3A_143 = arith.constant 1.000000e+30 : f32
    %broadcast_in_dim3A_144 = vector.broadcast %jit3A_143 : f32 to vector<200x10112xf32>
    %select_n3A_145 = arith.select %eq3A_142, %broadcast_in_dim3A_144, %select_n3A_129 : vector<200x10112xi1>, vector<200x10112xf32>
    %reduce_min3A_146 = arith.constant dense<0x7F800000> : vector<200xf32>
    %reduce_min3A_147 = vector.multi_reduction <minimumf>, %select_n3A_145, %reduce_min3A_146 [1] : vector<200x10112xf32> to vector<200xf32>
    %broadcast_in_dim3A_148 = vector.shape_cast %reduce_min3A_147 : vector<200xf32> to vector<200x1xf32>
    %le3A_149 = vector.broadcast %broadcast_in_dim3A_148 : vector<200x1xf32> to vector<200x10112xf32>
    %le3A_150 = arith.cmpf ole, %select_n3A_145, %le3A_149 : vector<200x10112xf32>
    %jit3A_151 = arith.constant 2147483647 : i32
    %broadcast_in_dim3A_152 = vector.broadcast %jit3A_151 : i32 to vector<200x10112xi32>
    %select_n3A_153 = arith.select %le3A_150, %iota3A_20, %broadcast_in_dim3A_152 : vector<200x10112xi1>, vector<200x10112xi32>
    %reduce_min3A_154 = arith.constant dense<2147483647> : vector<200xi32>
    %reduce_min3A_155 = vector.multi_reduction <minsi>, %select_n3A_153, %reduce_min3A_154 [1] : vector<200x10112xi32> to vector<200xi32>
    %broadcast_in_dim3A_156 = vector.shape_cast %reduce_min3A_155 : vector<200xi32> to vector<200x1xi32>
    %eq3A_157 = vector.broadcast %broadcast_in_dim3A_156 : vector<200x1xi32> to vector<200x10112xi32>
    %eq3A_158 = arith.cmpi eq, %iota3A_20, %eq3A_157 : vector<200x10112xi32>
    %jit3A_159 = arith.constant 1.000000e+30 : f32
    %broadcast_in_dim3A_160 = vector.broadcast %jit3A_159 : f32 to vector<200x10112xf32>
    %select_n3A_161 = arith.select %eq3A_158, %broadcast_in_dim3A_160, %select_n3A_145 : vector<200x10112xi1>, vector<200x10112xf32>
    %reduce_min3A_162 = arith.constant dense<0x7F800000> : vector<200xf32>
    %reduce_min3A_163 = vector.multi_reduction <minimumf>, %select_n3A_161, %reduce_min3A_162 [1] : vector<200x10112xf32> to vector<200xf32>
    %broadcast_in_dim3A_164 = vector.shape_cast %reduce_min3A_163 : vector<200xf32> to vector<200x1xf32>
    %le3A_165 = vector.broadcast %broadcast_in_dim3A_164 : vector<200x1xf32> to vector<200x10112xf32>
    %le3A_166 = arith.cmpf ole, %select_n3A_161, %le3A_165 : vector<200x10112xf32>
    %jit3A_167 = arith.constant 2147483647 : i32
    %broadcast_in_dim3A_168 = vector.broadcast %jit3A_167 : i32 to vector<200x10112xi32>
    %select_n3A_169 = arith.select %le3A_166, %iota3A_20, %broadcast_in_dim3A_168 : vector<200x10112xi1>, vector<200x10112xi32>
    %reduce_min3A_170 = arith.constant dense<2147483647> : vector<200xi32>
    %reduce_min3A_171 = vector.multi_reduction <minsi>, %select_n3A_169, %reduce_min3A_170 [1] : vector<200x10112xi32> to vector<200xi32>
    %broadcast_in_dim3A_172 = vector.shape_cast %reduce_min3A_171 : vector<200xi32> to vector<200x1xi32>
    %concatenate3A = tpu.concatenate %broadcast_in_dim3A_29, %broadcast_in_dim3A_44, %broadcast_in_dim3A_60, %broadcast_in_dim3A_76, %broadcast_in_dim3A_92, %broadcast_in_dim3A_108, %broadcast_in_dim3A_124, %broadcast_in_dim3A_140, %broadcast_in_dim3A_156, %broadcast_in_dim3A_172 in 1 : vector<200x1xi32>, vector<200x1xi32>, vector<200x1xi32>, vector<200x1xi32>, vector<200x1xi32>, vector<200x1xi32>, vector<200x1xi32>, vector<200x1xi32>, vector<200x1xi32>, vector<200x1xi32> -> vector<200x10xi32>
    %swap3A = arith.constant 0 : index
    %swap3A_173 = arith.constant 0 : index
    %swap3A_174 = vector.load %arg5[%swap3A, %swap3A_173] : memref<200x10xi32, #tpu.memory_space<vmem>>, vector<200x10xi32>
    tpu.vector_store %arg5[%swap3A, %swap3A_173], %concatenate3A {strides = array<i32>} : memref<200x10xi32, #tpu.memory_space<vmem>>, vector<200x10xi32>,
    return
  }
  func.func @transform_0(%arg0: i32) -> (i32, i32) {
    %c0_i32 = arith.constant 0 : i32
    %c0_i32_0 = arith.constant 0 : i32
    %c0_i32_1 = arith.constant 0 : i32
    return %c0_i32, %c0_i32_0 : i32, i32
  }
  func.func @transform_1(%arg0: i32) -> (i32, i32) {
    %c0_i32 = arith.constant 0 : i32
    %c0_i32_0 = arith.constant 0 : i32
    return %arg0, %c0_i32 : i32, i32
  }
  func.func @transform_2(%arg0: i32) -> (i32, i32) {
    %c0_i32 = arith.constant 0 : i32
    %c0_i32_0 = arith.constant 0 : i32
    return %arg0, %c0_i32 : i32, i32
  }
  func.func @transform_3(%arg0: i32) -> (i32, i32) {
    %c0_i32 = arith.constant 0 : i32
    %c0_i32_0 = arith.constant 0 : i32
    %c0_i32_1 = arith.constant 0 : i32
    return %c0_i32, %c0_i32_0 : i32, i32
  }
  func.func @transform_4(%arg0: i32) -> (i32, i32) {
    %c0_i32 = arith.constant 0 : i32
    %c0_i32_0 = arith.constant 0 : i32
    return %arg0, %c0_i32 : i32, i32
  }
}

module attributes {stable_mosaic.version = 14 : i64} {
  func.func @_edge_body(%arg0: i32, %arg1: memref<10x1000x128xf32, #tpu.memory_space<vmem>>, %arg2: memref<1000x64xf32, #tpu.memory_space<vmem>>, %arg3: memref<128x64xf32, #tpu.memory_space<vmem>>, %arg4: memref<64x64xf32, #tpu.memory_space<vmem>>, %arg5: memref<1xf32, #tpu.memory_space<smem>>, %arg6: memref<1xf32, #tpu.memory_space<smem>>, %arg7: memref<1000x64xf32, #tpu.memory_space<vmem>>) attributes {dimension_semantics = [#tpu.dimension_semantics<arbitrary>], iteration_bounds = array<i64: 10>, scalar_prefetch = 0 : i64, scratch_operands = 0 : i64, tpu.core_type = #tpu.core_type<tc>, window_params = [{transform_indices = @transform_0, window_bounds = array<i64: 10, 1000, 128>}, {transform_indices = @transform_1, window_bounds = array<i64: 1000, 64>}, {pipeline_mode = #tpu.pipeline_mode<synchronous>, transform_indices = @transform_2, window_bounds = array<i64: 128, 64>}, {pipeline_mode = #tpu.pipeline_mode<synchronous>, transform_indices = @transform_3, window_bounds = array<i64: 64, 64>}, {transform_indices = @transform_4, window_bounds = array<i64: 1>}, {transform_indices = @transform_5, window_bounds = array<i64: 1>}, {transform_indices = @transform_6, window_bounds = array<i64: 1000, 64>}]} {
    %get3A = arith.constant 0 : index
    %get3A_0 = arith.constant 0 : index
    %get3A_1 = vector.load %arg2[%get3A, %get3A_0] : memref<1000x64xf32, #tpu.memory_space<vmem>>, vector<1000x64xf32>
    %get3A_2 = arith.constant 0 : index
    %get3A_3 = arith.constant 0 : index
    %get3A_4 = vector.load %arg3[%get3A_2, %get3A_3] : memref<128x64xf32, #tpu.memory_space<vmem>>, vector<128x64xf32>
    %get3A_5 = arith.constant 0 : index
    %get3A_6 = arith.constant 0 : index
    %get3A_7 = vector.load %arg4[%get3A_5, %get3A_6] : memref<64x64xf32, #tpu.memory_space<vmem>>, vector<64x64xf32>
    %get3A_8 = arith.constant 0 : index
    %get3A_9 = memref.load %arg5[%get3A_8] : memref<1xf32, #tpu.memory_space<smem>>
    %get3A_10 = arith.constant 0 : index
    %get3A_11 = memref.load %arg6[%get3A_10] : memref<1xf32, #tpu.memory_space<smem>>
    %get3A_12 = arith.constant 0 : index
    %get3A_13 = arith.constant 0 : index
    %get3A_14 = arith.constant 0 : index
    %get3A_15 = vector.load %arg1[%get3A_12, %get3A_13, %get3A_14] : memref<10x1000x128xf32, #tpu.memory_space<vmem>>, vector<1x1000x128xf32>
    %get3A_16 = vector.shape_cast %get3A_15 : vector<1x1000x128xf32> to vector<1000x128xf32>
    %slice3A = vector.extract_strided_slice %get3A_16 {offsets = [0, 0], sizes = [1000, 64], strides = [1, 1]} : vector<1000x128xf32> to vector<1000x64xf32>
    %sub3A = arith.subf %slice3A, %get3A_1 : vector<1000x64xf32>
    %concatenate3A = tpu.concatenate %sub3A, %get3A_1 in 1 : vector<1000x64xf32>, vector<1000x64xf32> -> vector<1000x128xf32>
    %dot_general3A = arith.constant dense<0.000000e+00> : vector<1000x64xf32>
    %dot_general3A_17 = tpu.matmul %concatenate3A, %get3A_4, %dot_general3A {dimension_numbers = #tpu.dot_dimension_numbers<[1], [0], [0], [1], [0, 0, 1, 1], [], []>, transpose_lhs_hint = false} : vector<1000x128xf32>, vector<128x64xf32>, vector<1000x64xf32> -> vector<1000x64xf32>
    %ge3A = arith.constant 0.000000e+00 : f32
    %ge3A_18 = vector.broadcast %ge3A : f32 to vector<1000x64xf32>
    %ge3A_19 = arith.cmpf oge, %dot_general3A_17, %ge3A_18 : vector<1000x64xf32>
    %mul3A = vector.broadcast %get3A_9 : f32 to vector<1000x64xf32>
    %mul3A_20 = arith.mulf %mul3A, %dot_general3A_17 : vector<1000x64xf32>
    %select_n3A = arith.select %ge3A_19, %dot_general3A_17, %mul3A_20 : vector<1000x64xi1>, vector<1000x64xf32>
    %dot_general3A_21 = arith.constant dense<0.000000e+00> : vector<1000x64xf32>
    %dot_general3A_22 = tpu.matmul %select_n3A, %get3A_7, %dot_general3A_21 {dimension_numbers = #tpu.dot_dimension_numbers<[1], [0], [0], [1], [0, 0, 1, 1], [], []>, transpose_lhs_hint = false} : vector<1000x64xf32>, vector<64x64xf32>, vector<1000x64xf32> -> vector<1000x64xf32>
    %get3A_23 = arith.constant 1 : index
    %get3A_24 = arith.constant 0 : index
    %get3A_25 = arith.constant 0 : index
    %get3A_26 = vector.load %arg1[%get3A_23, %get3A_24, %get3A_25] : memref<10x1000x128xf32, #tpu.memory_space<vmem>>, vector<1x1000x128xf32>
    %get3A_27 = vector.shape_cast %get3A_26 : vector<1x1000x128xf32> to vector<1000x128xf32>
    %slice3A_28 = vector.extract_strided_slice %get3A_27 {offsets = [0, 0], sizes = [1000, 64], strides = [1, 1]} : vector<1000x128xf32> to vector<1000x64xf32>
    %sub3A_29 = arith.subf %slice3A_28, %get3A_1 : vector<1000x64xf32>
    %concatenate3A_30 = tpu.concatenate %sub3A_29, %get3A_1 in 1 : vector<1000x64xf32>, vector<1000x64xf32> -> vector<1000x128xf32>
    %dot_general3A_31 = arith.constant dense<0.000000e+00> : vector<1000x64xf32>
    %dot_general3A_32 = tpu.matmul %concatenate3A_30, %get3A_4, %dot_general3A_31 {dimension_numbers = #tpu.dot_dimension_numbers<[1], [0], [0], [1], [0, 0, 1, 1], [], []>, transpose_lhs_hint = false} : vector<1000x128xf32>, vector<128x64xf32>, vector<1000x64xf32> -> vector<1000x64xf32>
    %ge3A_33 = arith.constant 0.000000e+00 : f32
    %ge3A_34 = vector.broadcast %ge3A_33 : f32 to vector<1000x64xf32>
    %ge3A_35 = arith.cmpf oge, %dot_general3A_32, %ge3A_34 : vector<1000x64xf32>
    %mul3A_36 = vector.broadcast %get3A_9 : f32 to vector<1000x64xf32>
    %mul3A_37 = arith.mulf %mul3A_36, %dot_general3A_32 : vector<1000x64xf32>
    %select_n3A_38 = arith.select %ge3A_35, %dot_general3A_32, %mul3A_37 : vector<1000x64xi1>, vector<1000x64xf32>
    %dot_general3A_39 = arith.constant dense<0.000000e+00> : vector<1000x64xf32>
    %dot_general3A_40 = tpu.matmul %select_n3A_38, %get3A_7, %dot_general3A_39 {dimension_numbers = #tpu.dot_dimension_numbers<[1], [0], [0], [1], [0, 0, 1, 1], [], []>, transpose_lhs_hint = false} : vector<1000x64xf32>, vector<64x64xf32>, vector<1000x64xf32> -> vector<1000x64xf32>
    %max3A = arith.maximumf %dot_general3A_22, %dot_general3A_40 : vector<1000x64xf32>
    %get3A_41 = arith.constant 2 : index
    %get3A_42 = arith.constant 0 : index
    %get3A_43 = arith.constant 0 : index
    %get3A_44 = vector.load %arg1[%get3A_41, %get3A_42, %get3A_43] : memref<10x1000x128xf32, #tpu.memory_space<vmem>>, vector<1x1000x128xf32>
    %get3A_45 = vector.shape_cast %get3A_44 : vector<1x1000x128xf32> to vector<1000x128xf32>
    %slice3A_46 = vector.extract_strided_slice %get3A_45 {offsets = [0, 0], sizes = [1000, 64], strides = [1, 1]} : vector<1000x128xf32> to vector<1000x64xf32>
    %sub3A_47 = arith.subf %slice3A_46, %get3A_1 : vector<1000x64xf32>
    %concatenate3A_48 = tpu.concatenate %sub3A_47, %get3A_1 in 1 : vector<1000x64xf32>, vector<1000x64xf32> -> vector<1000x128xf32>
    %dot_general3A_49 = arith.constant dense<0.000000e+00> : vector<1000x64xf32>
    %dot_general3A_50 = tpu.matmul %concatenate3A_48, %get3A_4, %dot_general3A_49 {dimension_numbers = #tpu.dot_dimension_numbers<[1], [0], [0], [1], [0, 0, 1, 1], [], []>, transpose_lhs_hint = false} : vector<1000x128xf32>, vector<128x64xf32>, vector<1000x64xf32> -> vector<1000x64xf32>
    %ge3A_51 = arith.constant 0.000000e+00 : f32
    %ge3A_52 = vector.broadcast %ge3A_51 : f32 to vector<1000x64xf32>
    %ge3A_53 = arith.cmpf oge, %dot_general3A_50, %ge3A_52 : vector<1000x64xf32>
    %mul3A_54 = vector.broadcast %get3A_9 : f32 to vector<1000x64xf32>
    %mul3A_55 = arith.mulf %mul3A_54, %dot_general3A_50 : vector<1000x64xf32>
    %select_n3A_56 = arith.select %ge3A_53, %dot_general3A_50, %mul3A_55 : vector<1000x64xi1>, vector<1000x64xf32>
    %dot_general3A_57 = arith.constant dense<0.000000e+00> : vector<1000x64xf32>
    %dot_general3A_58 = tpu.matmul %select_n3A_56, %get3A_7, %dot_general3A_57 {dimension_numbers = #tpu.dot_dimension_numbers<[1], [0], [0], [1], [0, 0, 1, 1], [], []>, transpose_lhs_hint = false} : vector<1000x64xf32>, vector<64x64xf32>, vector<1000x64xf32> -> vector<1000x64xf32>
    %max3A_59 = arith.maximumf %max3A, %dot_general3A_58 : vector<1000x64xf32>
    %get3A_60 = arith.constant 3 : index
    %get3A_61 = arith.constant 0 : index
    %get3A_62 = arith.constant 0 : index
    %get3A_63 = vector.load %arg1[%get3A_60, %get3A_61, %get3A_62] : memref<10x1000x128xf32, #tpu.memory_space<vmem>>, vector<1x1000x128xf32>
    %get3A_64 = vector.shape_cast %get3A_63 : vector<1x1000x128xf32> to vector<1000x128xf32>
    %slice3A_65 = vector.extract_strided_slice %get3A_64 {offsets = [0, 0], sizes = [1000, 64], strides = [1, 1]} : vector<1000x128xf32> to vector<1000x64xf32>
    %sub3A_66 = arith.subf %slice3A_65, %get3A_1 : vector<1000x64xf32>
    %concatenate3A_67 = tpu.concatenate %sub3A_66, %get3A_1 in 1 : vector<1000x64xf32>, vector<1000x64xf32> -> vector<1000x128xf32>
    %dot_general3A_68 = arith.constant dense<0.000000e+00> : vector<1000x64xf32>
    %dot_general3A_69 = tpu.matmul %concatenate3A_67, %get3A_4, %dot_general3A_68 {dimension_numbers = #tpu.dot_dimension_numbers<[1], [0], [0], [1], [0, 0, 1, 1], [], []>, transpose_lhs_hint = false} : vector<1000x128xf32>, vector<128x64xf32>, vector<1000x64xf32> -> vector<1000x64xf32>
    %ge3A_70 = arith.constant 0.000000e+00 : f32
    %ge3A_71 = vector.broadcast %ge3A_70 : f32 to vector<1000x64xf32>
    %ge3A_72 = arith.cmpf oge, %dot_general3A_69, %ge3A_71 : vector<1000x64xf32>
    %mul3A_73 = vector.broadcast %get3A_9 : f32 to vector<1000x64xf32>
    %mul3A_74 = arith.mulf %mul3A_73, %dot_general3A_69 : vector<1000x64xf32>
    %select_n3A_75 = arith.select %ge3A_72, %dot_general3A_69, %mul3A_74 : vector<1000x64xi1>, vector<1000x64xf32>
    %dot_general3A_76 = arith.constant dense<0.000000e+00> : vector<1000x64xf32>
    %dot_general3A_77 = tpu.matmul %select_n3A_75, %get3A_7, %dot_general3A_76 {dimension_numbers = #tpu.dot_dimension_numbers<[1], [0], [0], [1], [0, 0, 1, 1], [], []>, transpose_lhs_hint = false} : vector<1000x64xf32>, vector<64x64xf32>, vector<1000x64xf32> -> vector<1000x64xf32>
    %max3A_78 = arith.maximumf %max3A_59, %dot_general3A_77 : vector<1000x64xf32>
    %get3A_79 = arith.constant 4 : index
    %get3A_80 = arith.constant 0 : index
    %get3A_81 = arith.constant 0 : index
    %get3A_82 = vector.load %arg1[%get3A_79, %get3A_80, %get3A_81] : memref<10x1000x128xf32, #tpu.memory_space<vmem>>, vector<1x1000x128xf32>
    %get3A_83 = vector.shape_cast %get3A_82 : vector<1x1000x128xf32> to vector<1000x128xf32>
    %slice3A_84 = vector.extract_strided_slice %get3A_83 {offsets = [0, 0], sizes = [1000, 64], strides = [1, 1]} : vector<1000x128xf32> to vector<1000x64xf32>
    %sub3A_85 = arith.subf %slice3A_84, %get3A_1 : vector<1000x64xf32>
    %concatenate3A_86 = tpu.concatenate %sub3A_85, %get3A_1 in 1 : vector<1000x64xf32>, vector<1000x64xf32> -> vector<1000x128xf32>
    %dot_general3A_87 = arith.constant dense<0.000000e+00> : vector<1000x64xf32>
    %dot_general3A_88 = tpu.matmul %concatenate3A_86, %get3A_4, %dot_general3A_87 {dimension_numbers = #tpu.dot_dimension_numbers<[1], [0], [0], [1], [0, 0, 1, 1], [], []>, transpose_lhs_hint = false} : vector<1000x128xf32>, vector<128x64xf32>, vector<1000x64xf32> -> vector<1000x64xf32>
    %ge3A_89 = arith.constant 0.000000e+00 : f32
    %ge3A_90 = vector.broadcast %ge3A_89 : f32 to vector<1000x64xf32>
    %ge3A_91 = arith.cmpf oge, %dot_general3A_88, %ge3A_90 : vector<1000x64xf32>
    %mul3A_92 = vector.broadcast %get3A_9 : f32 to vector<1000x64xf32>
    %mul3A_93 = arith.mulf %mul3A_92, %dot_general3A_88 : vector<1000x64xf32>
    %select_n3A_94 = arith.select %ge3A_91, %dot_general3A_88, %mul3A_93 : vector<1000x64xi1>, vector<1000x64xf32>
    %dot_general3A_95 = arith.constant dense<0.000000e+00> : vector<1000x64xf32>
    %dot_general3A_96 = tpu.matmul %select_n3A_94, %get3A_7, %dot_general3A_95 {dimension_numbers = #tpu.dot_dimension_numbers<[1], [0], [0], [1], [0, 0, 1, 1], [], []>, transpose_lhs_hint = false} : vector<1000x64xf32>, vector<64x64xf32>, vector<1000x64xf32> -> vector<1000x64xf32>
    %max3A_97 = arith.maximumf %max3A_78, %dot_general3A_96 : vector<1000x64xf32>
    %get3A_98 = arith.constant 5 : index
    %get3A_99 = arith.constant 0 : index
    %get3A_100 = arith.constant 0 : index
    %get3A_101 = vector.load %arg1[%get3A_98, %get3A_99, %get3A_100] : memref<10x1000x128xf32, #tpu.memory_space<vmem>>, vector<1x1000x128xf32>
    %get3A_102 = vector.shape_cast %get3A_101 : vector<1x1000x128xf32> to vector<1000x128xf32>
    %slice3A_103 = vector.extract_strided_slice %get3A_102 {offsets = [0, 0], sizes = [1000, 64], strides = [1, 1]} : vector<1000x128xf32> to vector<1000x64xf32>
    %sub3A_104 = arith.subf %slice3A_103, %get3A_1 : vector<1000x64xf32>
    %concatenate3A_105 = tpu.concatenate %sub3A_104, %get3A_1 in 1 : vector<1000x64xf32>, vector<1000x64xf32> -> vector<1000x128xf32>
    %dot_general3A_106 = arith.constant dense<0.000000e+00> : vector<1000x64xf32>
    %dot_general3A_107 = tpu.matmul %concatenate3A_105, %get3A_4, %dot_general3A_106 {dimension_numbers = #tpu.dot_dimension_numbers<[1], [0], [0], [1], [0, 0, 1, 1], [], []>, transpose_lhs_hint = false} : vector<1000x128xf32>, vector<128x64xf32>, vector<1000x64xf32> -> vector<1000x64xf32>
    %ge3A_108 = arith.constant 0.000000e+00 : f32
    %ge3A_109 = vector.broadcast %ge3A_108 : f32 to vector<1000x64xf32>
    %ge3A_110 = arith.cmpf oge, %dot_general3A_107, %ge3A_109 : vector<1000x64xf32>
    %mul3A_111 = vector.broadcast %get3A_9 : f32 to vector<1000x64xf32>
    %mul3A_112 = arith.mulf %mul3A_111, %dot_general3A_107 : vector<1000x64xf32>
    %select_n3A_113 = arith.select %ge3A_110, %dot_general3A_107, %mul3A_112 : vector<1000x64xi1>, vector<1000x64xf32>
    %dot_general3A_114 = arith.constant dense<0.000000e+00> : vector<1000x64xf32>
    %dot_general3A_115 = tpu.matmul %select_n3A_113, %get3A_7, %dot_general3A_114 {dimension_numbers = #tpu.dot_dimension_numbers<[1], [0], [0], [1], [0, 0, 1, 1], [], []>, transpose_lhs_hint = false} : vector<1000x64xf32>, vector<64x64xf32>, vector<1000x64xf32> -> vector<1000x64xf32>
    %max3A_116 = arith.maximumf %max3A_97, %dot_general3A_115 : vector<1000x64xf32>
    %get3A_117 = arith.constant 6 : index
    %get3A_118 = arith.constant 0 : index
    %get3A_119 = arith.constant 0 : index
    %get3A_120 = vector.load %arg1[%get3A_117, %get3A_118, %get3A_119] : memref<10x1000x128xf32, #tpu.memory_space<vmem>>, vector<1x1000x128xf32>
    %get3A_121 = vector.shape_cast %get3A_120 : vector<1x1000x128xf32> to vector<1000x128xf32>
    %slice3A_122 = vector.extract_strided_slice %get3A_121 {offsets = [0, 0], sizes = [1000, 64], strides = [1, 1]} : vector<1000x128xf32> to vector<1000x64xf32>
    %sub3A_123 = arith.subf %slice3A_122, %get3A_1 : vector<1000x64xf32>
    %concatenate3A_124 = tpu.concatenate %sub3A_123, %get3A_1 in 1 : vector<1000x64xf32>, vector<1000x64xf32> -> vector<1000x128xf32>
    %dot_general3A_125 = arith.constant dense<0.000000e+00> : vector<1000x64xf32>
    %dot_general3A_126 = tpu.matmul %concatenate3A_124, %get3A_4, %dot_general3A_125 {dimension_numbers = #tpu.dot_dimension_numbers<[1], [0], [0], [1], [0, 0, 1, 1], [], []>, transpose_lhs_hint = false} : vector<1000x128xf32>, vector<128x64xf32>, vector<1000x64xf32> -> vector<1000x64xf32>
    %ge3A_127 = arith.constant 0.000000e+00 : f32
    %ge3A_128 = vector.broadcast %ge3A_127 : f32 to vector<1000x64xf32>
    %ge3A_129 = arith.cmpf oge, %dot_general3A_126, %ge3A_128 : vector<1000x64xf32>
    %mul3A_130 = vector.broadcast %get3A_9 : f32 to vector<1000x64xf32>
    %mul3A_131 = arith.mulf %mul3A_130, %dot_general3A_126 : vector<1000x64xf32>
    %select_n3A_132 = arith.select %ge3A_129, %dot_general3A_126, %mul3A_131 : vector<1000x64xi1>, vector<1000x64xf32>
    %dot_general3A_133 = arith.constant dense<0.000000e+00> : vector<1000x64xf32>
    %dot_general3A_134 = tpu.matmul %select_n3A_132, %get3A_7, %dot_general3A_133 {dimension_numbers = #tpu.dot_dimension_numbers<[1], [0], [0], [1], [0, 0, 1, 1], [], []>, transpose_lhs_hint = false} : vector<1000x64xf32>, vector<64x64xf32>, vector<1000x64xf32> -> vector<1000x64xf32>
    %max3A_135 = arith.maximumf %max3A_116, %dot_general3A_134 : vector<1000x64xf32>
    %get3A_136 = arith.constant 7 : index
    %get3A_137 = arith.constant 0 : index
    %get3A_138 = arith.constant 0 : index
    %get3A_139 = vector.load %arg1[%get3A_136, %get3A_137, %get3A_138] : memref<10x1000x128xf32, #tpu.memory_space<vmem>>, vector<1x1000x128xf32>
    %get3A_140 = vector.shape_cast %get3A_139 : vector<1x1000x128xf32> to vector<1000x128xf32>
    %slice3A_141 = vector.extract_strided_slice %get3A_140 {offsets = [0, 0], sizes = [1000, 64], strides = [1, 1]} : vector<1000x128xf32> to vector<1000x64xf32>
    %sub3A_142 = arith.subf %slice3A_141, %get3A_1 : vector<1000x64xf32>
    %concatenate3A_143 = tpu.concatenate %sub3A_142, %get3A_1 in 1 : vector<1000x64xf32>, vector<1000x64xf32> -> vector<1000x128xf32>
    %dot_general3A_144 = arith.constant dense<0.000000e+00> : vector<1000x64xf32>
    %dot_general3A_145 = tpu.matmul %concatenate3A_143, %get3A_4, %dot_general3A_144 {dimension_numbers = #tpu.dot_dimension_numbers<[1], [0], [0], [1], [0, 0, 1, 1], [], []>, transpose_lhs_hint = false} : vector<1000x128xf32>, vector<128x64xf32>, vector<1000x64xf32> -> vector<1000x64xf32>
    %ge3A_146 = arith.constant 0.000000e+00 : f32
    %ge3A_147 = vector.broadcast %ge3A_146 : f32 to vector<1000x64xf32>
    %ge3A_148 = arith.cmpf oge, %dot_general3A_145, %ge3A_147 : vector<1000x64xf32>
    %mul3A_149 = vector.broadcast %get3A_9 : f32 to vector<1000x64xf32>
    %mul3A_150 = arith.mulf %mul3A_149, %dot_general3A_145 : vector<1000x64xf32>
    %select_n3A_151 = arith.select %ge3A_148, %dot_general3A_145, %mul3A_150 : vector<1000x64xi1>, vector<1000x64xf32>
    %dot_general3A_152 = arith.constant dense<0.000000e+00> : vector<1000x64xf32>
    %dot_general3A_153 = tpu.matmul %select_n3A_151, %get3A_7, %dot_general3A_152 {dimension_numbers = #tpu.dot_dimension_numbers<[1], [0], [0], [1], [0, 0, 1, 1], [], []>, transpose_lhs_hint = false} : vector<1000x64xf32>, vector<64x64xf32>, vector<1000x64xf32> -> vector<1000x64xf32>
    %max3A_154 = arith.maximumf %max3A_135, %dot_general3A_153 : vector<1000x64xf32>
    %get3A_155 = arith.constant 8 : index
    %get3A_156 = arith.constant 0 : index
    %get3A_157 = arith.constant 0 : index
    %get3A_158 = vector.load %arg1[%get3A_155, %get3A_156, %get3A_157] : memref<10x1000x128xf32, #tpu.memory_space<vmem>>, vector<1x1000x128xf32>
    %get3A_159 = vector.shape_cast %get3A_158 : vector<1x1000x128xf32> to vector<1000x128xf32>
    %slice3A_160 = vector.extract_strided_slice %get3A_159 {offsets = [0, 0], sizes = [1000, 64], strides = [1, 1]} : vector<1000x128xf32> to vector<1000x64xf32>
    %sub3A_161 = arith.subf %slice3A_160, %get3A_1 : vector<1000x64xf32>
    %concatenate3A_162 = tpu.concatenate %sub3A_161, %get3A_1 in 1 : vector<1000x64xf32>, vector<1000x64xf32> -> vector<1000x128xf32>
    %dot_general3A_163 = arith.constant dense<0.000000e+00> : vector<1000x64xf32>
    %dot_general3A_164 = tpu.matmul %concatenate3A_162, %get3A_4, %dot_general3A_163 {dimension_numbers = #tpu.dot_dimension_numbers<[1], [0], [0], [1], [0, 0, 1, 1], [], []>, transpose_lhs_hint = false} : vector<1000x128xf32>, vector<128x64xf32>, vector<1000x64xf32> -> vector<1000x64xf32>
    %ge3A_165 = arith.constant 0.000000e+00 : f32
    %ge3A_166 = vector.broadcast %ge3A_165 : f32 to vector<1000x64xf32>
    %ge3A_167 = arith.cmpf oge, %dot_general3A_164, %ge3A_166 : vector<1000x64xf32>
    %mul3A_168 = vector.broadcast %get3A_9 : f32 to vector<1000x64xf32>
    %mul3A_169 = arith.mulf %mul3A_168, %dot_general3A_164 : vector<1000x64xf32>
    %select_n3A_170 = arith.select %ge3A_167, %dot_general3A_164, %mul3A_169 : vector<1000x64xi1>, vector<1000x64xf32>
    %dot_general3A_171 = arith.constant dense<0.000000e+00> : vector<1000x64xf32>
    %dot_general3A_172 = tpu.matmul %select_n3A_170, %get3A_7, %dot_general3A_171 {dimension_numbers = #tpu.dot_dimension_numbers<[1], [0], [0], [1], [0, 0, 1, 1], [], []>, transpose_lhs_hint = false} : vector<1000x64xf32>, vector<64x64xf32>, vector<1000x64xf32> -> vector<1000x64xf32>
    %max3A_173 = arith.maximumf %max3A_154, %dot_general3A_172 : vector<1000x64xf32>
    %get3A_174 = arith.constant 9 : index
    %get3A_175 = arith.constant 0 : index
    %get3A_176 = arith.constant 0 : index
    %get3A_177 = vector.load %arg1[%get3A_174, %get3A_175, %get3A_176] : memref<10x1000x128xf32, #tpu.memory_space<vmem>>, vector<1x1000x128xf32>
    %get3A_178 = vector.shape_cast %get3A_177 : vector<1x1000x128xf32> to vector<1000x128xf32>
    %slice3A_179 = vector.extract_strided_slice %get3A_178 {offsets = [0, 0], sizes = [1000, 64], strides = [1, 1]} : vector<1000x128xf32> to vector<1000x64xf32>
    %sub3A_180 = arith.subf %slice3A_179, %get3A_1 : vector<1000x64xf32>
    %concatenate3A_181 = tpu.concatenate %sub3A_180, %get3A_1 in 1 : vector<1000x64xf32>, vector<1000x64xf32> -> vector<1000x128xf32>
    %dot_general3A_182 = arith.constant dense<0.000000e+00> : vector<1000x64xf32>
    %dot_general3A_183 = tpu.matmul %concatenate3A_181, %get3A_4, %dot_general3A_182 {dimension_numbers = #tpu.dot_dimension_numbers<[1], [0], [0], [1], [0, 0, 1, 1], [], []>, transpose_lhs_hint = false} : vector<1000x128xf32>, vector<128x64xf32>, vector<1000x64xf32> -> vector<1000x64xf32>
    %ge3A_184 = arith.constant 0.000000e+00 : f32
    %ge3A_185 = vector.broadcast %ge3A_184 : f32 to vector<1000x64xf32>
    %ge3A_186 = arith.cmpf oge, %dot_general3A_183, %ge3A_185 : vector<1000x64xf32>
    %mul3A_187 = vector.broadcast %get3A_9 : f32 to vector<1000x64xf32>
    %mul3A_188 = arith.mulf %mul3A_187, %dot_general3A_183 : vector<1000x64xf32>
    %select_n3A_189 = arith.select %ge3A_186, %dot_general3A_183, %mul3A_188 : vector<1000x64xi1>, vector<1000x64xf32>
    %dot_general3A_190 = arith.constant dense<0.000000e+00> : vector<1000x64xf32>
    %dot_general3A_191 = tpu.matmul %select_n3A_189, %get3A_7, %dot_general3A_190 {dimension_numbers = #tpu.dot_dimension_numbers<[1], [0], [0], [1], [0, 0, 1, 1], [], []>, transpose_lhs_hint = false} : vector<1000x64xf32>, vector<64x64xf32>, vector<1000x64xf32> -> vector<1000x64xf32>
    %max3A_192 = arith.maximumf %max3A_173, %dot_general3A_191 : vector<1000x64xf32>
    %ge3A_193 = arith.constant 0.000000e+00 : f32
    %ge3A_194 = vector.broadcast %ge3A_193 : f32 to vector<1000x64xf32>
    %ge3A_195 = arith.cmpf oge, %max3A_192, %ge3A_194 : vector<1000x64xf32>
    %mul3A_196 = vector.broadcast %get3A_11 : f32 to vector<1000x64xf32>
    %mul3A_197 = arith.mulf %mul3A_196, %max3A_192 : vector<1000x64xf32>
    %select_n3A_198 = arith.select %ge3A_195, %max3A_192, %mul3A_197 : vector<1000x64xi1>, vector<1000x64xf32>
    %swap3A = arith.constant 0 : index
    %swap3A_199 = arith.constant 0 : index
    %swap3A_200 = vector.load %arg7[%swap3A, %swap3A_199] : memref<1000x64xf32, #tpu.memory_space<vmem>>, vector<1000x64xf32>
    tpu.vector_store %arg7[%swap3A, %swap3A_199], %select_n3A_198 {strides = array<i32>} : memref<1000x64xf32, #tpu.memory_space<vmem>>, vector<1000x64xf32>,
    return
  }
  func.func @transform_0(%arg0: i32) -> (i32, i32, i32) {
    %c0_i32 = arith.constant 0 : i32
    %c0_i32_0 = arith.constant 0 : i32
    %c0_i32_1 = arith.constant 0 : i32
    return %c0_i32, %arg0, %c0_i32_0 : i32, i32, i32
  }
  func.func @transform_1(%arg0: i32) -> (i32, i32) {
    %c0_i32 = arith.constant 0 : i32
    %c0_i32_0 = arith.constant 0 : i32
    return %arg0, %c0_i32 : i32, i32
  }
  func.func @transform_2(%arg0: i32) -> (i32, i32) {
    %c0_i32 = arith.constant 0 : i32
    %c0_i32_0 = arith.constant 0 : i32
    %c0_i32_1 = arith.constant 0 : i32
    return %c0_i32, %c0_i32_0 : i32, i32
  }
  func.func @transform_3(%arg0: i32) -> (i32, i32) {
    %c0_i32 = arith.constant 0 : i32
    %c0_i32_0 = arith.constant 0 : i32
    %c0_i32_1 = arith.constant 0 : i32
    return %c0_i32, %c0_i32_0 : i32, i32
  }
  func.func @transform_4(%arg0: i32) -> i32 {
    %c0_i32 = arith.constant 0 : i32
    %c0_i32_0 = arith.constant 0 : i32
    return %c0_i32 : i32
  }
  func.func @transform_5(%arg0: i32) -> i32 {
    %c0_i32 = arith.constant 0 : i32
    %c0_i32_0 = arith.constant 0 : i32
    return %c0_i32 : i32
  }
  func.func @transform_6(%arg0: i32) -> (i32, i32) {
    %c0_i32 = arith.constant 0 : i32
    %c0_i32_0 = arith.constant 0 : i32
    return %arg0, %c0_i32 : i32, i32
  }
}

module attributes {stable_mosaic.version = 14 : i64} {
  func.func @_edge3_body(%arg0: i32, %arg1: memref<10x1000x128xf32, #tpu.memory_space<vmem>>, %arg2: memref<1000x64xf32, #tpu.memory_space<vmem>>, %arg3: memref<128x64xf32, #tpu.memory_space<vmem>>, %arg4: memref<1xf32, #tpu.memory_space<smem>>, %arg5: memref<1000x64xf32, #tpu.memory_space<vmem>>) attributes {dimension_semantics = [#tpu.dimension_semantics<arbitrary>], iteration_bounds = array<i64: 10>, scalar_prefetch = 0 : i64, scratch_operands = 0 : i64, tpu.core_type = #tpu.core_type<tc>, window_params = [{transform_indices = @transform_0, window_bounds = array<i64: 10, 1000, 128>}, {transform_indices = @transform_1, window_bounds = array<i64: 1000, 64>}, {pipeline_mode = #tpu.pipeline_mode<synchronous>, transform_indices = @transform_2, window_bounds = array<i64: 128, 64>}, {transform_indices = @transform_3, window_bounds = array<i64: 1>}, {transform_indices = @transform_4, window_bounds = array<i64: 1000, 64>}]} {
    %get3A = arith.constant 0 : index
    %get3A_0 = arith.constant 0 : index
    %get3A_1 = vector.load %arg2[%get3A, %get3A_0] : memref<1000x64xf32, #tpu.memory_space<vmem>>, vector<1000x64xf32>
    %get3A_2 = arith.constant 0 : index
    %get3A_3 = arith.constant 0 : index
    %get3A_4 = vector.load %arg3[%get3A_2, %get3A_3] : memref<128x64xf32, #tpu.memory_space<vmem>>, vector<128x64xf32>
    %get3A_5 = arith.constant 0 : index
    %get3A_6 = arith.constant 0 : index
    %get3A_7 = arith.constant 0 : index
    %get3A_8 = vector.load %arg1[%get3A_5, %get3A_6, %get3A_7] : memref<10x1000x128xf32, #tpu.memory_space<vmem>>, vector<1x1000x128xf32>
    %get3A_9 = vector.shape_cast %get3A_8 : vector<1x1000x128xf32> to vector<1000x128xf32>
    %slice3A = vector.extract_strided_slice %get3A_9 {offsets = [0, 0], sizes = [1000, 64], strides = [1, 1]} : vector<1000x128xf32> to vector<1000x64xf32>
    %sub3A = arith.subf %slice3A, %get3A_1 : vector<1000x64xf32>
    %concatenate3A = tpu.concatenate %sub3A, %get3A_1 in 1 : vector<1000x64xf32>, vector<1000x64xf32> -> vector<1000x128xf32>
    %dot_general3A = arith.constant dense<0.000000e+00> : vector<1000x64xf32>
    %dot_general3A_10 = tpu.matmul %concatenate3A, %get3A_4, %dot_general3A {dimension_numbers = #tpu.dot_dimension_numbers<[1], [0], [0], [1], [0, 0, 1, 1], [], []>, transpose_lhs_hint = false} : vector<1000x128xf32>, vector<128x64xf32>, vector<1000x64xf32> -> vector<1000x64xf32>
    %get3A_11 = arith.constant 1 : index
    %get3A_12 = arith.constant 0 : index
    %get3A_13 = arith.constant 0 : index
    %get3A_14 = vector.load %arg1[%get3A_11, %get3A_12, %get3A_13] : memref<10x1000x128xf32, #tpu.memory_space<vmem>>, vector<1x1000x128xf32>
    %get3A_15 = vector.shape_cast %get3A_14 : vector<1x1000x128xf32> to vector<1000x128xf32>
    %slice3A_16 = vector.extract_strided_slice %get3A_15 {offsets = [0, 0], sizes = [1000, 64], strides = [1, 1]} : vector<1000x128xf32> to vector<1000x64xf32>
    %sub3A_17 = arith.subf %slice3A_16, %get3A_1 : vector<1000x64xf32>
    %concatenate3A_18 = tpu.concatenate %sub3A_17, %get3A_1 in 1 : vector<1000x64xf32>, vector<1000x64xf32> -> vector<1000x128xf32>
    %dot_general3A_19 = arith.constant dense<0.000000e+00> : vector<1000x64xf32>
    %dot_general3A_20 = tpu.matmul %concatenate3A_18, %get3A_4, %dot_general3A_19 {dimension_numbers = #tpu.dot_dimension_numbers<[1], [0], [0], [1], [0, 0, 1, 1], [], []>, transpose_lhs_hint = false} : vector<1000x128xf32>, vector<128x64xf32>, vector<1000x64xf32> -> vector<1000x64xf32>
    %max3A = arith.maximumf %dot_general3A_10, %dot_general3A_20 : vector<1000x64xf32>
    %get3A_21 = arith.constant 2 : index
    %get3A_22 = arith.constant 0 : index
    %get3A_23 = arith.constant 0 : index
    %get3A_24 = vector.load %arg1[%get3A_21, %get3A_22, %get3A_23] : memref<10x1000x128xf32, #tpu.memory_space<vmem>>, vector<1x1000x128xf32>
    %get3A_25 = vector.shape_cast %get3A_24 : vector<1x1000x128xf32> to vector<1000x128xf32>
    %slice3A_26 = vector.extract_strided_slice %get3A_25 {offsets = [0, 0], sizes = [1000, 64], strides = [1, 1]} : vector<1000x128xf32> to vector<1000x64xf32>
    %sub3A_27 = arith.subf %slice3A_26, %get3A_1 : vector<1000x64xf32>
    %concatenate3A_28 = tpu.concatenate %sub3A_27, %get3A_1 in 1 : vector<1000x64xf32>, vector<1000x64xf32> -> vector<1000x128xf32>
    %dot_general3A_29 = arith.constant dense<0.000000e+00> : vector<1000x64xf32>
    %dot_general3A_30 = tpu.matmul %concatenate3A_28, %get3A_4, %dot_general3A_29 {dimension_numbers = #tpu.dot_dimension_numbers<[1], [0], [0], [1], [0, 0, 1, 1], [], []>, transpose_lhs_hint = false} : vector<1000x128xf32>, vector<128x64xf32>, vector<1000x64xf32> -> vector<1000x64xf32>
    %max3A_31 = arith.maximumf %max3A, %dot_general3A_30 : vector<1000x64xf32>
    %get3A_32 = arith.constant 3 : index
    %get3A_33 = arith.constant 0 : index
    %get3A_34 = arith.constant 0 : index
    %get3A_35 = vector.load %arg1[%get3A_32, %get3A_33, %get3A_34] : memref<10x1000x128xf32, #tpu.memory_space<vmem>>, vector<1x1000x128xf32>
    %get3A_36 = vector.shape_cast %get3A_35 : vector<1x1000x128xf32> to vector<1000x128xf32>
    %slice3A_37 = vector.extract_strided_slice %get3A_36 {offsets = [0, 0], sizes = [1000, 64], strides = [1, 1]} : vector<1000x128xf32> to vector<1000x64xf32>
    %sub3A_38 = arith.subf %slice3A_37, %get3A_1 : vector<1000x64xf32>
    %concatenate3A_39 = tpu.concatenate %sub3A_38, %get3A_1 in 1 : vector<1000x64xf32>, vector<1000x64xf32> -> vector<1000x128xf32>
    %dot_general3A_40 = arith.constant dense<0.000000e+00> : vector<1000x64xf32>
    %dot_general3A_41 = tpu.matmul %concatenate3A_39, %get3A_4, %dot_general3A_40 {dimension_numbers = #tpu.dot_dimension_numbers<[1], [0], [0], [1], [0, 0, 1, 1], [], []>, transpose_lhs_hint = false} : vector<1000x128xf32>, vector<128x64xf32>, vector<1000x64xf32> -> vector<1000x64xf32>
    %max3A_42 = arith.maximumf %max3A_31, %dot_general3A_41 : vector<1000x64xf32>
    %get3A_43 = arith.constant 4 : index
    %get3A_44 = arith.constant 0 : index
    %get3A_45 = arith.constant 0 : index
    %get3A_46 = vector.load %arg1[%get3A_43, %get3A_44, %get3A_45] : memref<10x1000x128xf32, #tpu.memory_space<vmem>>, vector<1x1000x128xf32>
    %get3A_47 = vector.shape_cast %get3A_46 : vector<1x1000x128xf32> to vector<1000x128xf32>
    %slice3A_48 = vector.extract_strided_slice %get3A_47 {offsets = [0, 0], sizes = [1000, 64], strides = [1, 1]} : vector<1000x128xf32> to vector<1000x64xf32>
    %sub3A_49 = arith.subf %slice3A_48, %get3A_1 : vector<1000x64xf32>
    %concatenate3A_50 = tpu.concatenate %sub3A_49, %get3A_1 in 1 : vector<1000x64xf32>, vector<1000x64xf32> -> vector<1000x128xf32>
    %dot_general3A_51 = arith.constant dense<0.000000e+00> : vector<1000x64xf32>
    %dot_general3A_52 = tpu.matmul %concatenate3A_50, %get3A_4, %dot_general3A_51 {dimension_numbers = #tpu.dot_dimension_numbers<[1], [0], [0], [1], [0, 0, 1, 1], [], []>, transpose_lhs_hint = false} : vector<1000x128xf32>, vector<128x64xf32>, vector<1000x64xf32> -> vector<1000x64xf32>
    %max3A_53 = arith.maximumf %max3A_42, %dot_general3A_52 : vector<1000x64xf32>
    %get3A_54 = arith.constant 5 : index
    %get3A_55 = arith.constant 0 : index
    %get3A_56 = arith.constant 0 : index
    %get3A_57 = vector.load %arg1[%get3A_54, %get3A_55, %get3A_56] : memref<10x1000x128xf32, #tpu.memory_space<vmem>>, vector<1x1000x128xf32>
    %get3A_58 = vector.shape_cast %get3A_57 : vector<1x1000x128xf32> to vector<1000x128xf32>
    %slice3A_59 = vector.extract_strided_slice %get3A_58 {offsets = [0, 0], sizes = [1000, 64], strides = [1, 1]} : vector<1000x128xf32> to vector<1000x64xf32>
    %sub3A_60 = arith.subf %slice3A_59, %get3A_1 : vector<1000x64xf32>
    %concatenate3A_61 = tpu.concatenate %sub3A_60, %get3A_1 in 1 : vector<1000x64xf32>, vector<1000x64xf32> -> vector<1000x128xf32>
    %dot_general3A_62 = arith.constant dense<0.000000e+00> : vector<1000x64xf32>
    %dot_general3A_63 = tpu.matmul %concatenate3A_61, %get3A_4, %dot_general3A_62 {dimension_numbers = #tpu.dot_dimension_numbers<[1], [0], [0], [1], [0, 0, 1, 1], [], []>, transpose_lhs_hint = false} : vector<1000x128xf32>, vector<128x64xf32>, vector<1000x64xf32> -> vector<1000x64xf32>
    %max3A_64 = arith.maximumf %max3A_53, %dot_general3A_63 : vector<1000x64xf32>
    %get3A_65 = arith.constant 6 : index
    %get3A_66 = arith.constant 0 : index
    %get3A_67 = arith.constant 0 : index
    %get3A_68 = vector.load %arg1[%get3A_65, %get3A_66, %get3A_67] : memref<10x1000x128xf32, #tpu.memory_space<vmem>>, vector<1x1000x128xf32>
    %get3A_69 = vector.shape_cast %get3A_68 : vector<1x1000x128xf32> to vector<1000x128xf32>
    %slice3A_70 = vector.extract_strided_slice %get3A_69 {offsets = [0, 0], sizes = [1000, 64], strides = [1, 1]} : vector<1000x128xf32> to vector<1000x64xf32>
    %sub3A_71 = arith.subf %slice3A_70, %get3A_1 : vector<1000x64xf32>
    %concatenate3A_72 = tpu.concatenate %sub3A_71, %get3A_1 in 1 : vector<1000x64xf32>, vector<1000x64xf32> -> vector<1000x128xf32>
    %dot_general3A_73 = arith.constant dense<0.000000e+00> : vector<1000x64xf32>
    %dot_general3A_74 = tpu.matmul %concatenate3A_72, %get3A_4, %dot_general3A_73 {dimension_numbers = #tpu.dot_dimension_numbers<[1], [0], [0], [1], [0, 0, 1, 1], [], []>, transpose_lhs_hint = false} : vector<1000x128xf32>, vector<128x64xf32>, vector<1000x64xf32> -> vector<1000x64xf32>
    %max3A_75 = arith.maximumf %max3A_64, %dot_general3A_74 : vector<1000x64xf32>
    %get3A_76 = arith.constant 7 : index
    %get3A_77 = arith.constant 0 : index
    %get3A_78 = arith.constant 0 : index
    %get3A_79 = vector.load %arg1[%get3A_76, %get3A_77, %get3A_78] : memref<10x1000x128xf32, #tpu.memory_space<vmem>>, vector<1x1000x128xf32>
    %get3A_80 = vector.shape_cast %get3A_79 : vector<1x1000x128xf32> to vector<1000x128xf32>
    %slice3A_81 = vector.extract_strided_slice %get3A_80 {offsets = [0, 0], sizes = [1000, 64], strides = [1, 1]} : vector<1000x128xf32> to vector<1000x64xf32>
    %sub3A_82 = arith.subf %slice3A_81, %get3A_1 : vector<1000x64xf32>
    %concatenate3A_83 = tpu.concatenate %sub3A_82, %get3A_1 in 1 : vector<1000x64xf32>, vector<1000x64xf32> -> vector<1000x128xf32>
    %dot_general3A_84 = arith.constant dense<0.000000e+00> : vector<1000x64xf32>
    %dot_general3A_85 = tpu.matmul %concatenate3A_83, %get3A_4, %dot_general3A_84 {dimension_numbers = #tpu.dot_dimension_numbers<[1], [0], [0], [1], [0, 0, 1, 1], [], []>, transpose_lhs_hint = false} : vector<1000x128xf32>, vector<128x64xf32>, vector<1000x64xf32> -> vector<1000x64xf32>
    %max3A_86 = arith.maximumf %max3A_75, %dot_general3A_85 : vector<1000x64xf32>
    %get3A_87 = arith.constant 8 : index
    %get3A_88 = arith.constant 0 : index
    %get3A_89 = arith.constant 0 : index
    %get3A_90 = vector.load %arg1[%get3A_87, %get3A_88, %get3A_89] : memref<10x1000x128xf32, #tpu.memory_space<vmem>>, vector<1x1000x128xf32>
    %get3A_91 = vector.shape_cast %get3A_90 : vector<1x1000x128xf32> to vector<1000x128xf32>
    %slice3A_92 = vector.extract_strided_slice %get3A_91 {offsets = [0, 0], sizes = [1000, 64], strides = [1, 1]} : vector<1000x128xf32> to vector<1000x64xf32>
    %sub3A_93 = arith.subf %slice3A_92, %get3A_1 : vector<1000x64xf32>
    %concatenate3A_94 = tpu.concatenate %sub3A_93, %get3A_1 in 1 : vector<1000x64xf32>, vector<1000x64xf32> -> vector<1000x128xf32>
    %dot_general3A_95 = arith.constant dense<0.000000e+00> : vector<1000x64xf32>
    %dot_general3A_96 = tpu.matmul %concatenate3A_94, %get3A_4, %dot_general3A_95 {dimension_numbers = #tpu.dot_dimension_numbers<[1], [0], [0], [1], [0, 0, 1, 1], [], []>, transpose_lhs_hint = false} : vector<1000x128xf32>, vector<128x64xf32>, vector<1000x64xf32> -> vector<1000x64xf32>
    %max3A_97 = arith.maximumf %max3A_86, %dot_general3A_96 : vector<1000x64xf32>
    %get3A_98 = arith.constant 9 : index
    %get3A_99 = arith.constant 0 : index
    %get3A_100 = arith.constant 0 : index
    %get3A_101 = vector.load %arg1[%get3A_98, %get3A_99, %get3A_100] : memref<10x1000x128xf32, #tpu.memory_space<vmem>>, vector<1x1000x128xf32>
    %get3A_102 = vector.shape_cast %get3A_101 : vector<1x1000x128xf32> to vector<1000x128xf32>
    %slice3A_103 = vector.extract_strided_slice %get3A_102 {offsets = [0, 0], sizes = [1000, 64], strides = [1, 1]} : vector<1000x128xf32> to vector<1000x64xf32>
    %sub3A_104 = arith.subf %slice3A_103, %get3A_1 : vector<1000x64xf32>
    %concatenate3A_105 = tpu.concatenate %sub3A_104, %get3A_1 in 1 : vector<1000x64xf32>, vector<1000x64xf32> -> vector<1000x128xf32>
    %dot_general3A_106 = arith.constant dense<0.000000e+00> : vector<1000x64xf32>
    %dot_general3A_107 = tpu.matmul %concatenate3A_105, %get3A_4, %dot_general3A_106 {dimension_numbers = #tpu.dot_dimension_numbers<[1], [0], [0], [1], [0, 0, 1, 1], [], []>, transpose_lhs_hint = false} : vector<1000x128xf32>, vector<128x64xf32>, vector<1000x64xf32> -> vector<1000x64xf32>
    %max3A_108 = arith.maximumf %max3A_97, %dot_general3A_107 : vector<1000x64xf32>
    %get3A_109 = arith.constant 0 : index
    %get3A_110 = memref.load %arg4[%get3A_109] : memref<1xf32, #tpu.memory_space<smem>>
    %ge3A = arith.constant 0.000000e+00 : f32
    %ge3A_111 = vector.broadcast %ge3A : f32 to vector<1000x64xf32>
    %ge3A_112 = arith.cmpf oge, %max3A_108, %ge3A_111 : vector<1000x64xf32>
    %mul3A = vector.broadcast %get3A_110 : f32 to vector<1000x64xf32>
    %mul3A_113 = arith.mulf %mul3A, %max3A_108 : vector<1000x64xf32>
    %select_n3A = arith.select %ge3A_112, %max3A_108, %mul3A_113 : vector<1000x64xi1>, vector<1000x64xf32>
    %swap3A = arith.constant 0 : index
    %swap3A_114 = arith.constant 0 : index
    %swap3A_115 = vector.load %arg5[%swap3A, %swap3A_114] : memref<1000x64xf32, #tpu.memory_space<vmem>>, vector<1000x64xf32>
    tpu.vector_store %arg5[%swap3A, %swap3A_114], %select_n3A {strides = array<i32>} : memref<1000x64xf32, #tpu.memory_space<vmem>>, vector<1000x64xf32>,
    return
  }
  func.func @transform_0(%arg0: i32) -> (i32, i32, i32) {
    %c0_i32 = arith.constant 0 : i32
    %c0_i32_0 = arith.constant 0 : i32
    %c0_i32_1 = arith.constant 0 : i32
    return %c0_i32, %arg0, %c0_i32_0 : i32, i32, i32
  }
  func.func @transform_1(%arg0: i32) -> (i32, i32) {
    %c0_i32 = arith.constant 0 : i32
    %c0_i32_0 = arith.constant 0 : i32
    return %arg0, %c0_i32 : i32, i32
  }
  func.func @transform_2(%arg0: i32) -> (i32, i32) {
    %c0_i32 = arith.constant 0 : i32
    %c0_i32_0 = arith.constant 0 : i32
    %c0_i32_1 = arith.constant 0 : i32
    return %c0_i32, %c0_i32_0 : i32, i32
  }
  func.func @transform_3(%arg0: i32) -> i32 {
    %c0_i32 = arith.constant 0 : i32
    %c0_i32_0 = arith.constant 0 : i32
    return %c0_i32 : i32
  }
  func.func @transform_4(%arg0: i32) -> (i32, i32) {
    %c0_i32 = arith.constant 0 : i32
    %c0_i32_0 = arith.constant 0 : i32
    return %arg0, %c0_i32 : i32, i32
  }
}

module attributes {stable_mosaic.version = 14 : i64} {
  func.func @_gmax_body(%arg0: i32, %arg1: memref<1000x192xf32, #tpu.memory_space<vmem>>, %arg2: memref<192x1024xf32, #tpu.memory_space<vmem>>, %arg3: memref<1x1024xf32, #tpu.memory_space<vmem>>) attributes {dimension_semantics = [#tpu.dimension_semantics<arbitrary>], iteration_bounds = array<i64: 10>, scalar_prefetch = 0 : i64, scratch_operands = 0 : i64, tpu.core_type = #tpu.core_type<tc>, window_params = [{transform_indices = @transform_0, window_bounds = array<i64: 1000, 192>}, {pipeline_mode = #tpu.pipeline_mode<synchronous>, transform_indices = @transform_1, window_bounds = array<i64: 192, 1024>}, {pipeline_mode = #tpu.pipeline_mode<synchronous>, transform_indices = @transform_2, window_bounds = array<i64: 1, 1024>}]} {
    %get3A = arith.constant 0 : index
    %get3A_0 = arith.constant 0 : index
    %get3A_1 = vector.load %arg1[%get3A, %get3A_0] : memref<1000x192xf32, #tpu.memory_space<vmem>>, vector<1000x192xf32>
    %get3A_2 = arith.constant 0 : index
    %get3A_3 = arith.constant 0 : index
    %get3A_4 = vector.load %arg2[%get3A_2, %get3A_3] : memref<192x1024xf32, #tpu.memory_space<vmem>>, vector<192x1024xf32>
    %dot_general3A = arith.constant dense<0.000000e+00> : vector<1000x1024xf32>
    %dot_general3A_5 = tpu.matmul %get3A_1, %get3A_4, %dot_general3A {dimension_numbers = #tpu.dot_dimension_numbers<[1], [0], [0], [1], [0, 0, 1, 1], [], []>, transpose_lhs_hint = false} : vector<1000x192xf32>, vector<192x1024xf32>, vector<1000x1024xf32> -> vector<1000x1024xf32>
    %reduce_max3A = arith.constant dense<0xFF800000> : vector<1024xf32>
    %reduce_max3A_6 = vector.multi_reduction <maximumf>, %dot_general3A_5, %reduce_max3A [0] : vector<1000x1024xf32> to vector<1024xf32>
    %broadcast_in_dim3A = vector.shape_cast %reduce_max3A_6 : vector<1024xf32> to vector<1x1024xf32>
    %eq3A = arith.constant 0 : i32
    %eq3A_7 = arith.cmpi eq, %arg0, %eq3A : i32
    %convert_element_type3A = arith.extui %eq3A_7 : i1 to i32
    %cond3A = arith.constant 0 : i32
    %cond3A_8 = arith.cmpi ne, %convert_element_type3A, %cond3A : i32
    scf.if %cond3A_8 {
      %swap3A = arith.constant 0 : index
      %swap3A_13 = arith.constant 0 : index
      %swap3A_14 = vector.load %arg3[%swap3A, %swap3A_13] : memref<1x1024xf32, #tpu.memory_space<vmem>>, vector<1x1024xf32>
      tpu.vector_store %arg3[%swap3A, %swap3A_13], %broadcast_in_dim3A {strides = array<i32>} : memref<1x1024xf32, #tpu.memory_space<vmem>>, vector<1x1024xf32>,
    } else {
    }
    %gt3A = arith.constant 0 : i32
    %gt3A_9 = arith.cmpi sgt, %arg0, %gt3A : i32
    %convert_element_type3A_10 = arith.extui %gt3A_9 : i1 to i32
    %cond3A_11 = arith.constant 0 : i32
    %cond3A_12 = arith.cmpi ne, %convert_element_type3A_10, %cond3A_11 : i32
    scf.if %cond3A_12 {
      %get3A_13 = arith.constant 0 : index
      %get3A_14 = arith.constant 0 : index
      %get3A_15 = vector.load %arg3[%get3A_13, %get3A_14] : memref<1x1024xf32, #tpu.memory_space<vmem>>, vector<1x1024xf32>
      %max3A = arith.maximumf %get3A_15, %broadcast_in_dim3A : vector<1x1024xf32>
      %swap3A = arith.constant 0 : index
      %swap3A_16 = arith.constant 0 : index
      %swap3A_17 = vector.load %arg3[%swap3A, %swap3A_16] : memref<1x1024xf32, #tpu.memory_space<vmem>>, vector<1x1024xf32>
      tpu.vector_store %arg3[%swap3A, %swap3A_16], %max3A {strides = array<i32>} : memref<1x1024xf32, #tpu.memory_space<vmem>>, vector<1x1024xf32>,
    } else {
    }
    return
  }
  func.func @transform_0(%arg0: i32) -> (i32, i32) {
    %c0_i32 = arith.constant 0 : i32
    %c0_i32_0 = arith.constant 0 : i32
    return %arg0, %c0_i32 : i32, i32
  }
  func.func @transform_1(%arg0: i32) -> (i32, i32) {
    %c0_i32 = arith.constant 0 : i32
    %c0_i32_0 = arith.constant 0 : i32
    %c0_i32_1 = arith.constant 0 : i32
    return %c0_i32, %c0_i32_0 : i32, i32
  }
  func.func @transform_2(%arg0: i32) -> (i32, i32) {
    %c0_i32 = arith.constant 0 : i32
    %c0_i32_0 = arith.constant 0 : i32
    %c0_i32_1 = arith.constant 0 : i32
    return %c0_i32, %c0_i32_0 : i32, i32
  }
}

module attributes {stable_mosaic.version = 14 : i64} {
  func.func @_head_body(%arg0: i32, %arg1: memref<1000x192xf32, #tpu.memory_space<vmem>>, %arg2: memref<1x1024xf32, #tpu.memory_space<vmem>>, %arg3: memref<192x256xf32, #tpu.memory_space<vmem>>, %arg4: memref<1024x256xf32, #tpu.memory_space<vmem>>, %arg5: memref<256x256xf32, #tpu.memory_space<vmem>>, %arg6: memref<256x128xf32, #tpu.memory_space<vmem>>, %arg7: memref<128x128xf32, #tpu.memory_space<vmem>>, %arg8: memref<1xf32, #tpu.memory_space<smem>>, %arg9: memref<1xf32, #tpu.memory_space<smem>>, %arg10: memref<1xf32, #tpu.memory_space<smem>>, %arg11: memref<1xf32, #tpu.memory_space<smem>>, %arg12: memref<1xf32, #tpu.memory_space<smem>>, %arg13: memref<1000x128xf32, #tpu.memory_space<vmem>>) attributes {dimension_semantics = [#tpu.dimension_semantics<arbitrary>], iteration_bounds = array<i64: 10>, scalar_prefetch = 0 : i64, scratch_operands = 0 : i64, tpu.core_type = #tpu.core_type<tc>, window_params = [{transform_indices = @transform_0, window_bounds = array<i64: 1000, 192>}, {pipeline_mode = #tpu.pipeline_mode<synchronous>, transform_indices = @transform_1, window_bounds = array<i64: 1, 1024>}, {pipeline_mode = #tpu.pipeline_mode<synchronous>, transform_indices = @transform_2, window_bounds = array<i64: 192, 256>}, {pipeline_mode = #tpu.pipeline_mode<synchronous>, transform_indices = @transform_3, window_bounds = array<i64: 1024, 256>}, {pipeline_mode = #tpu.pipeline_mode<synchronous>, transform_indices = @transform_4, window_bounds = array<i64: 256, 256>}, {pipeline_mode = #tpu.pipeline_mode<synchronous>, transform_indices = @transform_5, window_bounds = array<i64: 256, 128>}, {pipeline_mode = #tpu.pipeline_mode<synchronous>, transform_indices = @transform_6, window_bounds = array<i64: 128, 128>}, {transform_indices = @transform_7, window_bounds = array<i64: 1>}, {transform_indices = @transform_8, window_bounds = array<i64: 1>}, {transform_indices = @transform_9, window_bounds = array<i64: 1>}, {transform_indices = @transform_10, window_bounds = array<i64: 1>}, {transform_indices = @transform_11, window_bounds = array<i64: 1>}, {transform_indices = @transform_12, window_bounds = array<i64: 1000, 128>}]} {
    %get3A = arith.constant 0 : index
    %get3A_0 = arith.constant 0 : index
    %get3A_1 = vector.load %arg2[%get3A, %get3A_0] : memref<1x1024xf32, #tpu.memory_space<vmem>>, vector<1x1024xf32>
    %get3A_2 = arith.constant 0 : index
    %get3A_3 = memref.load %arg8[%get3A_2] : memref<1xf32, #tpu.memory_space<smem>>
    %ge3A = arith.constant 0.000000e+00 : f32
    %ge3A_4 = vector.broadcast %ge3A : f32 to vector<1x1024xf32>
    %ge3A_5 = arith.cmpf oge, %get3A_1, %ge3A_4 : vector<1x1024xf32>
    %mul3A = vector.broadcast %get3A_3 : f32 to vector<1x1024xf32>
    %mul3A_6 = arith.mulf %mul3A, %get3A_1 : vector<1x1024xf32>
    %select_n3A = arith.select %ge3A_5, %get3A_1, %mul3A_6 : vector<1x1024xi1>, vector<1x1024xf32>
    %get3A_7 = arith.constant 0 : index
    %get3A_8 = arith.constant 0 : index
    %get3A_9 = vector.load %arg4[%get3A_7, %get3A_8] : memref<1024x256xf32, #tpu.memory_space<vmem>>, vector<1024x256xf32>
    %dot_general3A = arith.constant dense<0.000000e+00> : vector<1x256xf32>
    %dot_general3A_10 = tpu.matmul %select_n3A, %get3A_9, %dot_general3A {dimension_numbers = #tpu.dot_dimension_numbers<[1], [0], [0], [1], [0, 0, 1, 1], [], []>, transpose_lhs_hint = false} : vector<1x1024xf32>, vector<1024x256xf32>, vector<1x256xf32> -> vector<1x256xf32>
    %get3A_11 = arith.constant 0 : index
    %get3A_12 = arith.constant 0 : index
    %get3A_13 = vector.load %arg1[%get3A_11, %get3A_12] : memref<1000x192xf32, #tpu.memory_space<vmem>>, vector<1000x192xf32>
    %get3A_14 = arith.constant 0 : index
    %get3A_15 = arith.constant 0 : index
    %get3A_16 = vector.load %arg3[%get3A_14, %get3A_15] : memref<192x256xf32, #tpu.memory_space<vmem>>, vector<192x256xf32>
    %dot_general3A_17 = arith.constant dense<0.000000e+00> : vector<1000x256xf32>
    %dot_general3A_18 = tpu.matmul %get3A_13, %get3A_16, %dot_general3A_17 {dimension_numbers = #tpu.dot_dimension_numbers<[1], [0], [0], [1], [0, 0, 1, 1], [], []>, transpose_lhs_hint = false} : vector<1000x192xf32>, vector<192x256xf32>, vector<1000x256xf32> -> vector<1000x256xf32>
    %add3A = vector.broadcast %dot_general3A_10 : vector<1x256xf32> to vector<1000x256xf32>
    %add3A_19 = arith.addf %dot_general3A_18, %add3A : vector<1000x256xf32>
    %get3A_20 = arith.constant 0 : index
    %get3A_21 = memref.load %arg9[%get3A_20] : memref<1xf32, #tpu.memory_space<smem>>
    %ge3A_22 = arith.constant 0.000000e+00 : f32
    %ge3A_23 = vector.broadcast %ge3A_22 : f32 to vector<1000x256xf32>
    %ge3A_24 = arith.cmpf oge, %add3A_19, %ge3A_23 : vector<1000x256xf32>
    %mul3A_25 = vector.broadcast %get3A_21 : f32 to vector<1000x256xf32>
    %mul3A_26 = arith.mulf %mul3A_25, %add3A_19 : vector<1000x256xf32>
    %select_n3A_27 = arith.select %ge3A_24, %add3A_19, %mul3A_26 : vector<1000x256xi1>, vector<1000x256xf32>
    %get3A_28 = arith.constant 0 : index
    %get3A_29 = arith.constant 0 : index
    %get3A_30 = vector.load %arg5[%get3A_28, %get3A_29] : memref<256x256xf32, #tpu.memory_space<vmem>>, vector<256x256xf32>
    %dot_general3A_31 = arith.constant dense<0.000000e+00> : vector<1000x256xf32>
    %dot_general3A_32 = tpu.matmul %select_n3A_27, %get3A_30, %dot_general3A_31 {dimension_numbers = #tpu.dot_dimension_numbers<[1], [0], [0], [1], [0, 0, 1, 1], [], []>, transpose_lhs_hint = false} : vector<1000x256xf32>, vector<256x256xf32>, vector<1000x256xf32> -> vector<1000x256xf32>
    %get3A_33 = arith.constant 0 : index
    %get3A_34 = memref.load %arg10[%get3A_33] : memref<1xf32, #tpu.memory_space<smem>>
    %ge3A_35 = arith.constant 0.000000e+00 : f32
    %ge3A_36 = vector.broadcast %ge3A_35 : f32 to vector<1000x256xf32>
    %ge3A_37 = arith.cmpf oge, %dot_general3A_32, %ge3A_36 : vector<1000x256xf32>
    %mul3A_38 = vector.broadcast %get3A_34 : f32 to vector<1000x256xf32>
    %mul3A_39 = arith.mulf %mul3A_38, %dot_general3A_32 : vector<1000x256xf32>
    %select_n3A_40 = arith.select %ge3A_37, %dot_general3A_32, %mul3A_39 : vector<1000x256xi1>, vector<1000x256xf32>
    %get3A_41 = arith.constant 0 : index
    %get3A_42 = arith.constant 0 : index
    %get3A_43 = vector.load %arg6[%get3A_41, %get3A_42] : memref<256x128xf32, #tpu.memory_space<vmem>>, vector<256x128xf32>
    %dot_general3A_44 = arith.constant dense<0.000000e+00> : vector<1000x128xf32>
    %dot_general3A_45 = tpu.matmul %select_n3A_40, %get3A_43, %dot_general3A_44 {dimension_numbers = #tpu.dot_dimension_numbers<[1], [0], [0], [1], [0, 0, 1, 1], [], []>, transpose_lhs_hint = false} : vector<1000x256xf32>, vector<256x128xf32>, vector<1000x128xf32> -> vector<1000x128xf32>
    %get3A_46 = arith.constant 0 : index
    %get3A_47 = memref.load %arg11[%get3A_46] : memref<1xf32, #tpu.memory_space<smem>>
    %ge3A_48 = arith.constant 0.000000e+00 : f32
    %ge3A_49 = vector.broadcast %ge3A_48 : f32 to vector<1000x128xf32>
    %ge3A_50 = arith.cmpf oge, %dot_general3A_45, %ge3A_49 : vector<1000x128xf32>
    %mul3A_51 = vector.broadcast %get3A_47 : f32 to vector<1000x128xf32>
    %mul3A_52 = arith.mulf %mul3A_51, %dot_general3A_45 : vector<1000x128xf32>
    %select_n3A_53 = arith.select %ge3A_50, %dot_general3A_45, %mul3A_52 : vector<1000x128xi1>, vector<1000x128xf32>
    %get3A_54 = arith.constant 0 : index
    %get3A_55 = arith.constant 0 : index
    %get3A_56 = vector.load %arg7[%get3A_54, %get3A_55] : memref<128x128xf32, #tpu.memory_space<vmem>>, vector<128x128xf32>
    %dot_general3A_57 = arith.constant dense<0.000000e+00> : vector<1000x128xf32>
    %dot_general3A_58 = tpu.matmul %select_n3A_53, %get3A_56, %dot_general3A_57 {dimension_numbers = #tpu.dot_dimension_numbers<[1], [0], [0], [1], [0, 0, 1, 1], [], []>, transpose_lhs_hint = false} : vector<1000x128xf32>, vector<128x128xf32>, vector<1000x128xf32> -> vector<1000x128xf32>
    %get3A_59 = arith.constant 0 : index
    %get3A_60 = memref.load %arg12[%get3A_59] : memref<1xf32, #tpu.memory_space<smem>>
    %ge3A_61 = arith.constant 0.000000e+00 : f32
    %ge3A_62 = vector.broadcast %ge3A_61 : f32 to vector<1000x128xf32>
    %ge3A_63 = arith.cmpf oge, %dot_general3A_58, %ge3A_62 : vector<1000x128xf32>
    %mul3A_64 = vector.broadcast %get3A_60 : f32 to vector<1000x128xf32>
    %mul3A_65 = arith.mulf %mul3A_64, %dot_general3A_58 : vector<1000x128xf32>
    %select_n3A_66 = arith.select %ge3A_63, %dot_general3A_58, %mul3A_65 : vector<1000x128xi1>, vector<1000x128xf32>
    %swap3A = arith.constant 0 : index
    %swap3A_67 = arith.constant 0 : index
    %swap3A_68 = vector.load %arg13[%swap3A, %swap3A_67] : memref<1000x128xf32, #tpu.memory_space<vmem>>, vector<1000x128xf32>
    tpu.vector_store %arg13[%swap3A, %swap3A_67], %select_n3A_66 {strides = array<i32>} : memref<1000x128xf32, #tpu.memory_space<vmem>>, vector<1000x128xf32>,
    return
  }
  func.func @transform_0(%arg0: i32) -> (i32, i32) {
    %c0_i32 = arith.constant 0 : i32
    %c0_i32_0 = arith.constant 0 : i32
    return %arg0, %c0_i32 : i32, i32
  }
  func.func @transform_1(%arg0: i32) -> (i32, i32) {
    %c0_i32 = arith.constant 0 : i32
    %c0_i32_0 = arith.constant 0 : i32
    %c0_i32_1 = arith.constant 0 : i32
    return %c0_i32, %c0_i32_0 : i32, i32
  }
  func.func @transform_2(%arg0: i32) -> (i32, i32) {
    %c0_i32 = arith.constant 0 : i32
    %c0_i32_0 = arith.constant 0 : i32
    %c0_i32_1 = arith.constant 0 : i32
    return %c0_i32, %c0_i32_0 : i32, i32
  }
  func.func @transform_3(%arg0: i32) -> (i32, i32) {
    %c0_i32 = arith.constant 0 : i32
    %c0_i32_0 = arith.constant 0 : i32
    %c0_i32_1 = arith.constant 0 : i32
    return %c0_i32, %c0_i32_0 : i32, i32
  }
  func.func @transform_4(%arg0: i32) -> (i32, i32) {
    %c0_i32 = arith.constant 0 : i32
    %c0_i32_0 = arith.constant 0 : i32
    %c0_i32_1 = arith.constant 0 : i32
    return %c0_i32, %c0_i32_0 : i32, i32
  }
  func.func @transform_5(%arg0: i32) -> (i32, i32) {
    %c0_i32 = arith.constant 0 : i32
    %c0_i32_0 = arith.constant 0 : i32
    %c0_i32_1 = arith.constant 0 : i32
    return %c0_i32, %c0_i32_0 : i32, i32
  }
  func.func @transform_6(%arg0: i32) -> (i32, i32) {
    %c0_i32 = arith.constant 0 : i32
    %c0_i32_0 = arith.constant 0 : i32
    %c0_i32_1 = arith.constant 0 : i32
    return %c0_i32, %c0_i32_0 : i32, i32
  }
  func.func @transform_7(%arg0: i32) -> i32 {
    %c0_i32 = arith.constant 0 : i32
    %c0_i32_0 = arith.constant 0 : i32
    return %c0_i32 : i32
  }
  func.func @transform_8(%arg0: i32) -> i32 {
    %c0_i32 = arith.constant 0 : i32
    %c0_i32_0 = arith.constant 0 : i32
    return %c0_i32 : i32
  }
  func.func @transform_9(%arg0: i32) -> i32 {
    %c0_i32 = arith.constant 0 : i32
    %c0_i32_0 = arith.constant 0 : i32
    return %c0_i32 : i32
  }
  func.func @transform_10(%arg0: i32) -> i32 {
    %c0_i32 = arith.constant 0 : i32
    %c0_i32_0 = arith.constant 0 : i32
    return %c0_i32 : i32
  }
  func.func @transform_11(%arg0: i32) -> i32 {
    %c0_i32 = arith.constant 0 : i32
    %c0_i32_0 = arith.constant 0 : i32
    return %c0_i32 : i32
  }
  func.func @transform_12(%arg0: i32) -> (i32, i32) {
    %c0_i32 = arith.constant 0 : i32
    %c0_i32_0 = arith.constant 0 : i32
    return %arg0, %c0_i32 : i32, i32
  }
}

</mosaic_0001>

<sc_bundles>
// kernel: kernel.13.cloned.1.call-start
scs
__scs_entry_jumppad:
0x0: {  	(pc) =	sbr.rel $0x88, $3  }
0x1: {  	(tag) =	ssettag $0x0;
	lr =	simm.s32 $0x1  }
0x2: {  	[smem:$0x3F8C] =	sst lr;
	_ =	strace $0xD0000000  }
0x3: {  	_ = 	snop  }
0x4: {  	_ = 	snop  }
0x5: {  	_ = 	snop  }
0x6: {  	_ = 	snop  }
0x7: {  	_ = 	snop  }
__scs_overlays_trampoline_lowered:
0x8: {  	[smem:$0x3F9B] =	sst s0  }
0x9: {  	[smem:$0x3F9C] =	sst s1  }
0xa: {  	[smem:$0x3F9D] =	sst s2  }
0xb: {  	[smem:$0x3F9E] =	sst s3  }
0xc: {  	[smem:$0x3F9F] =	sst s4  }
0xd: {  	[smem:$0x3FA0] =	sst s5  }
0xe: {  	[smem:$0x3FA1] =	sst s6  }
0xf: {  	[smem:$0x3FA2] =	sst s7  }
0x10: {  	[smem:$0x3FA3] =	sst s8  }
0x11: {  	[smem:$0x3FA4] =	sst s9;
	s0 =	simm.s32 @!p0 $0x0  }
0x12: {  	s1 =	sld [smem:$0x3F8A];
	s0 =	simm.s32 @p0 $0x1  }
0x13: {  	[smem:$0x3FA5] =	sst s0;
	s0 =	simm.s32 @!p1 $0x0  }
0x14: {  	s2 =	sld [smem:$0x3F89];
	s0 =	simm.s32 @p1 $0x1  }
0x15: {  	[smem:$0x3FA6] =	sst s0;
	s0 =	simm.s32 @!p2 $0x0  }
0x16: {  	s3 =	sld [smem:$0x3FDB];
	s0 =	simm.s32 @p2 $0x1  }
0x17: {  	s4 =	simm.s32 $0x1BF5;
	[smem:$0x3FA8] =	sst s0  }
0x18: {  	s0 =	sld [smem:$0x3F8B];
	_ =	swait.ge [sflag:s4], $0x0  }
0x19: {  	s7 =	sld [smem:$0x3F8C]  }
0x1a: {  	s8 =	sadd.s32 $0xFFFFE003, lr  }
0x1b: {  	s9 =	sadd.s32 $0xFFFFFEF7, lr;
	s5 =	simm.s32 $0xFFFFFFFF;
	p2 =	slt.u32 s8, $0xFFFFF086  }
0x1c: {  	p1 =	slt.u32 s9, $0xF7A;
	s5 =	simm.s32 @!p2 $0x0  }
0x1d: {  	s5 =	simm.s32 @p1 $0x1;
	p0 =	seq.s32 s7, s2  }
0x1e: {  	s7 =	smul.u32 @!p0 $0xF7A, s2;
	p2 =	seq.s32 @!p0 s5, $0x0  }
0x1f: {  	s9 =	smul.u32 $0xF7A, s1;
	s8 =	simm.s32 @!p0 $0x1BF5;
	p2 =	por !p2, p0  }
0x20: {  	[sflag:s8] =	ssyncset.s32 @!p0 $0xFFFFF086;
	s6 =	sadd.s32 @!p0 s3, s7;
	s7 =	simm.s32 @!p0 $0x108  }
0x21: {  	s3 =	sadd.s32 s3, s9;
	s6 =	sadd.s32 @!p0 $0x88, s6;
	s7 =	simm.s32 @p2 $0x1082  }
0x22: {  	[simem:s7], [sflag:s8] =	dma.local @!p0 [hbm:s6], $0xF7A  }
0x23: {  	s9 =	sor.u32 $0xD0000000, s2;
	s6 =	simm.s32 $0x108;
	_ =	swait.ge @!p0 [sflag:s8], $0x0  }
0x24: {  	s3 =	sadd.s32 $0x88, s3;
	s6 =	simm.s32 @!p1 $0x1082;
	[sflag:s4] =	ssyncset.s32 $0xFFFFF086  }
0x25: {  	[simem:s6], [sflag:s4] =	dma.local [hbm:s3], $0xF7A  }
0x26: {  	[smem:$0x3F8C] =	sst s1;
	(tag) =	ssettag s2;
	_ =	strace s9  }
0x27: {  	s1 =	sld [smem:$0x3F9C]  }
0x28: {  	s2 =	sld [smem:$0x3F9D]  }
0x29: {  	s4 =	sld [smem:$0x3F9F]  }
0x2a: {  	p0 =	seq.s32 s5, $0x0;
	s5 =	sld [smem:$0x3FA0]  }
0x2b: {  	s6 =	sld [smem:$0x3FA1]  }
0x2c: {  	s7 =	sld [smem:$0x3FA2]  }
0x2d: {  	s3 =	simm.s32 $0x108;
	s8 =	sld [smem:$0x3FA3]  }
0x2e: {  	s3 =	simm.s32 @!p0 $0x1082;
	s9 =	sld [smem:$0x3FA4]  }
0x2f: {  	lr =	sadd.s32 s0, s3;
	s0 =	sld [smem:$0x3F9B]  }
0x30: {  	s3 =	sld [smem:$0x3F9E]  }
0x31: {  	[smem:$0x3FA7] =	sst s10  }
0x32: {  	s10 =	sld [smem:$0x3FA5];
	_ =	sdelay $0x3  }
0x33: {  	p0 =	seq.s32 s10, $0x1;
	s10 =	sld [smem:$0x3FA7];
	_ =	sdelay $0x3  }
0x34: {  	[smem:$0x3FA7] =	sst s10  }
0x35: {  	s10 =	sld [smem:$0x3FA6];
	_ =	sdelay $0x3  }
0x36: {  	p1 =	seq.s32 s10, $0x1;
	s10 =	sld [smem:$0x3FA7];
	_ =	sdelay $0x3  }
0x37: {  	[smem:$0x3FA7] =	sst s10  }
0x38: {  	s10 =	sld [smem:$0x3FA8]  }
0x39: {  	_ = 	snop;
	(pc) =	sbr.ind lr, $3  }
0x3a: {  	_ = 	snop  }
0x3b: {  	_ = 	snop  }
0x3c: {  	p2 =	seq.s32 s10, $0x1;
	s10 =	sld [smem:$0x3FA7]  }
0x3d: {  	_ =	shalt  }
0x3e: {  	_ =	shalt  }
0x3f: {  	_ =	shalt  }
0x40: {  	_ =	shalt  }
0x41: {  	_ =	shalt  }
0x42: {  	_ =	shalt  }
0x43: {  	_ =	shalt  }
0x44: {  	_ =	shalt  }
0x45: {  	_ =	shalt  }
0x46: {  	_ =	shalt  }
0x47: {  	_ =	shalt  }
0x48: {  	_ =	shalt  }
0x49: {  	_ =	shalt  }
0x4a: {  	_ =	shalt  }
0x4b: {  	_ =	shalt  }
0x4c: {  	_ =	shalt  }
0x4d: {  	_ =	shalt  }
0x4e: {  	_ =	shalt  }
0x4f: {  	_ =	shalt  }
0x50: {  	_ =	shalt  }
0x51: {  	_ =	shalt  }
0x52: {  	_ =	shalt  }
0x53: {  	_ =	shalt  }
0x54: {  	_ =	shalt  }
0x55: {  	_ =	shalt  }
0x56: {  	_ =	shalt  }
0x57: {  	_ =	shalt  }
0x58: {  	_ =	shalt  }
0x59: {  	_ =	shalt  }
0x5a: {  	_ =	shalt  }
0x5b: {  	_ =	shalt  }
0x5c: {  	_ =	shalt  }
0x5d: {  	_ =	shalt  }
0x5e: {  	_ =	shalt  }
0x5f: {  	_ =	shalt  }
0x60: {  	_ =	shalt  }
0x61: {  	_ =	shalt  }
0x62: {  	_ =	shalt  }
0x63: {  	_ =	shalt  }
0x64: {  	_ =	shalt  }
0x65: {  	_ =	shalt  }
0x66: {  	_ =	shalt  }
0x67: {  	_ =	shalt  }
0x68: {  	_ =	shalt  }
0x69: {  	_ =	shalt  }
0x6a: {  	_ =	shalt  }
0x6b: {  	_ =	shalt  }
0x6c: {  	_ =	shalt  }
0x6d: {  	_ =	shalt  }
0x6e: {  	_ =	shalt  }
0x6f: {  	_ =	shalt  }
0x70: {  	_ =	shalt  }
0x71: {  	_ =	shalt  }
0x72: {  	_ =	shalt  }
0x73: {  	_ =	shalt  }
0x74: {  	_ =	shalt  }
0x75: {  	_ =	shalt  }
0x76: {  	_ =	shalt  }
0x77: {  	_ =	shalt  }
0x78: {  	_ =	shalt  }
0x79: {  	_ =	shalt  }
0x7a: {  	_ =	shalt  }
0x7b: {  	_ =	shalt  }
0x7c: {  	_ =	shalt  }
0x7d: {  	_ =	shalt  }
0x7e: {  	_ =	shalt  }
0x7f: {  	_ =	shalt  }
0x80: {  	_ =	shalt  }
0x81: {  	_ =	shalt  }
0x82: {  	_ =	shalt  }
0x83: {  	_ =	shalt  }
0x84: {  	_ =	shalt  }
0x85: {  	_ =	shalt  }
0x86: {  	_ =	shalt  }
0x87: {  	_ =	shalt  }
.Lfunc_end0:
.L_simem_size_0:
called_computation_lowered:
.L_overlay_start_0:
0x88: {  	s2 =	sld [smem:$0x3FD9]  }
0x89: {  	s3 =	sld [smem:$0x3FFE];
	_ =	sdelay $0x1  }
0x8a: {  	s1 =	srdreg.scid  }
0x8b: {  	s0 =	sand.u32 $0x1, s1  }
0x8c: {  	s16 =	sshll.u32 s0, $0xA;
	s2 =	sadd.s32 s3, s2  }
0x8d: {  	s2 =	sadd.s32 s2, s16  }
0x8e: {  	[smem:$0x3FB3] =	sst s2  }
0x8f: {  	_ = 	snop  }
0x90: {  	(tm) =	ssettm $0x1  }
0x91: {  	s17 =	sld [smem:$0x3FFB];
	_ =	sdelay $0x3  }
0x92: {  	_ =	strace s17  }
0x93: {  	s2 =	sld [smem:$0x3FFC];
	_ =	sdelay $0x3  }
0x94: {  	_ =	strace s2  }
0x95: {  	s2 =	sld [smem:$0x3FFD];
	_ =	sdelay $0x3  }
0x96: {  	_ =	strace s2  }
0x97: {  	_ =	strace $0x8FFFFFFF  }
0x98: {  	s18 =	sld [smem:$0x3FDB];
	_ =	sdelay $0x1  }
0x99: {  	s19 =	simm.s32 $_scs_section_size  }
0x9a: {  	s4 =	simm.s32 $_size__tile_overlayer_lowered;
	s5 =	simm.s32 $_tile_overlayer_lowered  }
0x9b: {  	s22 =	simm.s32 $0x1BFF;
	s21 =	sshll.u32 s5, $0x1;
	s2 =	sadd.s32 s19, s18  }
0x9c: {  	s6 =	simm.s32 $0x0;
	s20 =	sshll.u32 s4, $0x1;
	s4 =	sadd.s32 s21, s2  }
0x9d: {  	[timem:s6], [sflag:s22] =	dma.local [hbm:s4], s20  }
0x9e: {  	_ =	swait.ge [sflag:s22], s20  }
0x9f: {  	s3 =	ssub.s32 $0x0, s20;
	[sflag:s22] =	ssyncset.done $0x0  }
0xa0: {  	[sflag:s22] =	ssyncadd.s32 s3;
	_ =	sdelay $0x1  }
0xa1: {  	s23 =	simm.s32 $0x1B8B  }
0xa2: {  	_ =	swait.ge [sflag:s23], $0x1  }
0xa3: {  	[sflag:s23] =	ssyncset.done $0x0  }
0xa4: {  	s25 =	simm.s32 $0x1B8E;
	s24 =	sld [smem:$0x3FFE];
	[sflag:s23] =	ssyncadd.s32 $0xFFFFFFFF  }
0xa5: {  	s26 =	simm.s32 $execute0_lowered;
	[smem:$0x3FD2] =	sst s25  }
0xa6: {  	s4 =	sshll.u32 s26, $0x1;
	_ =	strace $0x80000046;
	[dreg:$0x1] =	wrdreg $0xFFFFFFFF  }
0xa7: {  	s28 =	simm.s32 $_size_execute0_lowered;
	s2 =	sadd.s32 s2, s4;
	[dreg:$0x0] =	wrdreg $0x0  }
0xa8: {  	s4 =	sshll.u32 s28, $0x1;
	[dreg:$0x2] =	wrdreg s2  }
0xa9: {  	[dreg:$0x3] =	wrdreg s4  }
0xaa: {  	[dreg:$0x4] =	wrdreg $0xC0  }
0xab: {  	_ =	task [dreg:s6], $0x5FFFF  }
0xac: {  	[dreg:$0x1] =	wrdreg $0xFFFFFFFF  }
0xad: {  	[dreg:$0x0] =	wrdreg $0x60  }
0xae: {  	[dreg:$0x2] =	wrdreg s24  }
0xaf: {  	[dreg:$0x3] =	wrdreg $0x9  }
0xb0: {  	_ =	task.clear_ibuf [dreg:s6], $0x4FFFF;
	_ =	strace $0x90000046  }
0xb1: {  	s29 =	simm.s32 $0x9;
	_ =	strace $0x80000048  }
0xb2: {  	_ =	swait.ge [sflag:s29], $0x1  }
0xb3: {  	[sflag:s29] =	ssyncadd.s32 $0xFFFFFFFF  }
0xb4: {  	_ =	strace $0x90000048  }
0xb5: {  	_ =	sfence  }
0xb6: {  	s30 =	sld [smem:$0x0];
	_ =	sdelay $0x2  }
0xb7: {  	s31 =	sshll.u32 s1, $0xD;
	s1 =	sshrl.u32 s1, $0x2  }
0xb8: {  	s3 =	sand.u32 $0x4000, s31;
	s1 =	sadd.s32 s1, s30  }
0xb9: {  	s0 =	sor.u32 s3, s0;
	s1 =	sshll.u32 s1, $0x11  }
0xba: {  	s0 =	sor.u32 s1, s0  }
0xbb: {  	s0 =	sadd.s32 $0x8F2B, s0  }
0xbc: {  	[sflag:s0] =	ssyncadd.remote.s32 $0x1  }
0xbd: {  	_ =	sfence.sel $0xFFFF  }
0xbe: {  	[dreg:$0x0] =	wrdreg $0xFFFFFFFF;
	(pc) =	sbr.abs _section_cstart, $3  }
0xbf: {  	[dreg:$0x1] =	wrdreg $0xFFFFFFFF  }
0xc0: {  	_ =	task.clear_ibuf [dreg:s6], $0x2FFFF;
	_ =	strace $0x9FFFFFFF  }
0xc1: {  	(tm) =	ssettm $0x7FFFFFFF  }
tec
execute0_lowered:
.L_overlay_start_1:
0x0: {  	(tag) =	ssettag $0x1  }
0x1: {  	s1 =	srdreg.scid;
	s0 =	stileid.u32  }
0x2: {  	s15 =	sand.u32 $0x1, s1;
	s28 =	sshll.u32 s0, $0x1  }
0x3: {  	s9 =	sor.u32 s15, s28  }
0x4: {  	s10 =	rddreg [dreg:$0x0];
	s14 =	smul.u32 $0xC40, s9  }
0x5: {  	s2 =	simm.s32 $0x0;
	s1 =	rddreg [dreg:$0x1]  }
0x6: {  	[smem:$0x7FF] =	sst s2;
	s16 =	sadd.s32 $0x28A00, s10;
	s3 =	sshrl.u32 s14, $0x3  }
0x7: {  	_ =	strace $0x80000047;
	s4 =	sadd.s32 s16, s3;
	s3 =	simm.s32 $0x2  }
0x8: {  	[tilespmem:s2], [sflag:$0x2] =	stream.linear.gather [hbm4b:s4+s2], $0x310, $0x38;
	[tilespmem:$0x18B80] =	vst v63  }
0x9: {  	_ =	swait.ge [sflag:s3], $0x310  }
0xa: {  	s6 =	simm.s32 $0x310;
	s7 =	simm.s32 $0x380;
	[sflag:s3] =	ssyncset.done $0x0  }
0xb: {  	s8 =	simm.s32 $0x1;
	s5 =	sadd.s32 $0x1800, s10;
	[sflag:s3] =	ssyncadd.s32 $0xFFFFFCF0  }
0xc: {  	[tilespmem:s7], [sflag:$0x1] =	stream.indirect.gather [hbm4b:s5+s6], $0x80, s2, s6, $0xb8;
	[tilespmem:$0x18B80] =	vst v63  }
0xd: {  	s9 =	smul.u32 $0xC400, s9;
	_ =	swait.ge [sflag:s8], $0x18800  }
0xe: {  	s17 =	sadd.s32 $0x2BC00, s10;
	[sflag:s8] =	ssyncset.done $0x0  }
0xf: {  	s9 =	sadd.s32 s17, s9;
	[sflag:s8] =	ssyncadd.s32 $0xFFFE7800  }
0x10: {  	[hbm4b:s9+s2] =	stream.linear.scatter [tilespmem:s7], [sflag:$0x2], $0x18800, $0x38;
	[tilespmem:$0x18B80] =	vst v63  }
0x11: {  	s11 =	sadd.s32 $0x310, s14;
	_ =	swait.ge [sflag:s3], $0x18800  }
0x12: {  	s29 =	sshrl.u32 s11, $0x3;
	[sflag:s3] =	ssyncset.done $0x0  }
0x13: {  	s10 =	sadd.s32 s16, s29;
	[sflag:s3] =	ssyncadd.s32 $0xFFFE7800  }
0x14: {  	[tilespmem:s2], [sflag:$0x2] =	stream.linear.gather [hbm4b:s10+s2], $0x310, $0x38;
	[tilespmem:$0x18B80] =	vst v63  }
0x15: {  	_ =	swait.ge [sflag:s3], $0x310  }
0x16: {  	[sflag:s3] =	ssyncset.done $0x0  }
0x17: {  	[sflag:s3] =	ssyncadd.s32 $0xFFFFFCF0  }
0x18: {  	[tilespmem:s7], [sflag:$0x1] =	stream.indirect.gather [hbm4b:s5+s6], $0x80, s2, s6, $0xb8;
	[tilespmem:$0x18B80] =	vst v63  }
0x19: {  	_ =	swait.ge [sflag:s8], $0x18800  }
0x1a: {  	s11 =	sshll.u32 s11, $0x4;
	[sflag:s8] =	ssyncset.done $0x0  }
0x1b: {  	s11 =	sadd.s32 s17, s11;
	[sflag:s8] =	ssyncadd.s32 $0xFFFE7800  }
0x1c: {  	[hbm4b:s11+s2] =	stream.linear.scatter [tilespmem:s7], [sflag:$0x2], $0x18800, $0x38;
	[tilespmem:$0x18B80] =	vst v63  }
0x1d: {  	s13 =	sadd.s32 $0x620, s14;
	_ =	swait.ge [sflag:s3], $0x18800  }
0x1e: {  	s12 =	sshrl.u32 s13, $0x3;
	[sflag:s3] =	ssyncset.done $0x0  }
0x1f: {  	s12 =	sadd.s32 s16, s12;
	[sflag:s3] =	ssyncadd.s32 $0xFFFE7800  }
0x20: {  	[tilespmem:s2], [sflag:$0x2] =	stream.linear.gather [hbm4b:s12+s2], $0x310, $0x38;
	[tilespmem:$0x18B80] =	vst v63  }
0x21: {  	_ =	swait.ge [sflag:s3], $0x310  }
0x22: {  	[sflag:s3] =	ssyncset.done $0x0  }
0x23: {  	[sflag:s3] =	ssyncadd.s32 $0xFFFFFCF0  }
0x24: {  	[tilespmem:s7], [sflag:$0x1] =	stream.indirect.gather [hbm4b:s5+s6], $0x80, s2, s6, $0xb8;
	[tilespmem:$0x18B80] =	vst v63  }
0x25: {  	_ =	swait.ge [sflag:s8], $0x18800  }
0x26: {  	s13 =	sshll.u32 s13, $0x4;
	[sflag:s8] =	ssyncset.done $0x0  }
0x27: {  	s13 =	sadd.s32 s17, s13;
	[sflag:s8] =	ssyncadd.s32 $0xFFFE7800  }
0x28: {  	[hbm4b:s13+s2] =	stream.linear.scatter [tilespmem:s7], [sflag:$0x2], $0x18800, $0x38;
	[tilespmem:$0x18B80] =	vst v63  }
0x29: {  	s18 =	sadd.s32 $0x930, s14;
	_ =	swait.ge [sflag:s3], $0x18800  }
0x2a: {  	s14 =	sshrl.u32 s18, $0x3;
	[sflag:s3] =	ssyncset.done $0x0  }
0x2b: {  	s15 =	ssub.s32 $0x2, s15;
	s14 =	sadd.s32 s16, s14;
	[sflag:s3] =	ssyncadd.s32 $0xFFFE7800  }
0x2c: {  	[tilespmem:s2], [sflag:$0x2] =	stream.linear.gather [hbm4b:s14+s2], $0x310, $0x38;
	[tilespmem:$0x18B80] =	vst v63  }
0x2d: {  	s30 =	sshrl.u32 s15, $0x1;
	_ =	swait.ge [sflag:s3], $0x310  }
0x2e: {  	s16 =	ssub.s32 s15, s30;
	[sflag:s3] =	ssyncset.done $0x0  }
0x2f: {  	s16 =	smax.u32 s16, $0x1;
	[sflag:s3] =	ssyncadd.s32 $0xFFFFFCF0  }
0x30: {  	[tilespmem:s7], [sflag:$0x1] =	stream.indirect.gather [hbm4b:s5+s6], $0x80, s2, s6, $0xb8;
	[tilespmem:$0x18B80] =	vst v63  }
0x31: {  	p0 =	sne.s32 s16, $0x1;
	_ =	swait.ge [sflag:s8], $0x18800  }
.Ltmp0:
0x32: {  	s31 =	sshll.u32 s18, $0x4;
	[sflag:s8] =	ssyncset.done $0x0;
	(pc) =	sbr.rel @!p0 .LBB2_2-.Ltmp0, $4  }
0x33: {  	s15 =	sadd.s32 s17, s31;
	[sflag:s8] =	ssyncadd.s32 $0xFFFE7800  }
0x34: {  	[hbm4b:s15+s2] =	stream.linear.scatter [tilespmem:s7], [sflag:$0x2], $0x18800, $0x38;
	[tilespmem:$0x18B80] =	vst v63  }
0x35: {  	_ =	swait.ge [sflag:s3], $0x18800  }
0x36: {  	s16 =	sadd.s32 $0xFFFFFFFF, s16;
	[sflag:s3] =	ssyncset.done $0x0  }
.LBB2_1:
0x37: {  	p0 =	sne.s32 s16, $0x1;
	s16 =	sadd.s32 $0xFFFFFFFF, s16;
	[sflag:s3] =	ssyncadd.s32 $0xFFFE7800  }
0x38: {  	[tilespmem:s2], [sflag:$0x2] =	stream.linear.gather [hbm4b:s4+s2], $0x310, $0x38;
	[tilespmem:$0x18B80] =	vst v63  }
0x39: {  	_ =	swait.ge [sflag:s3], $0x310  }
0x3a: {  	[sflag:s3] =	ssyncset.done $0x0  }
0x3b: {  	[sflag:s3] =	ssyncadd.s32 $0xFFFFFCF0  }
0x3c: {  	[tilespmem:s7], [sflag:$0x1] =	stream.indirect.gather [hbm4b:s5+s6], $0x80, s2, s6, $0xb8;
	[tilespmem:$0x18B80] =	vst v63  }
0x3d: {  	_ =	swait.ge [sflag:s8], $0x18800  }
0x3e: {  	[sflag:s8] =	ssyncset.done $0x0  }
0x3f: {  	[sflag:s8] =	ssyncadd.s32 $0xFFFE7800  }
0x40: {  	[hbm4b:s9+s2] =	stream.linear.scatter [tilespmem:s7], [sflag:$0x2], $0x18800, $0x38;
	[tilespmem:$0x18B80] =	vst v63  }
0x41: {  	_ =	swait.ge [sflag:s3], $0x18800  }
0x42: {  	[sflag:s3] =	ssyncset.done $0x0  }
0x43: {  	[sflag:s3] =	ssyncadd.s32 $0xFFFE7800  }
0x44: {  	[tilespmem:s2], [sflag:$0x2] =	stream.linear.gather [hbm4b:s10+s2], $0x310, $0x38;
	[tilespmem:$0x18B80] =	vst v63  }
0x45: {  	_ =	swait.ge [sflag:s3], $0x310  }
0x46: {  	[sflag:s3] =	ssyncset.done $0x0  }
0x47: {  	[sflag:s3] =	ssyncadd.s32 $0xFFFFFCF0  }
0x48: {  	[tilespmem:s7], [sflag:$0x1] =	stream.indirect.gather [hbm4b:s5+s6], $0x80, s2, s6, $0xb8;
	[tilespmem:$0x18B80] =	vst v63  }
0x49: {  	_ =	swait.ge [sflag:s8], $0x18800  }
0x4a: {  	[sflag:s8] =	ssyncset.done $0x0  }
0x4b: {  	[sflag:s8] =	ssyncadd.s32 $0xFFFE7800  }
0x4c: {  	[hbm4b:s11+s2] =	stream.linear.scatter [tilespmem:s7], [sflag:$0x2], $0x18800, $0x38;
	[tilespmem:$0x18B80] =	vst v63  }
0x4d: {  	_ =	swait.ge [sflag:s3], $0x18800  }
0x4e: {  	[sflag:s3] =	ssyncset.done $0x0  }
0x4f: {  	[sflag:s3] =	ssyncadd.s32 $0xFFFE7800  }
0x50: {  	[tilespmem:s2], [sflag:$0x2] =	stream.linear.gather [hbm4b:s12+s2], $0x310, $0x38;
	[tilespmem:$0x18B80] =	vst v63  }
0x51: {  	_ =	swait.ge [sflag:s3], $0x310  }
0x52: {  	[sflag:s3] =	ssyncset.done $0x0  }
0x53: {  	[sflag:s3] =	ssyncadd.s32 $0xFFFFFCF0  }
0x54: {  	[tilespmem:s7], [sflag:$0x1] =	stream.indirect.gather [hbm4b:s5+s6], $0x80, s2, s6, $0xb8;
	[tilespmem:$0x18B80] =	vst v63  }
0x55: {  	_ =	swait.ge [sflag:s8], $0x18800  }
0x56: {  	[sflag:s8] =	ssyncset.done $0x0  }
0x57: {  	[sflag:s8] =	ssyncadd.s32 $0xFFFE7800  }
0x58: {  	[hbm4b:s13+s2] =	stream.linear.scatter [tilespmem:s7], [sflag:$0x2], $0x18800, $0x38;
	[tilespmem:$0x18B80] =	vst v63  }
0x59: {  	_ =	swait.ge [sflag:s3], $0x18800  }
0x5a: {  	[sflag:s3] =	ssyncset.done $0x0  }
0x5b: {  	[sflag:s3] =	ssyncadd.s32 $0xFFFE7800  }
0x5c: {  	[tilespmem:s2], [sflag:$0x2] =	stream.linear.gather [hbm4b:s14+s2], $0x310, $0x38;
	[tilespmem:$0x18B80] =	vst v63  }
0x5d: {  	_ =	swait.ge [sflag:s3], $0x310  }
0x5e: {  	[sflag:s3] =	ssyncset.done $0x0  }
0x5f: {  	[sflag:s3] =	ssyncadd.s32 $0xFFFFFCF0  }
0x60: {  	[tilespmem:s7], [sflag:$0x1] =	stream.indirect.gather [hbm4b:s5+s6], $0x80, s2, s6, $0xb8;
	[tilespmem:$0x18B80] =	vst v63  }
0x61: {  	_ =	swait.ge [sflag:s8], $0x18800  }
.Ltmp1:
0x62: {  	[sflag:s8] =	ssyncset.done $0x0;
	(pc) =	sbr.rel @p0 .LBB2_1-.Ltmp1, $4  }
0x63: {  	[sflag:s8] =	ssyncadd.s32 $0xFFFE7800  }
0x64: {  	[hbm4b:s15+s2] =	stream.linear.scatter [tilespmem:s7], [sflag:$0x2], $0x18800, $0x38;
	[tilespmem:$0x18B80] =	vst v63  }
0x65: {  	_ =	swait.ge [sflag:s3], $0x18800  }
0x66: {  	[sflag:s3] =	ssyncset.done $0x0  }
.LBB2_2:
0x67: {  	[sflag:s3] =	ssyncadd.s32 $0xFFFE7800  }
0x68: {  	_ =	sfence.sel $0x180000  }
0x69: {  	[bflag:$0x0] =	sbarrier.arrive $0xFFFF  }
0x6a: {  	p0 =	sne.s32 s0, $0x0;
	_ =	strace $0x90000047  }
0x6b: {  	s0 =	sadd.s32 @!p0 $0x100000, s1;
	[bflag:$0x2] =	sbarrier.arrive $0xFFFF  }
0x6c: {  	[sflag:s0] =	ssyncadd.tile.s32 @!p0 $0x1;
	_ =	shalt  }
.Lfunc_end2:
_tile_overlayer_lowered:
.L_overlay_start_2:
0x6d: {  	(tag) =	ssettag $0x2  }
0x6e: {  	s0 =	rddreg [dreg:$0x0];
	s2 =	stileid.u32  }
0x6f: {  	s1 =	rddreg [dreg:$0x1];
	p0 =	sne.s32 s2, $0x0  }
0x70: {  	s3 =	rddreg [dreg:$0x2];
	[bflag:$0x3] =	sbarrier.arrive $0xFFFF;
	s2 =	simm.s32 @!p0 $0x1C02  }
0x71: {  	[timem:s3], [sflag:s2] =	dma.local @!p0 [hbm:s0], s1  }
0x72: {  	s0 =	simm.s32 @!p0 $0x2  }
0x73: {  	_ =	swait.ge @!p0 [sflag:s0], s1  }
0x74: {  	s1 =	ssub.s32 @!p0 $0x0, s1;
	[sflag:s0] =	ssyncset.done @!p0 $0x0  }
0x75: {  	[sflag:s0] =	ssyncadd.s32 @!p0 s1  }
0x76: {  	[bflag:$0x3] =	sbarrier.arrive $0xFFFF  }
0x77: {  	_ =	shalt  }

// kernel: kernel.16.cloned.1.call-start
scs
__scs_entry_jumppad:
0x0: {  	(pc) =	sbr.rel $0x88, $3  }
0x1: {  	(tag) =	ssettag $0x0;
	lr =	simm.s32 $0x1  }
0x2: {  	[smem:$0x3F8C] =	sst lr;
	_ =	strace $0xD0000000  }
0x3: {  	_ = 	snop  }
0x4: {  	_ = 	snop  }
0x5: {  	_ = 	snop  }
0x6: {  	_ = 	snop  }
0x7: {  	_ = 	snop  }
__scs_overlays_trampoline_lowered:
0x8: {  	[smem:$0x3F9B] =	sst s0  }
0x9: {  	[smem:$0x3F9C] =	sst s1  }
0xa: {  	[smem:$0x3F9D] =	sst s2  }
0xb: {  	[smem:$0x3F9E] =	sst s3  }
0xc: {  	[smem:$0x3F9F] =	sst s4  }
0xd: {  	[smem:$0x3FA0] =	sst s5  }
0xe: {  	[smem:$0x3FA1] =	sst s6  }
0xf: {  	[smem:$0x3FA2] =	sst s7  }
0x10: {  	[smem:$0x3FA3] =	sst s8  }
0x11: {  	[smem:$0x3FA4] =	sst s9;
	s0 =	simm.s32 @!p0 $0x0  }
0x12: {  	s1 =	sld [smem:$0x3F8A];
	s0 =	simm.s32 @p0 $0x1  }
0x13: {  	[smem:$0x3FA5] =	sst s0;
	s0 =	simm.s32 @!p1 $0x0  }
0x14: {  	s2 =	sld [smem:$0x3F89];
	s0 =	simm.s32 @p1 $0x1  }
0x15: {  	[smem:$0x3FA6] =	sst s0;
	s0 =	simm.s32 @!p2 $0x0  }
0x16: {  	s3 =	sld [smem:$0x3FDB];
	s0 =	simm.s32 @p2 $0x1  }
0x17: {  	s4 =	simm.s32 $0x1BF5;
	[smem:$0x3FA8] =	sst s0  }
0x18: {  	s0 =	sld [smem:$0x3F8B];
	_ =	swait.ge [sflag:s4], $0x0  }
0x19: {  	s7 =	sld [smem:$0x3F8C]  }
0x1a: {  	s8 =	sadd.s32 $0xFFFFE003, lr  }
0x1b: {  	s9 =	sadd.s32 $0xFFFFFEF7, lr;
	s5 =	simm.s32 $0xFFFFFFFF;
	p2 =	slt.u32 s8, $0xFFFFF086  }
0x1c: {  	p1 =	slt.u32 s9, $0xF7A;
	s5 =	simm.s32 @!p2 $0x0  }
0x1d: {  	s5 =	simm.s32 @p1 $0x1;
	p0 =	seq.s32 s7, s2  }
0x1e: {  	s7 =	smul.u32 @!p0 $0xF7A, s2;
	p2 =	seq.s32 @!p0 s5, $0x0  }
0x1f: {  	s9 =	smul.u32 $0xF7A, s1;
	s8 =	simm.s32 @!p0 $0x1BF5;
	p2 =	por !p2, p0  }
0x20: {  	[sflag:s8] =	ssyncset.s32 @!p0 $0xFFFFF086;
	s6 =	sadd.s32 @!p0 s3, s7;
	s7 =	simm.s32 @!p0 $0x108  }
0x21: {  	s3 =	sadd.s32 s3, s9;
	s6 =	sadd.s32 @!p0 $0x88, s6;
	s7 =	simm.s32 @p2 $0x1082  }
0x22: {  	[simem:s7], [sflag:s8] =	dma.local @!p0 [hbm:s6], $0xF7A  }
0x23: {  	s9 =	sor.u32 $0xD0000000, s2;
	s6 =	simm.s32 $0x108;
	_ =	swait.ge @!p0 [sflag:s8], $0x0  }
0x24: {  	s3 =	sadd.s32 $0x88, s3;
	s6 =	simm.s32 @!p1 $0x1082;
	[sflag:s4] =	ssyncset.s32 $0xFFFFF086  }
0x25: {  	[simem:s6], [sflag:s4] =	dma.local [hbm:s3], $0xF7A  }
0x26: {  	[smem:$0x3F8C] =	sst s1;
	(tag) =	ssettag s2;
	_ =	strace s9  }
0x27: {  	s1 =	sld [smem:$0x3F9C]  }
0x28: {  	s2 =	sld [smem:$0x3F9D]  }
0x29: {  	s4 =	sld [smem:$0x3F9F]  }
0x2a: {  	p0 =	seq.s32 s5, $0x0;
	s5 =	sld [smem:$0x3FA0]  }
0x2b: {  	s6 =	sld [smem:$0x3FA1]  }
0x2c: {  	s7 =	sld [smem:$0x3FA2]  }
0x2d: {  	s3 =	simm.s32 $0x108;
	s8 =	sld [smem:$0x3FA3]  }
0x2e: {  	s3 =	simm.s32 @!p0 $0x1082;
	s9 =	sld [smem:$0x3FA4]  }
0x2f: {  	lr =	sadd.s32 s0, s3;
	s0 =	sld [smem:$0x3F9B]  }
0x30: {  	s3 =	sld [smem:$0x3F9E]  }
0x31: {  	[smem:$0x3FA7] =	sst s10  }
0x32: {  	s10 =	sld [smem:$0x3FA5];
	_ =	sdelay $0x3  }
0x33: {  	p0 =	seq.s32 s10, $0x1;
	s10 =	sld [smem:$0x3FA7];
	_ =	sdelay $0x3  }
0x34: {  	[smem:$0x3FA7] =	sst s10  }
0x35: {  	s10 =	sld [smem:$0x3FA6];
	_ =	sdelay $0x3  }
0x36: {  	p1 =	seq.s32 s10, $0x1;
	s10 =	sld [smem:$0x3FA7];
	_ =	sdelay $0x3  }
0x37: {  	[smem:$0x3FA7] =	sst s10  }
0x38: {  	s10 =	sld [smem:$0x3FA8]  }
0x39: {  	_ = 	snop;
	(pc) =	sbr.ind lr, $3  }
0x3a: {  	_ = 	snop  }
0x3b: {  	_ = 	snop  }
0x3c: {  	p2 =	seq.s32 s10, $0x1;
	s10 =	sld [smem:$0x3FA7]  }
0x3d: {  	_ =	shalt  }
0x3e: {  	_ =	shalt  }
0x3f: {  	_ =	shalt  }
0x40: {  	_ =	shalt  }
0x41: {  	_ =	shalt  }
0x42: {  	_ =	shalt  }
0x43: {  	_ =	shalt  }
0x44: {  	_ =	shalt  }
0x45: {  	_ =	shalt  }
0x46: {  	_ =	shalt  }
0x47: {  	_ =	shalt  }
0x48: {  	_ =	shalt  }
0x49: {  	_ =	shalt  }
0x4a: {  	_ =	shalt  }
0x4b: {  	_ =	shalt  }
0x4c: {  	_ =	shalt  }
0x4d: {  	_ =	shalt  }
0x4e: {  	_ =	shalt  }
0x4f: {  	_ =	shalt  }
0x50: {  	_ =	shalt  }
0x51: {  	_ =	shalt  }
0x52: {  	_ =	shalt  }
0x53: {  	_ =	shalt  }
0x54: {  	_ =	shalt  }
0x55: {  	_ =	shalt  }
0x56: {  	_ =	shalt  }
0x57: {  	_ =	shalt  }
0x58: {  	_ =	shalt  }
0x59: {  	_ =	shalt  }
0x5a: {  	_ =	shalt  }
0x5b: {  	_ =	shalt  }
0x5c: {  	_ =	shalt  }
0x5d: {  	_ =	shalt  }
0x5e: {  	_ =	shalt  }
0x5f: {  	_ =	shalt  }
0x60: {  	_ =	shalt  }
0x61: {  	_ =	shalt  }
0x62: {  	_ =	shalt  }
0x63: {  	_ =	shalt  }
0x64: {  	_ =	shalt  }
0x65: {  	_ =	shalt  }
0x66: {  	_ =	shalt  }
0x67: {  	_ =	shalt  }
0x68: {  	_ =	shalt  }
0x69: {  	_ =	shalt  }
0x6a: {  	_ =	shalt  }
0x6b: {  	_ =	shalt  }
0x6c: {  	_ =	shalt  }
0x6d: {  	_ =	shalt  }
0x6e: {  	_ =	shalt  }
0x6f: {  	_ =	shalt  }
0x70: {  	_ =	shalt  }
0x71: {  	_ =	shalt  }
0x72: {  	_ =	shalt  }
0x73: {  	_ =	shalt  }
0x74: {  	_ =	shalt  }
0x75: {  	_ =	shalt  }
0x76: {  	_ =	shalt  }
0x77: {  	_ =	shalt  }
0x78: {  	_ =	shalt  }
0x79: {  	_ =	shalt  }
0x7a: {  	_ =	shalt  }
0x7b: {  	_ =	shalt  }
0x7c: {  	_ =	shalt  }
0x7d: {  	_ =	shalt  }
0x7e: {  	_ =	shalt  }
0x7f: {  	_ =	shalt  }
0x80: {  	_ =	shalt  }
0x81: {  	_ =	shalt  }
0x82: {  	_ =	shalt  }
0x83: {  	_ =	shalt  }
0x84: {  	_ =	shalt  }
0x85: {  	_ =	shalt  }
0x86: {  	_ =	shalt  }
0x87: {  	_ =	shalt  }
.Lfunc_end0:
.L_simem_size_0:
called_computation.1_lowered:
.L_overlay_start_0:
0x88: {  	s2 =	sld [smem:$0x3FD9]  }
0x89: {  	s3 =	sld [smem:$0x3FFE];
	_ =	sdelay $0x1  }
0x8a: {  	s1 =	srdreg.scid  }
0x8b: {  	s0 =	sand.u32 $0x1, s1  }
0x8c: {  	s16 =	sshll.u32 s0, $0xA;
	s2 =	sadd.s32 s3, s2  }
0x8d: {  	s2 =	sadd.s32 s2, s16  }
0x8e: {  	[smem:$0x3FB3] =	sst s2  }
0x8f: {  	_ = 	snop  }
0x90: {  	(tm) =	ssettm $0x1  }
0x91: {  	s17 =	sld [smem:$0x3FFB];
	_ =	sdelay $0x3  }
0x92: {  	_ =	strace s17  }
0x93: {  	s2 =	sld [smem:$0x3FFC];
	_ =	sdelay $0x3  }
0x94: {  	_ =	strace s2  }
0x95: {  	s2 =	sld [smem:$0x3FFD];
	_ =	sdelay $0x3  }
0x96: {  	_ =	strace s2  }
0x97: {  	_ =	strace $0x8FFFFFFF  }
0x98: {  	s18 =	sld [smem:$0x3FDB];
	_ =	sdelay $0x1  }
0x99: {  	s19 =	simm.s32 $_scs_section_size  }
0x9a: {  	s4 =	simm.s32 $_size__tile_overlayer_lowered;
	s5 =	simm.s32 $_tile_overlayer_lowered  }
0x9b: {  	s22 =	simm.s32 $0x1BFF;
	s21 =	sshll.u32 s5, $0x1;
	s2 =	sadd.s32 s19, s18  }
0x9c: {  	s6 =	simm.s32 $0x0;
	s20 =	sshll.u32 s4, $0x1;
	s4 =	sadd.s32 s21, s2  }
0x9d: {  	[timem:s6], [sflag:s22] =	dma.local [hbm:s4], s20  }
0x9e: {  	_ =	swait.ge [sflag:s22], s20  }
0x9f: {  	s3 =	ssub.s32 $0x0, s20;
	[sflag:s22] =	ssyncset.done $0x0  }
0xa0: {  	[sflag:s22] =	ssyncadd.s32 s3;
	_ =	sdelay $0x1  }
0xa1: {  	s23 =	simm.s32 $0x1B8B  }
0xa2: {  	_ =	swait.ge [sflag:s23], $0x1  }
0xa3: {  	[sflag:s23] =	ssyncset.done $0x0  }
0xa4: {  	s25 =	simm.s32 $0x1B8E;
	s24 =	sld [smem:$0x3FFE];
	[sflag:s23] =	ssyncadd.s32 $0xFFFFFFFF  }
0xa5: {  	s26 =	simm.s32 $execute0_lowered;
	[smem:$0x3FD2] =	sst s25  }
0xa6: {  	s4 =	sshll.u32 s26, $0x1;
	_ =	strace $0x80000049;
	[dreg:$0x1] =	wrdreg $0xFFFFFFFF  }
0xa7: {  	s28 =	simm.s32 $_size_execute0_lowered;
	s2 =	sadd.s32 s2, s4;
	[dreg:$0x0] =	wrdreg $0x0  }
0xa8: {  	s4 =	sshll.u32 s28, $0x1;
	[dreg:$0x2] =	wrdreg s2  }
0xa9: {  	[dreg:$0x3] =	wrdreg s4  }
0xaa: {  	[dreg:$0x4] =	wrdreg $0xC0  }
0xab: {  	_ =	task [dreg:s6], $0x5FFFF  }
0xac: {  	[dreg:$0x1] =	wrdreg $0xFFFFFFFF  }
0xad: {  	[dreg:$0x0] =	wrdreg $0x60  }
0xae: {  	[dreg:$0x2] =	wrdreg s24  }
0xaf: {  	[dreg:$0x3] =	wrdreg $0x9  }
0xb0: {  	_ =	task.clear_ibuf [dreg:s6], $0x4FFFF;
	_ =	strace $0x90000049  }
0xb1: {  	s29 =	simm.s32 $0x9;
	_ =	strace $0x8000004B  }
0xb2: {  	_ =	swait.ge [sflag:s29], $0x1  }
0xb3: {  	[sflag:s29] =	ssyncadd.s32 $0xFFFFFFFF  }
0xb4: {  	_ =	strace $0x9000004B  }
0xb5: {  	_ =	sfence  }
0xb6: {  	s30 =	sld [smem:$0x0];
	_ =	sdelay $0x2  }
0xb7: {  	s31 =	sshll.u32 s1, $0xD;
	s1 =	sshrl.u32 s1, $0x2  }
0xb8: {  	s3 =	sand.u32 $0x4000, s31;
	s1 =	sadd.s32 s1, s30  }
0xb9: {  	s0 =	sor.u32 s3, s0;
	s1 =	sshll.u32 s1, $0x11  }
0xba: {  	s0 =	sor.u32 s1, s0  }
0xbb: {  	s0 =	sadd.s32 $0x8F2B, s0  }
0xbc: {  	[sflag:s0] =	ssyncadd.remote.s32 $0x1  }
0xbd: {  	_ =	sfence.sel $0xFFFF  }
0xbe: {  	[dreg:$0x0] =	wrdreg $0xFFFFFFFF;
	(pc) =	sbr.abs _section_cstart, $3  }
0xbf: {  	[dreg:$0x1] =	wrdreg $0xFFFFFFFF  }
0xc0: {  	_ =	task.clear_ibuf [dreg:s6], $0x2FFFF;
	_ =	strace $0x9FFFFFFF  }
0xc1: {  	(tm) =	ssettm $0x7FFFFFFF  }
tec
execute0_lowered:
.L_overlay_start_1:
0x0: {  	(tag) =	ssettag $0x1  }
0x1: {  	s1 =	srdreg.scid;
	s0 =	stileid.u32  }
0x2: {  	s15 =	sand.u32 $0x1, s1;
	s28 =	sshll.u32 s0, $0x1  }
0x3: {  	s9 =	sor.u32 s15, s28  }
0x4: {  	s10 =	rddreg [dreg:$0x0];
	s14 =	smul.u32 $0xC40, s9  }
0x5: {  	s2 =	simm.s32 $0x0;
	s1 =	rddreg [dreg:$0x1]  }
0x6: {  	[smem:$0x7FF] =	sst s2;
	s16 =	sadd.s32 $0x28A00, s10;
	s3 =	sshrl.u32 s14, $0x3  }
0x7: {  	_ =	strace $0x8000004A;
	s4 =	sadd.s32 s16, s3;
	s3 =	simm.s32 $0x2  }
0x8: {  	[tilespmem:s2], [sflag:$0x2] =	stream.linear.gather [hbm4b:s4+s2], $0x310, $0x38;
	[tilespmem:$0x18B80] =	vst v63  }
0x9: {  	_ =	swait.ge [sflag:s3], $0x310  }
0xa: {  	s6 =	simm.s32 $0x310;
	s7 =	simm.s32 $0x380;
	[sflag:s3] =	ssyncset.done $0x0  }
0xb: {  	s8 =	simm.s32 $0x1;
	s5 =	sadd.s32 $0x1800, s10;
	[sflag:s3] =	ssyncadd.s32 $0xFFFFFCF0  }
0xc: {  	[tilespmem:s7], [sflag:$0x1] =	stream.indirect.gather [hbm4b:s5+s6], $0x80, s2, s6, $0xb8;
	[tilespmem:$0x18B80] =	vst v63  }
0xd: {  	s9 =	smul.u32 $0xC400, s9;
	_ =	swait.ge [sflag:s8], $0x18800  }
0xe: {  	s17 =	sadd.s32 $0x2BC00, s10;
	[sflag:s8] =	ssyncset.done $0x0  }
0xf: {  	s9 =	sadd.s32 s17, s9;
	[sflag:s8] =	ssyncadd.s32 $0xFFFE7800  }
0x10: {  	[hbm4b:s9+s2] =	stream.linear.scatter [tilespmem:s7], [sflag:$0x2], $0x18800, $0x38;
	[tilespmem:$0x18B80] =	vst v63  }
0x11: {  	s11 =	sadd.s32 $0x310, s14;
	_ =	swait.ge [sflag:s3], $0x18800  }
0x12: {  	s29 =	sshrl.u32 s11, $0x3;
	[sflag:s3] =	ssyncset.done $0x0  }
0x13: {  	s10 =	sadd.s32 s16, s29;
	[sflag:s3] =	ssyncadd.s32 $0xFFFE7800  }
0x14: {  	[tilespmem:s2], [sflag:$0x2] =	stream.linear.gather [hbm4b:s10+s2], $0x310, $0x38;
	[tilespmem:$0x18B80] =	vst v63  }
0x15: {  	_ =	swait.ge [sflag:s3], $0x310  }
0x16: {  	[sflag:s3] =	ssyncset.done $0x0  }
0x17: {  	[sflag:s3] =	ssyncadd.s32 $0xFFFFFCF0  }
0x18: {  	[tilespmem:s7], [sflag:$0x1] =	stream.indirect.gather [hbm4b:s5+s6], $0x80, s2, s6, $0xb8;
	[tilespmem:$0x18B80] =	vst v63  }
0x19: {  	_ =	swait.ge [sflag:s8], $0x18800  }
0x1a: {  	s11 =	sshll.u32 s11, $0x4;
	[sflag:s8] =	ssyncset.done $0x0  }
0x1b: {  	s11 =	sadd.s32 s17, s11;
	[sflag:s8] =	ssyncadd.s32 $0xFFFE7800  }
0x1c: {  	[hbm4b:s11+s2] =	stream.linear.scatter [tilespmem:s7], [sflag:$0x2], $0x18800, $0x38;
	[tilespmem:$0x18B80] =	vst v63  }
0x1d: {  	s13 =	sadd.s32 $0x620, s14;
	_ =	swait.ge [sflag:s3], $0x18800  }
0x1e: {  	s12 =	sshrl.u32 s13, $0x3;
	[sflag:s3] =	ssyncset.done $0x0  }
0x1f: {  	s12 =	sadd.s32 s16, s12;
	[sflag:s3] =	ssyncadd.s32 $0xFFFE7800  }
0x20: {  	[tilespmem:s2], [sflag:$0x2] =	stream.linear.gather [hbm4b:s12+s2], $0x310, $0x38;
	[tilespmem:$0x18B80] =	vst v63  }
0x21: {  	_ =	swait.ge [sflag:s3], $0x310  }
0x22: {  	[sflag:s3] =	ssyncset.done $0x0  }
0x23: {  	[sflag:s3] =	ssyncadd.s32 $0xFFFFFCF0  }
0x24: {  	[tilespmem:s7], [sflag:$0x1] =	stream.indirect.gather [hbm4b:s5+s6], $0x80, s2, s6, $0xb8;
	[tilespmem:$0x18B80] =	vst v63  }
0x25: {  	_ =	swait.ge [sflag:s8], $0x18800  }
0x26: {  	s13 =	sshll.u32 s13, $0x4;
	[sflag:s8] =	ssyncset.done $0x0  }
0x27: {  	s13 =	sadd.s32 s17, s13;
	[sflag:s8] =	ssyncadd.s32 $0xFFFE7800  }
0x28: {  	[hbm4b:s13+s2] =	stream.linear.scatter [tilespmem:s7], [sflag:$0x2], $0x18800, $0x38;
	[tilespmem:$0x18B80] =	vst v63  }
0x29: {  	s18 =	sadd.s32 $0x930, s14;
	_ =	swait.ge [sflag:s3], $0x18800  }
0x2a: {  	s14 =	sshrl.u32 s18, $0x3;
	[sflag:s3] =	ssyncset.done $0x0  }
0x2b: {  	s15 =	ssub.s32 $0x2, s15;
	s14 =	sadd.s32 s16, s14;
	[sflag:s3] =	ssyncadd.s32 $0xFFFE7800  }
0x2c: {  	[tilespmem:s2], [sflag:$0x2] =	stream.linear.gather [hbm4b:s14+s2], $0x310, $0x38;
	[tilespmem:$0x18B80] =	vst v63  }
0x2d: {  	s30 =	sshrl.u32 s15, $0x1;
	_ =	swait.ge [sflag:s3], $0x310  }
0x2e: {  	s16 =	ssub.s32 s15, s30;
	[sflag:s3] =	ssyncset.done $0x0  }
0x2f: {  	s16 =	smax.u32 s16, $0x1;
	[sflag:s3] =	ssyncadd.s32 $0xFFFFFCF0  }
0x30: {  	[tilespmem:s7], [sflag:$0x1] =	stream.indirect.gather [hbm4b:s5+s6], $0x80, s2, s6, $0xb8;
	[tilespmem:$0x18B80] =	vst v63  }
0x31: {  	p0 =	sne.s32 s16, $0x1;
	_ =	swait.ge [sflag:s8], $0x18800  }
.Ltmp0:
0x32: {  	s31 =	sshll.u32 s18, $0x4;
	[sflag:s8] =	ssyncset.done $0x0;
	(pc) =	sbr.rel @!p0 .LBB2_2-.Ltmp0, $4  }
0x33: {  	s15 =	sadd.s32 s17, s31;
	[sflag:s8] =	ssyncadd.s32 $0xFFFE7800  }
0x34: {  	[hbm4b:s15+s2] =	stream.linear.scatter [tilespmem:s7], [sflag:$0x2], $0x18800, $0x38;
	[tilespmem:$0x18B80] =	vst v63  }
0x35: {  	_ =	swait.ge [sflag:s3], $0x18800  }
0x36: {  	s16 =	sadd.s32 $0xFFFFFFFF, s16;
	[sflag:s3] =	ssyncset.done $0x0  }
.LBB2_1:
0x37: {  	p0 =	sne.s32 s16, $0x1;
	s16 =	sadd.s32 $0xFFFFFFFF, s16;
	[sflag:s3] =	ssyncadd.s32 $0xFFFE7800  }
0x38: {  	[tilespmem:s2], [sflag:$0x2] =	stream.linear.gather [hbm4b:s4+s2], $0x310, $0x38;
	[tilespmem:$0x18B80] =	vst v63  }
0x39: {  	_ =	swait.ge [sflag:s3], $0x310  }
0x3a: {  	[sflag:s3] =	ssyncset.done $0x0  }
0x3b: {  	[sflag:s3] =	ssyncadd.s32 $0xFFFFFCF0  }
0x3c: {  	[tilespmem:s7], [sflag:$0x1] =	stream.indirect.gather [hbm4b:s5+s6], $0x80, s2, s6, $0xb8;
	[tilespmem:$0x18B80] =	vst v63  }
0x3d: {  	_ =	swait.ge [sflag:s8], $0x18800  }
0x3e: {  	[sflag:s8] =	ssyncset.done $0x0  }
0x3f: {  	[sflag:s8] =	ssyncadd.s32 $0xFFFE7800  }
0x40: {  	[hbm4b:s9+s2] =	stream.linear.scatter [tilespmem:s7], [sflag:$0x2], $0x18800, $0x38;
	[tilespmem:$0x18B80] =	vst v63  }
0x41: {  	_ =	swait.ge [sflag:s3], $0x18800  }
0x42: {  	[sflag:s3] =	ssyncset.done $0x0  }
0x43: {  	[sflag:s3] =	ssyncadd.s32 $0xFFFE7800  }
0x44: {  	[tilespmem:s2], [sflag:$0x2] =	stream.linear.gather [hbm4b:s10+s2], $0x310, $0x38;
	[tilespmem:$0x18B80] =	vst v63  }
0x45: {  	_ =	swait.ge [sflag:s3], $0x310  }
0x46: {  	[sflag:s3] =	ssyncset.done $0x0  }
0x47: {  	[sflag:s3] =	ssyncadd.s32 $0xFFFFFCF0  }
0x48: {  	[tilespmem:s7], [sflag:$0x1] =	stream.indirect.gather [hbm4b:s5+s6], $0x80, s2, s6, $0xb8;
	[tilespmem:$0x18B80] =	vst v63  }
0x49: {  	_ =	swait.ge [sflag:s8], $0x18800  }
0x4a: {  	[sflag:s8] =	ssyncset.done $0x0  }
0x4b: {  	[sflag:s8] =	ssyncadd.s32 $0xFFFE7800  }
0x4c: {  	[hbm4b:s11+s2] =	stream.linear.scatter [tilespmem:s7], [sflag:$0x2], $0x18800, $0x38;
	[tilespmem:$0x18B80] =	vst v63  }
0x4d: {  	_ =	swait.ge [sflag:s3], $0x18800  }
0x4e: {  	[sflag:s3] =	ssyncset.done $0x0  }
0x4f: {  	[sflag:s3] =	ssyncadd.s32 $0xFFFE7800  }
0x50: {  	[tilespmem:s2], [sflag:$0x2] =	stream.linear.gather [hbm4b:s12+s2], $0x310, $0x38;
	[tilespmem:$0x18B80] =	vst v63  }
0x51: {  	_ =	swait.ge [sflag:s3], $0x310  }
0x52: {  	[sflag:s3] =	ssyncset.done $0x0  }
0x53: {  	[sflag:s3] =	ssyncadd.s32 $0xFFFFFCF0  }
0x54: {  	[tilespmem:s7], [sflag:$0x1] =	stream.indirect.gather [hbm4b:s5+s6], $0x80, s2, s6, $0xb8;
	[tilespmem:$0x18B80] =	vst v63  }
0x55: {  	_ =	swait.ge [sflag:s8], $0x18800  }
0x56: {  	[sflag:s8] =	ssyncset.done $0x0  }
0x57: {  	[sflag:s8] =	ssyncadd.s32 $0xFFFE7800  }
0x58: {  	[hbm4b:s13+s2] =	stream.linear.scatter [tilespmem:s7], [sflag:$0x2], $0x18800, $0x38;
	[tilespmem:$0x18B80] =	vst v63  }
0x59: {  	_ =	swait.ge [sflag:s3], $0x18800  }
0x5a: {  	[sflag:s3] =	ssyncset.done $0x0  }
0x5b: {  	[sflag:s3] =	ssyncadd.s32 $0xFFFE7800  }
0x5c: {  	[tilespmem:s2], [sflag:$0x2] =	stream.linear.gather [hbm4b:s14+s2], $0x310, $0x38;
	[tilespmem:$0x18B80] =	vst v63  }
0x5d: {  	_ =	swait.ge [sflag:s3], $0x310  }
0x5e: {  	[sflag:s3] =	ssyncset.done $0x0  }
0x5f: {  	[sflag:s3] =	ssyncadd.s32 $0xFFFFFCF0  }
0x60: {  	[tilespmem:s7], [sflag:$0x1] =	stream.indirect.gather [hbm4b:s5+s6], $0x80, s2, s6, $0xb8;
	[tilespmem:$0x18B80] =	vst v63  }
0x61: {  	_ =	swait.ge [sflag:s8], $0x18800  }
.Ltmp1:
0x62: {  	[sflag:s8] =	ssyncset.done $0x0;
	(pc) =	sbr.rel @p0 .LBB2_1-.Ltmp1, $4  }
0x63: {  	[sflag:s8] =	ssyncadd.s32 $0xFFFE7800  }
0x64: {  	[hbm4b:s15+s2] =	stream.linear.scatter [tilespmem:s7], [sflag:$0x2], $0x18800, $0x38;
	[tilespmem:$0x18B80] =	vst v63  }
0x65: {  	_ =	swait.ge [sflag:s3], $0x18800  }
0x66: {  	[sflag:s3] =	ssyncset.done $0x0  }
.LBB2_2:
0x67: {  	[sflag:s3] =	ssyncadd.s32 $0xFFFE7800  }
0x68: {  	_ =	sfence.sel $0x180000  }
0x69: {  	[bflag:$0x0] =	sbarrier.arrive $0xFFFF  }
0x6a: {  	p0 =	sne.s32 s0, $0x0;
	_ =	strace $0x9000004A  }
0x6b: {  	s0 =	sadd.s32 @!p0 $0x100000, s1;
	[bflag:$0x2] =	sbarrier.arrive $0xFFFF  }
0x6c: {  	[sflag:s0] =	ssyncadd.tile.s32 @!p0 $0x1;
	_ =	shalt  }
.Lfunc_end2:
_tile_overlayer_lowered:
.L_overlay_start_2:
0x6d: {  	(tag) =	ssettag $0x2  }
0x6e: {  	s0 =	rddreg [dreg:$0x0];
	s2 =	stileid.u32  }
0x6f: {  	s1 =	rddreg [dreg:$0x1];
	p0 =	sne.s32 s2, $0x0  }
0x70: {  	s3 =	rddreg [dreg:$0x2];
	[bflag:$0x3] =	sbarrier.arrive $0xFFFF;
	s2 =	simm.s32 @!p0 $0x1C02  }
0x71: {  	[timem:s3], [sflag:s2] =	dma.local @!p0 [hbm:s0], s1  }
0x72: {  	s0 =	simm.s32 @!p0 $0x2  }
0x73: {  	_ =	swait.ge @!p0 [sflag:s0], s1  }
0x74: {  	s1 =	ssub.s32 @!p0 $0x0, s1;
	[sflag:s0] =	ssyncset.done @!p0 $0x0  }
0x75: {  	[sflag:s0] =	ssyncadd.s32 @!p0 s1  }
0x76: {  	[bflag:$0x3] =	sbarrier.arrive $0xFFFF  }
0x77: {  	_ =	shalt  }

// kernel: kernel.19.cloned.1.call-start
scs
__scs_entry_jumppad:
0x0: {  	(pc) =	sbr.rel $0x88, $3  }
0x1: {  	(tag) =	ssettag $0x0;
	lr =	simm.s32 $0x1  }
0x2: {  	[smem:$0x3F8C] =	sst lr;
	_ =	strace $0xD0000000  }
0x3: {  	_ = 	snop  }
0x4: {  	_ = 	snop  }
0x5: {  	_ = 	snop  }
0x6: {  	_ = 	snop  }
0x7: {  	_ = 	snop  }
__scs_overlays_trampoline_lowered:
0x8: {  	[smem:$0x3F9B] =	sst s0  }
0x9: {  	[smem:$0x3F9C] =	sst s1  }
0xa: {  	[smem:$0x3F9D] =	sst s2  }
0xb: {  	[smem:$0x3F9E] =	sst s3  }
0xc: {  	[smem:$0x3F9F] =	sst s4  }
0xd: {  	[smem:$0x3FA0] =	sst s5  }
0xe: {  	[smem:$0x3FA1] =	sst s6  }
0xf: {  	[smem:$0x3FA2] =	sst s7  }
0x10: {  	[smem:$0x3FA3] =	sst s8  }
0x11: {  	[smem:$0x3FA4] =	sst s9;
	s0 =	simm.s32 @!p0 $0x0  }
0x12: {  	s1 =	sld [smem:$0x3F8A];
	s0 =	simm.s32 @p0 $0x1  }
0x13: {  	[smem:$0x3FA5] =	sst s0;
	s0 =	simm.s32 @!p1 $0x0  }
0x14: {  	s2 =	sld [smem:$0x3F89];
	s0 =	simm.s32 @p1 $0x1  }
0x15: {  	[smem:$0x3FA6] =	sst s0;
	s0 =	simm.s32 @!p2 $0x0  }
0x16: {  	s3 =	sld [smem:$0x3FDB];
	s0 =	simm.s32 @p2 $0x1  }
0x17: {  	s4 =	simm.s32 $0x1BF5;
	[smem:$0x3FA8] =	sst s0  }
0x18: {  	s0 =	sld [smem:$0x3F8B];
	_ =	swait.ge [sflag:s4], $0x0  }
0x19: {  	s7 =	sld [smem:$0x3F8C]  }
0x1a: {  	s8 =	sadd.s32 $0xFFFFE003, lr  }
0x1b: {  	s9 =	sadd.s32 $0xFFFFFEF7, lr;
	s5 =	simm.s32 $0xFFFFFFFF;
	p2 =	slt.u32 s8, $0xFFFFF086  }
0x1c: {  	p1 =	slt.u32 s9, $0xF7A;
	s5 =	simm.s32 @!p2 $0x0  }
0x1d: {  	s5 =	simm.s32 @p1 $0x1;
	p0 =	seq.s32 s7, s2  }
0x1e: {  	s7 =	smul.u32 @!p0 $0xF7A, s2;
	p2 =	seq.s32 @!p0 s5, $0x0  }
0x1f: {  	s9 =	smul.u32 $0xF7A, s1;
	s8 =	simm.s32 @!p0 $0x1BF5;
	p2 =	por !p2, p0  }
0x20: {  	[sflag:s8] =	ssyncset.s32 @!p0 $0xFFFFF086;
	s6 =	sadd.s32 @!p0 s3, s7;
	s7 =	simm.s32 @!p0 $0x108  }
0x21: {  	s3 =	sadd.s32 s3, s9;
	s6 =	sadd.s32 @!p0 $0x88, s6;
	s7 =	simm.s32 @p2 $0x1082  }
0x22: {  	[simem:s7], [sflag:s8] =	dma.local @!p0 [hbm:s6], $0xF7A  }
0x23: {  	s9 =	sor.u32 $0xD0000000, s2;
	s6 =	simm.s32 $0x108;
	_ =	swait.ge @!p0 [sflag:s8], $0x0  }
0x24: {  	s3 =	sadd.s32 $0x88, s3;
	s6 =	simm.s32 @!p1 $0x1082;
	[sflag:s4] =	ssyncset.s32 $0xFFFFF086  }
0x25: {  	[simem:s6], [sflag:s4] =	dma.local [hbm:s3], $0xF7A  }
0x26: {  	[smem:$0x3F8C] =	sst s1;
	(tag) =	ssettag s2;
	_ =	strace s9  }
0x27: {  	s1 =	sld [smem:$0x3F9C]  }
0x28: {  	s2 =	sld [smem:$0x3F9D]  }
0x29: {  	s4 =	sld [smem:$0x3F9F]  }
0x2a: {  	p0 =	seq.s32 s5, $0x0;
	s5 =	sld [smem:$0x3FA0]  }
0x2b: {  	s6 =	sld [smem:$0x3FA1]  }
0x2c: {  	s7 =	sld [smem:$0x3FA2]  }
0x2d: {  	s3 =	simm.s32 $0x108;
	s8 =	sld [smem:$0x3FA3]  }
0x2e: {  	s3 =	simm.s32 @!p0 $0x1082;
	s9 =	sld [smem:$0x3FA4]  }
0x2f: {  	lr =	sadd.s32 s0, s3;
	s0 =	sld [smem:$0x3F9B]  }
0x30: {  	s3 =	sld [smem:$0x3F9E]  }
0x31: {  	[smem:$0x3FA7] =	sst s10  }
0x32: {  	s10 =	sld [smem:$0x3FA5];
	_ =	sdelay $0x3  }
0x33: {  	p0 =	seq.s32 s10, $0x1;
	s10 =	sld [smem:$0x3FA7];
	_ =	sdelay $0x3  }
0x34: {  	[smem:$0x3FA7] =	sst s10  }
0x35: {  	s10 =	sld [smem:$0x3FA6];
	_ =	sdelay $0x3  }
0x36: {  	p1 =	seq.s32 s10, $0x1;
	s10 =	sld [smem:$0x3FA7];
	_ =	sdelay $0x3  }
0x37: {  	[smem:$0x3FA7] =	sst s10  }
0x38: {  	s10 =	sld [smem:$0x3FA8]  }
0x39: {  	_ = 	snop;
	(pc) =	sbr.ind lr, $3  }
0x3a: {  	_ = 	snop  }
0x3b: {  	_ = 	snop  }
0x3c: {  	p2 =	seq.s32 s10, $0x1;
	s10 =	sld [smem:$0x3FA7]  }
0x3d: {  	_ =	shalt  }
0x3e: {  	_ =	shalt  }
0x3f: {  	_ =	shalt  }
0x40: {  	_ =	shalt  }
0x41: {  	_ =	shalt  }
0x42: {  	_ =	shalt  }
0x43: {  	_ =	shalt  }
0x44: {  	_ =	shalt  }
0x45: {  	_ =	shalt  }
0x46: {  	_ =	shalt  }
0x47: {  	_ =	shalt  }
0x48: {  	_ =	shalt  }
0x49: {  	_ =	shalt  }
0x4a: {  	_ =	shalt  }
0x4b: {  	_ =	shalt  }
0x4c: {  	_ =	shalt  }
0x4d: {  	_ =	shalt  }
0x4e: {  	_ =	shalt  }
0x4f: {  	_ =	shalt  }
0x50: {  	_ =	shalt  }
0x51: {  	_ =	shalt  }
0x52: {  	_ =	shalt  }
0x53: {  	_ =	shalt  }
0x54: {  	_ =	shalt  }
0x55: {  	_ =	shalt  }
0x56: {  	_ =	shalt  }
0x57: {  	_ =	shalt  }
0x58: {  	_ =	shalt  }
0x59: {  	_ =	shalt  }
0x5a: {  	_ =	shalt  }
0x5b: {  	_ =	shalt  }
0x5c: {  	_ =	shalt  }
0x5d: {  	_ =	shalt  }
0x5e: {  	_ =	shalt  }
0x5f: {  	_ =	shalt  }
0x60: {  	_ =	shalt  }
0x61: {  	_ =	shalt  }
0x62: {  	_ =	shalt  }
0x63: {  	_ =	shalt  }
0x64: {  	_ =	shalt  }
0x65: {  	_ =	shalt  }
0x66: {  	_ =	shalt  }
0x67: {  	_ =	shalt  }
0x68: {  	_ =	shalt  }
0x69: {  	_ =	shalt  }
0x6a: {  	_ =	shalt  }
0x6b: {  	_ =	shalt  }
0x6c: {  	_ =	shalt  }
0x6d: {  	_ =	shalt  }
0x6e: {  	_ =	shalt  }
0x6f: {  	_ =	shalt  }
0x70: {  	_ =	shalt  }
0x71: {  	_ =	shalt  }
0x72: {  	_ =	shalt  }
0x73: {  	_ =	shalt  }
0x74: {  	_ =	shalt  }
0x75: {  	_ =	shalt  }
0x76: {  	_ =	shalt  }
0x77: {  	_ =	shalt  }
0x78: {  	_ =	shalt  }
0x79: {  	_ =	shalt  }
0x7a: {  	_ =	shalt  }
0x7b: {  	_ =	shalt  }
0x7c: {  	_ =	shalt  }
0x7d: {  	_ =	shalt  }
0x7e: {  	_ =	shalt  }
0x7f: {  	_ =	shalt  }
0x80: {  	_ =	shalt  }
0x81: {  	_ =	shalt  }
0x82: {  	_ =	shalt  }
0x83: {  	_ =	shalt  }
0x84: {  	_ =	shalt  }
0x85: {  	_ =	shalt  }
0x86: {  	_ =	shalt  }
0x87: {  	_ =	shalt  }
.Lfunc_end0:
.L_simem_size_0:
called_computation.2_lowered:
.L_overlay_start_0:
0x88: {  	s2 =	sld [smem:$0x3FD9]  }
0x89: {  	s3 =	sld [smem:$0x3FFE];
	_ =	sdelay $0x1  }
0x8a: {  	s1 =	srdreg.scid  }
0x8b: {  	s0 =	sand.u32 $0x1, s1  }
0x8c: {  	s16 =	sshll.u32 s0, $0xA;
	s2 =	sadd.s32 s3, s2  }
0x8d: {  	s2 =	sadd.s32 s2, s16  }
0x8e: {  	[smem:$0x3FB3] =	sst s2  }
0x8f: {  	_ = 	snop  }
0x90: {  	(tm) =	ssettm $0x1  }
0x91: {  	s17 =	sld [smem:$0x3FFB];
	_ =	sdelay $0x3  }
0x92: {  	_ =	strace s17  }
0x93: {  	s2 =	sld [smem:$0x3FFC];
	_ =	sdelay $0x3  }
0x94: {  	_ =	strace s2  }
0x95: {  	s2 =	sld [smem:$0x3FFD];
	_ =	sdelay $0x3  }
0x96: {  	_ =	strace s2  }
0x97: {  	_ =	strace $0x8FFFFFFF  }
0x98: {  	s18 =	sld [smem:$0x3FDB];
	_ =	sdelay $0x1  }
0x99: {  	s19 =	simm.s32 $_scs_section_size  }
0x9a: {  	s4 =	simm.s32 $_size__tile_overlayer_lowered;
	s5 =	simm.s32 $_tile_overlayer_lowered  }
0x9b: {  	s22 =	simm.s32 $0x1BFF;
	s21 =	sshll.u32 s5, $0x1;
	s2 =	sadd.s32 s19, s18  }
0x9c: {  	s6 =	simm.s32 $0x0;
	s20 =	sshll.u32 s4, $0x1;
	s4 =	sadd.s32 s21, s2  }
0x9d: {  	[timem:s6], [sflag:s22] =	dma.local [hbm:s4], s20  }
0x9e: {  	_ =	swait.ge [sflag:s22], s20  }
0x9f: {  	s3 =	ssub.s32 $0x0, s20;
	[sflag:s22] =	ssyncset.done $0x0  }
0xa0: {  	[sflag:s22] =	ssyncadd.s32 s3;
	_ =	sdelay $0x1  }
0xa1: {  	s23 =	simm.s32 $0x1B8B  }
0xa2: {  	_ =	swait.ge [sflag:s23], $0x1  }
0xa3: {  	[sflag:s23] =	ssyncset.done $0x0  }
0xa4: {  	s25 =	simm.s32 $0x1B8E;
	s24 =	sld [smem:$0x3FFE];
	[sflag:s23] =	ssyncadd.s32 $0xFFFFFFFF  }
0xa5: {  	s26 =	simm.s32 $execute0_lowered;
	[smem:$0x3FD2] =	sst s25  }
0xa6: {  	s4 =	sshll.u32 s26, $0x1;
	_ =	strace $0x8000004C;
	[dreg:$0x1] =	wrdreg $0xFFFFFFFF  }
0xa7: {  	s28 =	simm.s32 $_size_execute0_lowered;
	s2 =	sadd.s32 s2, s4;
	[dreg:$0x0] =	wrdreg $0x0  }
0xa8: {  	s4 =	sshll.u32 s28, $0x1;
	[dreg:$0x2] =	wrdreg s2  }
0xa9: {  	[dreg:$0x3] =	wrdreg s4  }
0xaa: {  	[dreg:$0x4] =	wrdreg $0xC0  }
0xab: {  	_ =	task [dreg:s6], $0x5FFFF  }
0xac: {  	[dreg:$0x1] =	wrdreg $0xFFFFFFFF  }
0xad: {  	[dreg:$0x0] =	wrdreg $0x60  }
0xae: {  	[dreg:$0x2] =	wrdreg s24  }
0xaf: {  	[dreg:$0x3] =	wrdreg $0x9  }
0xb0: {  	_ =	task.clear_ibuf [dreg:s6], $0x4FFFF;
	_ =	strace $0x9000004C  }
0xb1: {  	s29 =	simm.s32 $0x9;
	_ =	strace $0x8000004E  }
0xb2: {  	_ =	swait.ge [sflag:s29], $0x1  }
0xb3: {  	[sflag:s29] =	ssyncadd.s32 $0xFFFFFFFF  }
0xb4: {  	_ =	strace $0x9000004E  }
0xb5: {  	_ =	sfence  }
0xb6: {  	s30 =	sld [smem:$0x0];
	_ =	sdelay $0x2  }
0xb7: {  	s31 =	sshll.u32 s1, $0xD;
	s1 =	sshrl.u32 s1, $0x2  }
0xb8: {  	s3 =	sand.u32 $0x4000, s31;
	s1 =	sadd.s32 s1, s30  }
0xb9: {  	s0 =	sor.u32 s3, s0;
	s1 =	sshll.u32 s1, $0x11  }
0xba: {  	s0 =	sor.u32 s1, s0  }
0xbb: {  	s0 =	sadd.s32 $0x8F2B, s0  }
0xbc: {  	[sflag:s0] =	ssyncadd.remote.s32 $0x1  }
0xbd: {  	_ =	sfence.sel $0xFFFF  }
0xbe: {  	[dreg:$0x0] =	wrdreg $0xFFFFFFFF;
	(pc) =	sbr.abs _section_cstart, $3  }
0xbf: {  	[dreg:$0x1] =	wrdreg $0xFFFFFFFF  }
0xc0: {  	_ =	task.clear_ibuf [dreg:s6], $0x2FFFF;
	_ =	strace $0x9FFFFFFF  }
0xc1: {  	(tm) =	ssettm $0x7FFFFFFF  }
tec
execute0_lowered:
.L_overlay_start_1:
0x0: {  	(tag) =	ssettag $0x1  }
0x1: {  	s1 =	srdreg.scid;
	s0 =	stileid.u32  }
0x2: {  	s15 =	sand.u32 $0x1, s1;
	s28 =	sshll.u32 s0, $0x1  }
0x3: {  	s9 =	sor.u32 s15, s28  }
0x4: {  	s10 =	rddreg [dreg:$0x0];
	s14 =	smul.u32 $0xC40, s9  }
0x5: {  	s2 =	simm.s32 $0x0;
	s1 =	rddreg [dreg:$0x1]  }
0x6: {  	[smem:$0x7FF] =	sst s2;
	s16 =	sadd.s32 $0x28A00, s10;
	s3 =	sshrl.u32 s14, $0x3  }
0x7: {  	_ =	strace $0x8000004D;
	s4 =	sadd.s32 s16, s3;
	s3 =	simm.s32 $0x2  }
0x8: {  	[tilespmem:s2], [sflag:$0x2] =	stream.linear.gather [hbm4b:s4+s2], $0x310, $0x38;
	[tilespmem:$0x18B80] =	vst v63  }
0x9: {  	_ =	swait.ge [sflag:s3], $0x310  }
0xa: {  	s6 =	simm.s32 $0x310;
	s7 =	simm.s32 $0x380;
	[sflag:s3] =	ssyncset.done $0x0  }
0xb: {  	s8 =	simm.s32 $0x1;
	s5 =	sadd.s32 $0x1800, s10;
	[sflag:s3] =	ssyncadd.s32 $0xFFFFFCF0  }
0xc: {  	[tilespmem:s7], [sflag:$0x1] =	stream.indirect.gather [hbm4b:s5+s6], $0x80, s2, s6, $0xb8;
	[tilespmem:$0x18B80] =	vst v63  }
0xd: {  	s9 =	smul.u32 $0xC400, s9;
	_ =	swait.ge [sflag:s8], $0x18800  }
0xe: {  	s17 =	sadd.s32 $0x2BC00, s10;
	[sflag:s8] =	ssyncset.done $0x0  }
0xf: {  	s9 =	sadd.s32 s17, s9;
	[sflag:s8] =	ssyncadd.s32 $0xFFFE7800  }
0x10: {  	[hbm4b:s9+s2] =	stream.linear.scatter [tilespmem:s7], [sflag:$0x2], $0x18800, $0x38;
	[tilespmem:$0x18B80] =	vst v63  }
0x11: {  	s11 =	sadd.s32 $0x310, s14;
	_ =	swait.ge [sflag:s3], $0x18800  }
0x12: {  	s29 =	sshrl.u32 s11, $0x3;
	[sflag:s3] =	ssyncset.done $0x0  }
0x13: {  	s10 =	sadd.s32 s16, s29;
	[sflag:s3] =	ssyncadd.s32 $0xFFFE7800  }
0x14: {  	[tilespmem:s2], [sflag:$0x2] =	stream.linear.gather [hbm4b:s10+s2], $0x310, $0x38;
	[tilespmem:$0x18B80] =	vst v63  }
0x15: {  	_ =	swait.ge [sflag:s3], $0x310  }
0x16: {  	[sflag:s3] =	ssyncset.done $0x0  }
0x17: {  	[sflag:s3] =	ssyncadd.s32 $0xFFFFFCF0  }
0x18: {  	[tilespmem:s7], [sflag:$0x1] =	stream.indirect.gather [hbm4b:s5+s6], $0x80, s2, s6, $0xb8;
	[tilespmem:$0x18B80] =	vst v63  }
0x19: {  	_ =	swait.ge [sflag:s8], $0x18800  }
0x1a: {  	s11 =	sshll.u32 s11, $0x4;
	[sflag:s8] =	ssyncset.done $0x0  }
0x1b: {  	s11 =	sadd.s32 s17, s11;
	[sflag:s8] =	ssyncadd.s32 $0xFFFE7800  }
0x1c: {  	[hbm4b:s11+s2] =	stream.linear.scatter [tilespmem:s7], [sflag:$0x2], $0x18800, $0x38;
	[tilespmem:$0x18B80] =	vst v63  }
0x1d: {  	s13 =	sadd.s32 $0x620, s14;
	_ =	swait.ge [sflag:s3], $0x18800  }
0x1e: {  	s12 =	sshrl.u32 s13, $0x3;
	[sflag:s3] =	ssyncset.done $0x0  }
0x1f: {  	s12 =	sadd.s32 s16, s12;
	[sflag:s3] =	ssyncadd.s32 $0xFFFE7800  }
0x20: {  	[tilespmem:s2], [sflag:$0x2] =	stream.linear.gather [hbm4b:s12+s2], $0x310, $0x38;
	[tilespmem:$0x18B80] =	vst v63  }
0x21: {  	_ =	swait.ge [sflag:s3], $0x310  }
0x22: {  	[sflag:s3] =	ssyncset.done $0x0  }
0x23: {  	[sflag:s3] =	ssyncadd.s32 $0xFFFFFCF0  }
0x24: {  	[tilespmem:s7], [sflag:$0x1] =	stream.indirect.gather [hbm4b:s5+s6], $0x80, s2, s6, $0xb8;
	[tilespmem:$0x18B80] =	vst v63  }
0x25: {  	_ =	swait.ge [sflag:s8], $0x18800  }
0x26: {  	s13 =	sshll.u32 s13, $0x4;
	[sflag:s8] =	ssyncset.done $0x0  }
0x27: {  	s13 =	sadd.s32 s17, s13;
	[sflag:s8] =	ssyncadd.s32 $0xFFFE7800  }
0x28: {  	[hbm4b:s13+s2] =	stream.linear.scatter [tilespmem:s7], [sflag:$0x2], $0x18800, $0x38;
	[tilespmem:$0x18B80] =	vst v63  }
0x29: {  	s18 =	sadd.s32 $0x930, s14;
	_ =	swait.ge [sflag:s3], $0x18800  }
0x2a: {  	s14 =	sshrl.u32 s18, $0x3;
	[sflag:s3] =	ssyncset.done $0x0  }
0x2b: {  	s15 =	ssub.s32 $0x2, s15;
	s14 =	sadd.s32 s16, s14;
	[sflag:s3] =	ssyncadd.s32 $0xFFFE7800  }
0x2c: {  	[tilespmem:s2], [sflag:$0x2] =	stream.linear.gather [hbm4b:s14+s2], $0x310, $0x38;
	[tilespmem:$0x18B80] =	vst v63  }
0x2d: {  	s30 =	sshrl.u32 s15, $0x1;
	_ =	swait.ge [sflag:s3], $0x310  }
0x2e: {  	s16 =	ssub.s32 s15, s30;
	[sflag:s3] =	ssyncset.done $0x0  }
0x2f: {  	s16 =	smax.u32 s16, $0x1;
	[sflag:s3] =	ssyncadd.s32 $0xFFFFFCF0  }
0x30: {  	[tilespmem:s7], [sflag:$0x1] =	stream.indirect.gather [hbm4b:s5+s6], $0x80, s2, s6, $0xb8;
	[tilespmem:$0x18B80] =	vst v63  }
0x31: {  	p0 =	sne.s32 s16, $0x1;
	_ =	swait.ge [sflag:s8], $0x18800  }
.Ltmp0:
0x32: {  	s31 =	sshll.u32 s18, $0x4;
	[sflag:s8] =	ssyncset.done $0x0;
	(pc) =	sbr.rel @!p0 .LBB2_2-.Ltmp0, $4  }
0x33: {  	s15 =	sadd.s32 s17, s31;
	[sflag:s8] =	ssyncadd.s32 $0xFFFE7800  }
0x34: {  	[hbm4b:s15+s2] =	stream.linear.scatter [tilespmem:s7], [sflag:$0x2], $0x18800, $0x38;
	[tilespmem:$0x18B80] =	vst v63  }
0x35: {  	_ =	swait.ge [sflag:s3], $0x18800  }
0x36: {  	s16 =	sadd.s32 $0xFFFFFFFF, s16;
	[sflag:s3] =	ssyncset.done $0x0  }
.LBB2_1:
0x37: {  	p0 =	sne.s32 s16, $0x1;
	s16 =	sadd.s32 $0xFFFFFFFF, s16;
	[sflag:s3] =	ssyncadd.s32 $0xFFFE7800  }
0x38: {  	[tilespmem:s2], [sflag:$0x2] =	stream.linear.gather [hbm4b:s4+s2], $0x310, $0x38;
	[tilespmem:$0x18B80] =	vst v63  }
0x39: {  	_ =	swait.ge [sflag:s3], $0x310  }
0x3a: {  	[sflag:s3] =	ssyncset.done $0x0  }
0x3b: {  	[sflag:s3] =	ssyncadd.s32 $0xFFFFFCF0  }
0x3c: {  	[tilespmem:s7], [sflag:$0x1] =	stream.indirect.gather [hbm4b:s5+s6], $0x80, s2, s6, $0xb8;
	[tilespmem:$0x18B80] =	vst v63  }
0x3d: {  	_ =	swait.ge [sflag:s8], $0x18800  }
0x3e: {  	[sflag:s8] =	ssyncset.done $0x0  }
0x3f: {  	[sflag:s8] =	ssyncadd.s32 $0xFFFE7800  }
0x40: {  	[hbm4b:s9+s2] =	stream.linear.scatter [tilespmem:s7], [sflag:$0x2], $0x18800, $0x38;
	[tilespmem:$0x18B80] =	vst v63  }
0x41: {  	_ =	swait.ge [sflag:s3], $0x18800  }
0x42: {  	[sflag:s3] =	ssyncset.done $0x0  }
0x43: {  	[sflag:s3] =	ssyncadd.s32 $0xFFFE7800  }
0x44: {  	[tilespmem:s2], [sflag:$0x2] =	stream.linear.gather [hbm4b:s10+s2], $0x310, $0x38;
	[tilespmem:$0x18B80] =	vst v63  }
0x45: {  	_ =	swait.ge [sflag:s3], $0x310  }
0x46: {  	[sflag:s3] =	ssyncset.done $0x0  }
0x47: {  	[sflag:s3] =	ssyncadd.s32 $0xFFFFFCF0  }
0x48: {  	[tilespmem:s7], [sflag:$0x1] =	stream.indirect.gather [hbm4b:s5+s6], $0x80, s2, s6, $0xb8;
	[tilespmem:$0x18B80] =	vst v63  }
0x49: {  	_ =	swait.ge [sflag:s8], $0x18800  }
0x4a: {  	[sflag:s8] =	ssyncset.done $0x0  }
0x4b: {  	[sflag:s8] =	ssyncadd.s32 $0xFFFE7800  }
0x4c: {  	[hbm4b:s11+s2] =	stream.linear.scatter [tilespmem:s7], [sflag:$0x2], $0x18800, $0x38;
	[tilespmem:$0x18B80] =	vst v63  }
0x4d: {  	_ =	swait.ge [sflag:s3], $0x18800  }
0x4e: {  	[sflag:s3] =	ssyncset.done $0x0  }
0x4f: {  	[sflag:s3] =	ssyncadd.s32 $0xFFFE7800  }
0x50: {  	[tilespmem:s2], [sflag:$0x2] =	stream.linear.gather [hbm4b:s12+s2], $0x310, $0x38;
	[tilespmem:$0x18B80] =	vst v63  }
0x51: {  	_ =	swait.ge [sflag:s3], $0x310  }
0x52: {  	[sflag:s3] =	ssyncset.done $0x0  }
0x53: {  	[sflag:s3] =	ssyncadd.s32 $0xFFFFFCF0  }
0x54: {  	[tilespmem:s7], [sflag:$0x1] =	stream.indirect.gather [hbm4b:s5+s6], $0x80, s2, s6, $0xb8;
	[tilespmem:$0x18B80] =	vst v63  }
0x55: {  	_ =	swait.ge [sflag:s8], $0x18800  }
0x56: {  	[sflag:s8] =	ssyncset.done $0x0  }
0x57: {  	[sflag:s8] =	ssyncadd.s32 $0xFFFE7800  }
0x58: {  	[hbm4b:s13+s2] =	stream.linear.scatter [tilespmem:s7], [sflag:$0x2], $0x18800, $0x38;
	[tilespmem:$0x18B80] =	vst v63  }
0x59: {  	_ =	swait.ge [sflag:s3], $0x18800  }
0x5a: {  	[sflag:s3] =	ssyncset.done $0x0  }
0x5b: {  	[sflag:s3] =	ssyncadd.s32 $0xFFFE7800  }
0x5c: {  	[tilespmem:s2], [sflag:$0x2] =	stream.linear.gather [hbm4b:s14+s2], $0x310, $0x38;
	[tilespmem:$0x18B80] =	vst v63  }
0x5d: {  	_ =	swait.ge [sflag:s3], $0x310  }
0x5e: {  	[sflag:s3] =	ssyncset.done $0x0  }
0x5f: {  	[sflag:s3] =	ssyncadd.s32 $0xFFFFFCF0  }
0x60: {  	[tilespmem:s7], [sflag:$0x1] =	stream.indirect.gather [hbm4b:s5+s6], $0x80, s2, s6, $0xb8;
	[tilespmem:$0x18B80] =	vst v63  }
0x61: {  	_ =	swait.ge [sflag:s8], $0x18800  }
.Ltmp1:
0x62: {  	[sflag:s8] =	ssyncset.done $0x0;
	(pc) =	sbr.rel @p0 .LBB2_1-.Ltmp1, $4  }
0x63: {  	[sflag:s8] =	ssyncadd.s32 $0xFFFE7800  }
0x64: {  	[hbm4b:s15+s2] =	stream.linear.scatter [tilespmem:s7], [sflag:$0x2], $0x18800, $0x38;
	[tilespmem:$0x18B80] =	vst v63  }
0x65: {  	_ =	swait.ge [sflag:s3], $0x18800  }
0x66: {  	[sflag:s3] =	ssyncset.done $0x0  }
.LBB2_2:
0x67: {  	[sflag:s3] =	ssyncadd.s32 $0xFFFE7800  }
0x68: {  	_ =	sfence.sel $0x180000  }
0x69: {  	[bflag:$0x0] =	sbarrier.arrive $0xFFFF  }
0x6a: {  	p0 =	sne.s32 s0, $0x0;
	_ =	strace $0x9000004D  }
0x6b: {  	s0 =	sadd.s32 @!p0 $0x100000, s1;
	[bflag:$0x2] =	sbarrier.arrive $0xFFFF  }
0x6c: {  	[sflag:s0] =	ssyncadd.tile.s32 @!p0 $0x1;
	_ =	shalt  }
.Lfunc_end2:
_tile_overlayer_lowered:
.L_overlay_start_2:
0x6d: {  	(tag) =	ssettag $0x2  }
0x6e: {  	s0 =	rddreg [dreg:$0x0];
	s2 =	stileid.u32  }
0x6f: {  	s1 =	rddreg [dreg:$0x1];
	p0 =	sne.s32 s2, $0x0  }
0x70: {  	s3 =	rddreg [dreg:$0x2];
	[bflag:$0x3] =	sbarrier.arrive $0xFFFF;
	s2 =	simm.s32 @!p0 $0x1C02  }
0x71: {  	[timem:s3], [sflag:s2] =	dma.local @!p0 [hbm:s0], s1  }
0x72: {  	s0 =	simm.s32 @!p0 $0x2  }
0x73: {  	_ =	swait.ge @!p0 [sflag:s0], s1  }
0x74: {  	s1 =	ssub.s32 @!p0 $0x0, s1;
	[sflag:s0] =	ssyncset.done @!p0 $0x0  }
0x75: {  	[sflag:s0] =	ssyncadd.s32 @!p0 s1  }
0x76: {  	[bflag:$0x3] =	sbarrier.arrive $0xFFFF  }
0x77: {  	_ =	shalt  }

</sc_bundles>
